<compile_context>
chip_gen: v7x
topology: tpu7x:2x2x1
jax: 0.10.2.dev20260603
libtpu: 0.0.44.dev20260713+nightly
codegen_flags: <defaults>
</compile_context>

<pallas_src>
import functools

import jax
import jax.numpy as jnp
from jax import lax
from jax.experimental import pallas as pl
from jax.experimental.pallas import tpu as pltpu
from jax.experimental.pallas import tpu_sc as plsc

N = 10000
E = 320000
D = 128
L = 4
C = 10

try:
    _info = plsc.get_sparse_core_info()
    NC = _info.num_cores
    NS = _info.num_subcores
except Exception:
    NC, NS = 2, 16
NW = NC * NS
EPW = E // NW
CH = 80
NCHUNK = EPW // CH
NBUF = 3
NQUAD = NCHUNK // NBUF
NP = 10240
RPS = NP // NS

@functools.cache
def _make_sc_agg():
    mesh = plsc.VectorSubcoreMesh(core_axis_name="c", subcore_axis_name="s")

    @functools.partial(
        pl.kernel,
        out_type=jax.ShapeDtypeStruct((NC, NP, D), jnp.float32),
        mesh=mesh,
        scratch_types=(
            [pltpu.VMEM((EPW,), jnp.int32)]
            + [pltpu.VMEM((CH,), jnp.int32)] * NBUF
            + [pltpu.VMEM((CH, D), jnp.float32)] * NBUF
            + [pltpu.VMEM_SHARED((NP, D), jnp.float32)]
            + [pltpu.SemaphoreType.DMA] * (3 * NBUF)
        ),
    )
    def _sc_agg(x_hbm, src_hbm, dst_hbm, zero_hbm, out_hbm, src_sl, *rest):
        dstv = rest[0:NBUF]
        rows = rest[NBUF:2 * NBUF]
        acc = rest[2 * NBUF]
        sd = rest[2 * NBUF + 1:2 * NBUF + 1 + NBUF]
        sg = rest[2 * NBUF + 1 + NBUF:2 * NBUF + 1 + 2 * NBUF]
        ss = rest[2 * NBUF + 1 + 2 * NBUF:2 * NBUF + 1 + 3 * NBUF]
        c = lax.axis_index("c")
        s = lax.axis_index("s")
        wid = s * NC + c
        ebase = wid * EPW

        def load_dst(i, j):
            pltpu.async_copy(dst_hbm.at[pl.ds(ebase + i * CH, CH)],
                             dstv[j], sd[j])

        def wait_dst(j):
            pltpu.make_async_copy(dst_hbm.at[pl.ds(0, CH)],
                                  dstv[j], sd[j]).wait()

        def gather(i, j):
            pltpu.async_copy(x_hbm.at[src_sl.at[pl.ds(i * CH, CH)]],
                             rows[j], sg[j])

        def wait_gather(j):
            pltpu.make_async_copy(x_hbm.at[src_sl.at[pl.ds(0, CH)]],
                                  rows[j], sg[j]).wait()

        def scatter(j):
            pltpu.async_copy(rows[j], acc.at[dstv[j]], ss[j], add=True)

        def wait_scatter(j):
            pltpu.make_async_copy(rows[j], acc.at[dstv[j]], ss[j]).wait()

        pltpu.sync_copy(src_hbm.at[pl.ds(ebase, EPW)], src_sl)
        for j in range(NBUF):
            load_dst(j, j)
            gather(j, j)
        pltpu.sync_copy(zero_hbm, acc.at[pl.ds(s * RPS, RPS)])
        plsc.subcore_barrier()

        def body(k, carry):
            for j in range(NBUF):
                wait_gather(j)
                wait_dst(j)
                scatter(j)
            for j in range(NBUF):
                @pl.when(k < NQUAD - 1)
                def _():
                    wait_scatter(j)
                    load_dst(NBUF * k + NBUF + j, j)
                    gather(NBUF * k + NBUF + j, j)
            return carry

        lax.fori_loop(0, NQUAD, body, 0)
        for j in range(NBUF):
            wait_scatter(j)
        for i in range(NBUF * NQUAD, NCHUNK):
            load_dst(i, 0)
            gather(i, 0)
            wait_dst(0)
            wait_gather(0)
            scatter(0)
            wait_scatter(0)
        plsc.subcore_barrier()
        pltpu.sync_copy(acc.at[pl.ds(s * RPS, RPS)],
                        out_hbm.at[c, pl.ds(s * RPS, RPS)])

    return _sc_agg


_PREC = None


def _layer_math(x, agg, eps_s, W, b, gamma, beta):
    z = (1.0 + eps_s) * x + agg
    z = lax.dot(z, W, precision=_PREC, preferred_element_type=jnp.float32) + b
    mean = jnp.mean(z, axis=0, keepdims=True)
    var = jnp.mean((z - mean) ** 2, axis=0, keepdims=True)
    zn = (z - mean) * lax.rsqrt(var + 1e-5)
    return jnp.maximum(gamma * zn + beta, 0.0)


def _tc_layer0_body(x_ref, parts_ref, W_ref, b_ref, eps_ref, gamma_ref,
                    beta_ref, Wp0_ref, bp0_ref, Wp1_ref, bp1_ref,
                    x_out_ref, score_out_ref):
    x = x_ref[...]
    agg = parts_ref[0, :N, :] + parts_ref[1, :N, :]
    xn = _layer_math(x, agg, eps_ref[0, 0], W_ref[...], b_ref[...],
                     gamma_ref[...], beta_ref[...])
    x_out_ref[...] = xn
    score = lax.dot(x, Wp0_ref[...], precision=_PREC,
                    preferred_element_type=jnp.float32) + bp0_ref[...]
    score += lax.dot(xn, Wp1_ref[...], precision=_PREC,
                     preferred_element_type=jnp.float32) + bp1_ref[...]
    score_out_ref[...] = score


def _tc_layer_body(x_ref, parts_ref, W_ref, b_ref, eps_ref, gamma_ref,
                   beta_ref, Wp_ref, bp_ref, score_ref,
                   x_out_ref, score_out_ref):
    x = x_ref[...]
    agg = parts_ref[0, :N, :] + parts_ref[1, :N, :]
    xn = _layer_math(x, agg, eps_ref[0, 0], W_ref[...], b_ref[...],
                     gamma_ref[...], beta_ref[...])
    x_out_ref[...] = xn
    score_out_ref[...] = score_ref[...] + lax.dot(
        xn, Wp_ref[...], precision=_PREC,
        preferred_element_type=jnp.float32) + bp_ref[...]


_OUT_XS = [
    jax.ShapeDtypeStruct((N, D), jnp.float32),
    jax.ShapeDtypeStruct((N, C), jnp.float32),
]

_TC_PARAMS = pltpu.CompilerParams(vmem_limit_bytes=100 * 1024 * 1024)
_tc_layer0 = pl.pallas_call(_tc_layer0_body, out_shape=_OUT_XS,
                            compiler_params=_TC_PARAMS)
_tc_layer = pl.pallas_call(_tc_layer_body, out_shape=_OUT_XS,
                           compiler_params=_TC_PARAMS)


def kernel(h, edge_index, e, W, b, eps, gamma, beta, Wp, bp):
    del e
    src = edge_index[0]
    dst = edge_index[1]
    zblk = jnp.zeros((RPS, D), jnp.float32)
    eps2 = eps.reshape(L, 1, 1)
    b2 = b.reshape(L, 1, D)
    gamma2 = gamma.reshape(L, 1, D)
    beta2 = beta.reshape(L, 1, D)
    bp2 = bp.reshape(L + 1, 1, C)

    sc_agg = _make_sc_agg()
    x = h
    score = None
    for i in range(L):
        parts = sc_agg(x, src, dst, zblk)
        if i == 0:
            x, score = _tc_layer0(x, parts, W[0], b2[0], eps2[0], gamma2[0],
                                  beta2[0], Wp[0], bp2[0], Wp[1], bp2[1])
        else:
            x, score = _tc_layer(x, parts, W[i], b2[i], eps2[i], gamma2[i],
                                 beta2[i], Wp[i + 1], bp2[i + 1], score)
    return score

# --- scband reference (transcript-rebuilt; emitter-appended) ---
"""Pipeline reference for scband-activation-ginnet-8418135900204 (READ-ONLY COPY).

The authoritative reference and input builder live on the scoring server;
editing this copy changes nothing except your own understanding.
"""

import jax, jax.numpy as jnp
import numpy as np

N = 10000
E = 320000
D = 128
DE = 4
L = 4
C = 10


def setup_inputs(seed: int = 0) -> dict:
    key = jax.random.key(seed)
    ks = jax.random.split(key, 8)
    h = jax.random.normal(ks[0], (N, D), dtype=jnp.float32)
    edge_index = jax.random.randint(ks[1], (2, E), 0, N, dtype=jnp.int32)
    e = jax.random.normal(ks[2], (E, DE), dtype=jnp.float32)
    # GIN layer parameters (apply_func Linear + BatchNorm + learnable eps)
    W = jax.random.normal(ks[3], (L, D, D), dtype=jnp.float32) * 0.05
    b = jnp.zeros((L, D), dtype=jnp.float32)
    eps = jnp.zeros((L,), dtype=jnp.float32)
    gamma = jnp.ones((L, D), dtype=jnp.float32)
    beta = jnp.zeros((L, D), dtype=jnp.float32)
    # per-layer linear prediction heads (L+1 of them, summed over layers)
    Wp = jax.random.normal(ks[4], (L + 1, D, C), dtype=jnp.float32) * 0.05
    bp = jnp.zeros((L + 1, C), dtype=jnp.float32)
    return {"h": h, "edge_index": edge_index, "e": e, "W": W, "b": b,
            "eps": eps, "gamma": gamma, "beta": beta, "Wp": Wp, "bp": bp}


def _gin_layer(x, src, dst, eps_i, W_i, b_i, gamma_i, beta_i):
    # neighbor sum aggregation: messages gathered from src, scatter-added at dst
    agg = jax.ops.segment_sum(x[src], dst, num_segments=x.shape[0])
    z = (1.0 + eps_i) * x + agg
    z = z @ W_i + b_i
    # batch norm over node dimension
    mean = jnp.mean(z, axis=0)
    var = jnp.var(z, axis=0)
    z = (z - mean) / jnp.sqrt(var + 1e-5)
    z = gamma_i * z + beta_i
    return jax.nn.relu(z)


def reference(h, edge_index, e, W, b, eps, gamma, beta, Wp, bp):
    # e (edge features) unused by GIN forward, matching the torch module
    src = edge_index[0]
    dst = edge_index[1]
    # in_feat_dropout with p=0.0 -> identity
    x = h
    hidden_rep = [x]
    for i in range(L):
        x = _gin_layer(x, src, dst, eps[i], W[i], b[i], gamma[i], beta[i])
        hidden_rep.append(x)
    score_over_layer = jnp.zeros((h.shape[0], C), dtype=jnp.float32)
    for i, hr in enumerate(hidden_rep):
        score_over_layer = score_over_layer + hr @ Wp[i] + bp[i]
    return score_over_layer

if __name__ == "__main__":
    import jax
    _d = setup_inputs()
    print(jax.jit(kernel)(*tuple(_d.values())))

</pallas_src>

<mosaic_0001>
#map = affine_map<(d0, d1) -> (0, 0)>
#map1 = affine_map<(d0, d1) -> (0)>
#map2 = affine_map<(d0, d1) -> (0, 0, 0)>
module attributes {stable_mosaic.version = 14 : i64} {
  func.func @_sc_agg(%arg0: i32, %arg1: i32, %arg2: memref<10000x128xf32, #tpu.memory_space<hbm>>, %arg3: memref<320000xi32, #tpu.memory_space<hbm>>, %arg4: memref<320000xi32, #tpu.memory_space<hbm>>, %arg5: memref<640x128xf32, #tpu.memory_space<hbm>>, %arg6: memref<2x10240x128xf32, #tpu.memory_space<hbm>>, %arg7: memref<10000xi32, #tpu.memory_space<vmem>>, %arg8: memref<80xi32, #tpu.memory_space<vmem>>, %arg9: memref<80xi32, #tpu.memory_space<vmem>>, %arg10: memref<80xi32, #tpu.memory_space<vmem>>, %arg11: memref<80x128xf32, #tpu.memory_space<vmem>>, %arg12: memref<80x128xf32, #tpu.memory_space<vmem>>, %arg13: memref<80x128xf32, #tpu.memory_space<vmem>>, %arg14: memref<10240x128xf32, #tpu.memory_space<vmem_shared>>, %arg15: memref<!tpu.dma_semaphore, #tpu.memory_space<semaphore_mem>>, %arg16: memref<!tpu.dma_semaphore, #tpu.memory_space<semaphore_mem>>, %arg17: memref<!tpu.dma_semaphore, #tpu.memory_space<semaphore_mem>>, %arg18: memref<!tpu.dma_semaphore, #tpu.memory_space<semaphore_mem>>, %arg19: memref<!tpu.dma_semaphore, #tpu.memory_space<semaphore_mem>>, %arg20: memref<!tpu.dma_semaphore, #tpu.memory_space<semaphore_mem>>, %arg21: memref<!tpu.dma_semaphore, #tpu.memory_space<semaphore_mem>>, %arg22: memref<!tpu.dma_semaphore, #tpu.memory_space<semaphore_mem>>, %arg23: memref<!tpu.dma_semaphore, #tpu.memory_space<semaphore_mem>>) attributes {dimension_semantics = [#tpu.dimension_semantics<core_parallel>, #tpu.dimension_semantics<subcore_parallel>], iteration_bounds = array<i64: 2, 16>, scalar_prefetch = 0 : i64, scratch_operands = 17 : i64, tpu.core_type = #tpu.core_type<sc_vector_subcore>, window_params = [{transform_indices = #map}, {transform_indices = #map1}, {transform_indices = #map1}, {transform_indices = #map}, {transform_indices = #map2}]} {
    %mul3A = arith.constant 2 : i32
    %mul3A_0 = arith.muli %arg1, %mul3A : i32
    %add3A = arith.addi %mul3A_0, %arg0 : i32
    %mul3A_1 = arith.constant 10000 : i32
    %mul3A_2 = arith.muli %add3A, %mul3A_1 : i32
    "tpu.region"() ({
      %run_scoped3A = tpu.sem_alloc : memref<!tpu.dma_semaphore, #tpu.memory_space<semaphore_mem>>
      %dma_start3A_97 = tpu.memref_slice %arg3[%mul3A_2] : memref<320000xi32, #tpu.memory_space<hbm>> -> memref<10000xi32, #tpu.memory_space<hbm>>
      %dma_start3A_98 = tpu.memref_slice %arg3[%mul3A_2] : memref<320000xi32, #tpu.memory_space<hbm>> -> memref<10000xi32, #tpu.memory_space<hbm>>
      tpu.enqueue_dma source(%dma_start3A_98 : memref<10000xi32, #tpu.memory_space<hbm>>) target(%arg7 : memref<10000xi32, #tpu.memory_space<vmem>>) target_semaphore(%run_scoped3A : memref<!tpu.dma_semaphore, #tpu.memory_space<semaphore_mem>>)
      %dma_wait3A_99 = tpu.memref_slice %arg3[%mul3A_2] : memref<320000xi32, #tpu.memory_space<hbm>> -> memref<10000xi32, #tpu.memory_space<hbm>>
      %dma_wait3A_100 = tpu.memref_slice %arg3[%mul3A_2] : memref<320000xi32, #tpu.memory_space<hbm>> -> memref<10000xi32, #tpu.memory_space<hbm>>
      tpu.wait_dma2 semaphore(%run_scoped3A : memref<!tpu.dma_semaphore, #tpu.memory_space<semaphore_mem>>) src(%dma_wait3A_100 : memref<10000xi32, #tpu.memory_space<hbm>>) dst(%arg7 : memref<10000xi32, #tpu.memory_space<vmem>>)
      tpu.yield
    }) : () -> ()
    %add3A_3 = arith.constant 0 : i32
    %add3A_4 = arith.addi %mul3A_2, %add3A_3 : i32
    %dma_start3A = tpu.memref_slice %arg4[%add3A_4] : memref<320000xi32, #tpu.memory_space<hbm>> -> memref<80xi32, #tpu.memory_space<hbm>>
    %dma_start3A_5 = tpu.memref_slice %arg4[%add3A_4] : memref<320000xi32, #tpu.memory_space<hbm>> -> memref<80xi32, #tpu.memory_space<hbm>>
    tpu.enqueue_dma source(%dma_start3A_5 : memref<80xi32, #tpu.memory_space<hbm>>) target(%arg8 : memref<80xi32, #tpu.memory_space<vmem>>) target_semaphore(%arg15 : memref<!tpu.dma_semaphore, #tpu.memory_space<semaphore_mem>>)
    %dma_start3A_6 = arith.constant 0 : i32
    %dma_start3A_7 = tpu.memref_slice %arg7[%dma_start3A_6] : memref<10000xi32, #tpu.memory_space<vmem>> -> memref<80xi32, #tpu.memory_space<vmem>>
    %dma_start3A_8 = arith.constant 0 : i32
    %dma_start3A_9 = arith.constant 0 : i32
    %dma_start3A_10 = tpu.memref_slice %arg2[%dma_start3A_8, %dma_start3A_9] : memref<10000x128xf32, #tpu.memory_space<hbm>> -> memref<10000x128xf32, #tpu.memory_space<hbm>>
    tpu.enqueue_indirect_dma source(%dma_start3A_10 : memref<10000x128xf32, #tpu.memory_space<hbm>>) target(%arg11 : memref<80x128xf32, #tpu.memory_space<vmem>>) offsets(%dma_start3A_7 : memref<80xi32, #tpu.memory_space<vmem>>) semaphore(%arg18 : memref<!tpu.dma_semaphore, #tpu.memory_space<semaphore_mem>>)
    %add3A_11 = arith.constant 80 : i32
    %add3A_12 = arith.addi %mul3A_2, %add3A_11 : i32
    %dma_start3A_13 = tpu.memref_slice %arg4[%add3A_12] : memref<320000xi32, #tpu.memory_space<hbm>> -> memref<80xi32, #tpu.memory_space<hbm>>
    %dma_start3A_14 = tpu.memref_slice %arg4[%add3A_12] : memref<320000xi32, #tpu.memory_space<hbm>> -> memref<80xi32, #tpu.memory_space<hbm>>
    tpu.enqueue_dma source(%dma_start3A_14 : memref<80xi32, #tpu.memory_space<hbm>>) target(%arg9 : memref<80xi32, #tpu.memory_space<vmem>>) target_semaphore(%arg16 : memref<!tpu.dma_semaphore, #tpu.memory_space<semaphore_mem>>)
    %dma_start3A_15 = arith.constant 80 : i32
    %dma_start3A_16 = tpu.memref_slice %arg7[%dma_start3A_15] : memref<10000xi32, #tpu.memory_space<vmem>> -> memref<80xi32, #tpu.memory_space<vmem>>
    %dma_start3A_17 = arith.constant 0 : i32
    %dma_start3A_18 = arith.constant 0 : i32
    %dma_start3A_19 = tpu.memref_slice %arg2[%dma_start3A_17, %dma_start3A_18] : memref<10000x128xf32, #tpu.memory_space<hbm>> -> memref<10000x128xf32, #tpu.memory_space<hbm>>
    tpu.enqueue_indirect_dma source(%dma_start3A_19 : memref<10000x128xf32, #tpu.memory_space<hbm>>) target(%arg12 : memref<80x128xf32, #tpu.memory_space<vmem>>) offsets(%dma_start3A_16 : memref<80xi32, #tpu.memory_space<vmem>>) semaphore(%arg19 : memref<!tpu.dma_semaphore, #tpu.memory_space<semaphore_mem>>)
    %add3A_20 = arith.constant 160 : i32
    %add3A_21 = arith.addi %mul3A_2, %add3A_20 : i32
    %dma_start3A_22 = tpu.memref_slice %arg4[%add3A_21] : memref<320000xi32, #tpu.memory_space<hbm>> -> memref<80xi32, #tpu.memory_space<hbm>>
    %dma_start3A_23 = tpu.memref_slice %arg4[%add3A_21] : memref<320000xi32, #tpu.memory_space<hbm>> -> memref<80xi32, #tpu.memory_space<hbm>>
    tpu.enqueue_dma source(%dma_start3A_23 : memref<80xi32, #tpu.memory_space<hbm>>) target(%arg10 : memref<80xi32, #tpu.memory_space<vmem>>) target_semaphore(%arg17 : memref<!tpu.dma_semaphore, #tpu.memory_space<semaphore_mem>>)
    %dma_start3A_24 = arith.constant 160 : i32
    %dma_start3A_25 = tpu.memref_slice %arg7[%dma_start3A_24] : memref<10000xi32, #tpu.memory_space<vmem>> -> memref<80xi32, #tpu.memory_space<vmem>>
    %dma_start3A_26 = arith.constant 0 : i32
    %dma_start3A_27 = arith.constant 0 : i32
    %dma_start3A_28 = tpu.memref_slice %arg2[%dma_start3A_26, %dma_start3A_27] : memref<10000x128xf32, #tpu.memory_space<hbm>> -> memref<10000x128xf32, #tpu.memory_space<hbm>>
    tpu.enqueue_indirect_dma source(%dma_start3A_28 : memref<10000x128xf32, #tpu.memory_space<hbm>>) target(%arg13 : memref<80x128xf32, #tpu.memory_space<vmem>>) offsets(%dma_start3A_25 : memref<80xi32, #tpu.memory_space<vmem>>) semaphore(%arg20 : memref<!tpu.dma_semaphore, #tpu.memory_space<semaphore_mem>>)
    %mul3A_29 = arith.constant 640 : i32
    %mul3A_30 = arith.muli %arg1, %mul3A_29 : i32
    "tpu.region"() ({
      %run_scoped3A = tpu.sem_alloc : memref<!tpu.dma_semaphore, #tpu.memory_space<semaphore_mem>>
      %dma_start3A_97 = arith.constant 0 : i32
      %dma_start3A_98 = tpu.memref_slice %arg14[%mul3A_30, %dma_start3A_97] : memref<10240x128xf32, #tpu.memory_space<vmem_shared>> -> memref<640x128xf32, #tpu.memory_space<vmem_shared>>
      tpu.enqueue_dma source(%arg5 : memref<640x128xf32, #tpu.memory_space<hbm>>) target(%dma_start3A_98 : memref<640x128xf32, #tpu.memory_space<vmem_shared>>) target_semaphore(%run_scoped3A : memref<!tpu.dma_semaphore, #tpu.memory_space<semaphore_mem>>)
      %dma_wait3A_99 = arith.constant 0 : i32
      %dma_wait3A_100 = tpu.memref_slice %arg14[%mul3A_30, %dma_wait3A_99] : memref<10240x128xf32, #tpu.memory_space<vmem_shared>> -> memref<640x128xf32, #tpu.memory_space<vmem_shared>>
      tpu.wait_dma2 semaphore(%run_scoped3A : memref<!tpu.dma_semaphore, #tpu.memory_space<semaphore_mem>>) src(%arg5 : memref<640x128xf32, #tpu.memory_space<hbm>>) dst(%dma_wait3A_100 : memref<640x128xf32, #tpu.memory_space<vmem_shared>>)
      tpu.yield
    }) : () -> ()
    %barrier3A = arith.constant 0 : index
    tpu.barrier barrier_id(%barrier3A)
    %scan3A = arith.constant 0 : i32
    %scan3A_31 = arith.constant 0 : i32
    %scan3A_32 = arith.constant 41 : i32
    %scan3A_33 = arith.addi %scan3A_31, %scan3A_32 : i32
    %scan3A_34 = arith.constant 1 : i32
    scf.for %scan3A_97 = %scan3A_31 to %scan3A_33 step %scan3A_34  : i32 {
      %dma_wait3A_98 = arith.constant 0 : i32
      %dma_wait3A_99 = tpu.memref_slice %arg7[%dma_wait3A_98] : memref<10000xi32, #tpu.memory_space<vmem>> -> memref<80xi32, #tpu.memory_space<vmem>>
      %dma_wait3A_100 = arith.constant 0 : i32
      %dma_wait3A_101 = arith.constant 0 : i32
      %dma_wait3A_102 = tpu.memref_slice %arg2[%dma_wait3A_100, %dma_wait3A_101] : memref<10000x128xf32, #tpu.memory_space<hbm>> -> memref<10000x128xf32, #tpu.memory_space<hbm>>
      tpu.wait_indirect_dma semaphore(%arg18 : memref<!tpu.dma_semaphore, #tpu.memory_space<semaphore_mem>>) src(%dma_wait3A_102 : memref<10000x128xf32, #tpu.memory_space<hbm>>) dst(%arg11 : memref<80x128xf32, #tpu.memory_space<vmem>>)
      %dma_wait3A_103 = arith.constant 0 : i32
      %dma_wait3A_104 = tpu.memref_slice %arg4[%dma_wait3A_103] : memref<320000xi32, #tpu.memory_space<hbm>> -> memref<80xi32, #tpu.memory_space<hbm>>
      %dma_wait3A_105 = arith.constant 0 : i32
      %dma_wait3A_106 = tpu.memref_slice %arg4[%dma_wait3A_105] : memref<320000xi32, #tpu.memory_space<hbm>> -> memref<80xi32, #tpu.memory_space<hbm>>
      tpu.wait_dma2 semaphore(%arg15 : memref<!tpu.dma_semaphore, #tpu.memory_space<semaphore_mem>>) src(%dma_wait3A_106 : memref<80xi32, #tpu.memory_space<hbm>>) dst(%arg8 : memref<80xi32, #tpu.memory_space<vmem>>)
      %dma_start3A_107 = arith.constant 0 : i32
      %dma_start3A_108 = arith.constant 0 : i32
      %dma_start3A_109 = tpu.memref_slice %arg14[%dma_start3A_107, %dma_start3A_108] : memref<10240x128xf32, #tpu.memory_space<vmem_shared>> -> memref<10240x128xf32, #tpu.memory_space<vmem_shared>>
      tpu.enqueue_indirect_dma source(%arg11 : memref<80x128xf32, #tpu.memory_space<vmem>>) target(%dma_start3A_109 : memref<10240x128xf32, #tpu.memory_space<vmem_shared>>) offsets(%arg8 : memref<80xi32, #tpu.memory_space<vmem>>) semaphore(%arg21 : memref<!tpu.dma_semaphore, #tpu.memory_space<semaphore_mem>>) {add = true}
      %dma_wait3A_110 = arith.constant 0 : i32
      %dma_wait3A_111 = tpu.memref_slice %arg7[%dma_wait3A_110] : memref<10000xi32, #tpu.memory_space<vmem>> -> memref<80xi32, #tpu.memory_space<vmem>>
      %dma_wait3A_112 = arith.constant 0 : i32
      %dma_wait3A_113 = arith.constant 0 : i32
      %dma_wait3A_114 = tpu.memref_slice %arg2[%dma_wait3A_112, %dma_wait3A_113] : memref<10000x128xf32, #tpu.memory_space<hbm>> -> memref<10000x128xf32, #tpu.memory_space<hbm>>
      tpu.wait_indirect_dma semaphore(%arg19 : memref<!tpu.dma_semaphore, #tpu.memory_space<semaphore_mem>>) src(%dma_wait3A_114 : memref<10000x128xf32, #tpu.memory_space<hbm>>) dst(%arg12 : memref<80x128xf32, #tpu.memory_space<vmem>>)
      %dma_wait3A_115 = arith.constant 0 : i32
      %dma_wait3A_116 = tpu.memref_slice %arg4[%dma_wait3A_115] : memref<320000xi32, #tpu.memory_space<hbm>> -> memref<80xi32, #tpu.memory_space<hbm>>
      %dma_wait3A_117 = arith.constant 0 : i32
      %dma_wait3A_118 = tpu.memref_slice %arg4[%dma_wait3A_117] : memref<320000xi32, #tpu.memory_space<hbm>> -> memref<80xi32, #tpu.memory_space<hbm>>
      tpu.wait_dma2 semaphore(%arg16 : memref<!tpu.dma_semaphore, #tpu.memory_space<semaphore_mem>>) src(%dma_wait3A_118 : memref<80xi32, #tpu.memory_space<hbm>>) dst(%arg9 : memref<80xi32, #tpu.memory_space<vmem>>)
      %dma_start3A_119 = arith.constant 0 : i32
      %dma_start3A_120 = arith.constant 0 : i32
      %dma_start3A_121 = tpu.memref_slice %arg14[%dma_start3A_119, %dma_start3A_120] : memref<10240x128xf32, #tpu.memory_space<vmem_shared>> -> memref<10240x128xf32, #tpu.memory_space<vmem_shared>>
      tpu.enqueue_indirect_dma source(%arg12 : memref<80x128xf32, #tpu.memory_space<vmem>>) target(%dma_start3A_121 : memref<10240x128xf32, #tpu.memory_space<vmem_shared>>) offsets(%arg9 : memref<80xi32, #tpu.memory_space<vmem>>) semaphore(%arg22 : memref<!tpu.dma_semaphore, #tpu.memory_space<semaphore_mem>>) {add = true}
      %dma_wait3A_122 = arith.constant 0 : i32
      %dma_wait3A_123 = tpu.memref_slice %arg7[%dma_wait3A_122] : memref<10000xi32, #tpu.memory_space<vmem>> -> memref<80xi32, #tpu.memory_space<vmem>>
      %dma_wait3A_124 = arith.constant 0 : i32
      %dma_wait3A_125 = arith.constant 0 : i32
      %dma_wait3A_126 = tpu.memref_slice %arg2[%dma_wait3A_124, %dma_wait3A_125] : memref<10000x128xf32, #tpu.memory_space<hbm>> -> memref<10000x128xf32, #tpu.memory_space<hbm>>
      tpu.wait_indirect_dma semaphore(%arg20 : memref<!tpu.dma_semaphore, #tpu.memory_space<semaphore_mem>>) src(%dma_wait3A_126 : memref<10000x128xf32, #tpu.memory_space<hbm>>) dst(%arg13 : memref<80x128xf32, #tpu.memory_space<vmem>>)
      %dma_wait3A_127 = arith.constant 0 : i32
      %dma_wait3A_128 = tpu.memref_slice %arg4[%dma_wait3A_127] : memref<320000xi32, #tpu.memory_space<hbm>> -> memref<80xi32, #tpu.memory_space<hbm>>
      %dma_wait3A_129 = arith.constant 0 : i32
      %dma_wait3A_130 = tpu.memref_slice %arg4[%dma_wait3A_129] : memref<320000xi32, #tpu.memory_space<hbm>> -> memref<80xi32, #tpu.memory_space<hbm>>
      tpu.wait_dma2 semaphore(%arg17 : memref<!tpu.dma_semaphore, #tpu.memory_space<semaphore_mem>>) src(%dma_wait3A_130 : memref<80xi32, #tpu.memory_space<hbm>>) dst(%arg10 : memref<80xi32, #tpu.memory_space<vmem>>)
      %dma_start3A_131 = arith.constant 0 : i32
      %dma_start3A_132 = arith.constant 0 : i32
      %dma_start3A_133 = tpu.memref_slice %arg14[%dma_start3A_131, %dma_start3A_132] : memref<10240x128xf32, #tpu.memory_space<vmem_shared>> -> memref<10240x128xf32, #tpu.memory_space<vmem_shared>>
      tpu.enqueue_indirect_dma source(%arg13 : memref<80x128xf32, #tpu.memory_space<vmem>>) target(%dma_start3A_133 : memref<10240x128xf32, #tpu.memory_space<vmem_shared>>) offsets(%arg10 : memref<80xi32, #tpu.memory_space<vmem>>) semaphore(%arg23 : memref<!tpu.dma_semaphore, #tpu.memory_space<semaphore_mem>>) {add = true}
      %lt3A = arith.constant 40 : i32
      %lt3A_134 = arith.cmpi slt, %scan3A_97, %lt3A : i32
      %convert_element_type3A = arith.extui %lt3A_134 : i1 to i32
      %cond3A = arith.constant 0 : i32
      %cond3A_135 = arith.cmpi ne, %convert_element_type3A, %cond3A : i32
      scf.if %cond3A_135 {
        %dma_wait3A_146 = arith.constant 0 : i32
        %dma_wait3A_147 = arith.constant 0 : i32
        %dma_wait3A_148 = tpu.memref_slice %arg14[%dma_wait3A_146, %dma_wait3A_147] : memref<10240x128xf32, #tpu.memory_space<vmem_shared>> -> memref<10240x128xf32, #tpu.memory_space<vmem_shared>>
        tpu.wait_indirect_dma semaphore(%arg21 : memref<!tpu.dma_semaphore, #tpu.memory_space<semaphore_mem>>) src(%arg11 : memref<80x128xf32, #tpu.memory_space<vmem>>) dst(%dma_wait3A_148 : memref<10240x128xf32, #tpu.memory_space<vmem_shared>>)
        %mul3A_149 = arith.constant 3 : i32
        %mul3A_150 = arith.muli %mul3A_149, %scan3A_97 : i32
        %add3A_151 = arith.constant 3 : i32
        %add3A_152 = arith.addi %mul3A_150, %add3A_151 : i32
        %add3A_153 = arith.constant 0 : i32
        %add3A_154 = arith.addi %add3A_152, %add3A_153 : i32
        %mul3A_155 = arith.constant 80 : i32
        %mul3A_156 = arith.muli %add3A_154, %mul3A_155 : i32
        %add3A_157 = arith.addi %mul3A_2, %mul3A_156 : i32
        %dma_start3A_158 = tpu.memref_slice %arg4[%add3A_157] : memref<320000xi32, #tpu.memory_space<hbm>> -> memref<80xi32, #tpu.memory_space<hbm>>
        %dma_start3A_159 = tpu.memref_slice %arg4[%add3A_157] : memref<320000xi32, #tpu.memory_space<hbm>> -> memref<80xi32, #tpu.memory_space<hbm>>
        tpu.enqueue_dma source(%dma_start3A_159 : memref<80xi32, #tpu.memory_space<hbm>>) target(%arg8 : memref<80xi32, #tpu.memory_space<vmem>>) target_semaphore(%arg15 : memref<!tpu.dma_semaphore, #tpu.memory_space<semaphore_mem>>)
        %mul3A_160 = arith.constant 3 : i32
        %mul3A_161 = arith.muli %mul3A_160, %scan3A_97 : i32
        %add3A_162 = arith.constant 3 : i32
        %add3A_163 = arith.addi %mul3A_161, %add3A_162 : i32
        %add3A_164 = arith.constant 0 : i32
        %add3A_165 = arith.addi %add3A_163, %add3A_164 : i32
        %mul3A_166 = arith.constant 80 : i32
        %mul3A_167 = arith.muli %add3A_165, %mul3A_166 : i32
        %dma_start3A_168 = tpu.memref_slice %arg7[%mul3A_167] : memref<10000xi32, #tpu.memory_space<vmem>> -> memref<80xi32, #tpu.memory_space<vmem>>
        %dma_start3A_169 = arith.constant 0 : i32
        %dma_start3A_170 = arith.constant 0 : i32
        %dma_start3A_171 = tpu.memref_slice %arg2[%dma_start3A_169, %dma_start3A_170] : memref<10000x128xf32, #tpu.memory_space<hbm>> -> memref<10000x128xf32, #tpu.memory_space<hbm>>
        tpu.enqueue_indirect_dma source(%dma_start3A_171 : memref<10000x128xf32, #tpu.memory_space<hbm>>) target(%arg11 : memref<80x128xf32, #tpu.memory_space<vmem>>) offsets(%dma_start3A_168 : memref<80xi32, #tpu.memory_space<vmem>>) semaphore(%arg18 : memref<!tpu.dma_semaphore, #tpu.memory_space<semaphore_mem>>)
      } else {
      }
      %lt3A_136 = arith.constant 40 : i32
      %lt3A_137 = arith.cmpi slt, %scan3A_97, %lt3A_136 : i32
      %convert_element_type3A_138 = arith.extui %lt3A_137 : i1 to i32
      %cond3A_139 = arith.constant 0 : i32
      %cond3A_140 = arith.cmpi ne, %convert_element_type3A_138, %cond3A_139 : i32
      scf.if %cond3A_140 {
        %dma_wait3A_146 = arith.constant 0 : i32
        %dma_wait3A_147 = arith.constant 0 : i32
        %dma_wait3A_148 = tpu.memref_slice %arg14[%dma_wait3A_146, %dma_wait3A_147] : memref<10240x128xf32, #tpu.memory_space<vmem_shared>> -> memref<10240x128xf32, #tpu.memory_space<vmem_shared>>
        tpu.wait_indirect_dma semaphore(%arg22 : memref<!tpu.dma_semaphore, #tpu.memory_space<semaphore_mem>>) src(%arg12 : memref<80x128xf32, #tpu.memory_space<vmem>>) dst(%dma_wait3A_148 : memref<10240x128xf32, #tpu.memory_space<vmem_shared>>)
        %mul3A_149 = arith.constant 3 : i32
        %mul3A_150 = arith.muli %mul3A_149, %scan3A_97 : i32
        %add3A_151 = arith.constant 3 : i32
        %add3A_152 = arith.addi %mul3A_150, %add3A_151 : i32
        %add3A_153 = arith.constant 1 : i32
        %add3A_154 = arith.addi %add3A_152, %add3A_153 : i32
        %mul3A_155 = arith.constant 80 : i32
        %mul3A_156 = arith.muli %add3A_154, %mul3A_155 : i32
        %add3A_157 = arith.addi %mul3A_2, %mul3A_156 : i32
        %dma_start3A_158 = tpu.memref_slice %arg4[%add3A_157] : memref<320000xi32, #tpu.memory_space<hbm>> -> memref<80xi32, #tpu.memory_space<hbm>>
        %dma_start3A_159 = tpu.memref_slice %arg4[%add3A_157] : memref<320000xi32, #tpu.memory_space<hbm>> -> memref<80xi32, #tpu.memory_space<hbm>>
        tpu.enqueue_dma source(%dma_start3A_159 : memref<80xi32, #tpu.memory_space<hbm>>) target(%arg9 : memref<80xi32, #tpu.memory_space<vmem>>) target_semaphore(%arg16 : memref<!tpu.dma_semaphore, #tpu.memory_space<semaphore_mem>>)
        %mul3A_160 = arith.constant 3 : i32
        %mul3A_161 = arith.muli %mul3A_160, %scan3A_97 : i32
        %add3A_162 = arith.constant 3 : i32
        %add3A_163 = arith.addi %mul3A_161, %add3A_162 : i32
        %add3A_164 = arith.constant 1 : i32
        %add3A_165 = arith.addi %add3A_163, %add3A_164 : i32
        %mul3A_166 = arith.constant 80 : i32
        %mul3A_167 = arith.muli %add3A_165, %mul3A_166 : i32
        %dma_start3A_168 = tpu.memref_slice %arg7[%mul3A_167] : memref<10000xi32, #tpu.memory_space<vmem>> -> memref<80xi32, #tpu.memory_space<vmem>>
        %dma_start3A_169 = arith.constant 0 : i32
        %dma_start3A_170 = arith.constant 0 : i32
        %dma_start3A_171 = tpu.memref_slice %arg2[%dma_start3A_169, %dma_start3A_170] : memref<10000x128xf32, #tpu.memory_space<hbm>> -> memref<10000x128xf32, #tpu.memory_space<hbm>>
        tpu.enqueue_indirect_dma source(%dma_start3A_171 : memref<10000x128xf32, #tpu.memory_space<hbm>>) target(%arg12 : memref<80x128xf32, #tpu.memory_space<vmem>>) offsets(%dma_start3A_168 : memref<80xi32, #tpu.memory_space<vmem>>) semaphore(%arg19 : memref<!tpu.dma_semaphore, #tpu.memory_space<semaphore_mem>>)
      } else {
      }
      %lt3A_141 = arith.constant 40 : i32
      %lt3A_142 = arith.cmpi slt, %scan3A_97, %lt3A_141 : i32
      %convert_element_type3A_143 = arith.extui %lt3A_142 : i1 to i32
      %cond3A_144 = arith.constant 0 : i32
      %cond3A_145 = arith.cmpi ne, %convert_element_type3A_143, %cond3A_144 : i32
      scf.if %cond3A_145 {
        %dma_wait3A_146 = arith.constant 0 : i32
        %dma_wait3A_147 = arith.constant 0 : i32
        %dma_wait3A_148 = tpu.memref_slice %arg14[%dma_wait3A_146, %dma_wait3A_147] : memref<10240x128xf32, #tpu.memory_space<vmem_shared>> -> memref<10240x128xf32, #tpu.memory_space<vmem_shared>>
        tpu.wait_indirect_dma semaphore(%arg23 : memref<!tpu.dma_semaphore, #tpu.memory_space<semaphore_mem>>) src(%arg13 : memref<80x128xf32, #tpu.memory_space<vmem>>) dst(%dma_wait3A_148 : memref<10240x128xf32, #tpu.memory_space<vmem_shared>>)
        %mul3A_149 = arith.constant 3 : i32
        %mul3A_150 = arith.muli %mul3A_149, %scan3A_97 : i32
        %add3A_151 = arith.constant 3 : i32
        %add3A_152 = arith.addi %mul3A_150, %add3A_151 : i32
        %add3A_153 = arith.constant 2 : i32
        %add3A_154 = arith.addi %add3A_152, %add3A_153 : i32
        %mul3A_155 = arith.constant 80 : i32
        %mul3A_156 = arith.muli %add3A_154, %mul3A_155 : i32
        %add3A_157 = arith.addi %mul3A_2, %mul3A_156 : i32
        %dma_start3A_158 = tpu.memref_slice %arg4[%add3A_157] : memref<320000xi32, #tpu.memory_space<hbm>> -> memref<80xi32, #tpu.memory_space<hbm>>
        %dma_start3A_159 = tpu.memref_slice %arg4[%add3A_157] : memref<320000xi32, #tpu.memory_space<hbm>> -> memref<80xi32, #tpu.memory_space<hbm>>
        tpu.enqueue_dma source(%dma_start3A_159 : memref<80xi32, #tpu.memory_space<hbm>>) target(%arg10 : memref<80xi32, #tpu.memory_space<vmem>>) target_semaphore(%arg17 : memref<!tpu.dma_semaphore, #tpu.memory_space<semaphore_mem>>)
        %mul3A_160 = arith.constant 3 : i32
        %mul3A_161 = arith.muli %mul3A_160, %scan3A_97 : i32
        %add3A_162 = arith.constant 3 : i32
        %add3A_163 = arith.addi %mul3A_161, %add3A_162 : i32
        %add3A_164 = arith.constant 2 : i32
        %add3A_165 = arith.addi %add3A_163, %add3A_164 : i32
        %mul3A_166 = arith.constant 80 : i32
        %mul3A_167 = arith.muli %add3A_165, %mul3A_166 : i32
        %dma_start3A_168 = tpu.memref_slice %arg7[%mul3A_167] : memref<10000xi32, #tpu.memory_space<vmem>> -> memref<80xi32, #tpu.memory_space<vmem>>
        %dma_start3A_169 = arith.constant 0 : i32
        %dma_start3A_170 = arith.constant 0 : i32
        %dma_start3A_171 = tpu.memref_slice %arg2[%dma_start3A_169, %dma_start3A_170] : memref<10000x128xf32, #tpu.memory_space<hbm>> -> memref<10000x128xf32, #tpu.memory_space<hbm>>
        tpu.enqueue_indirect_dma source(%dma_start3A_171 : memref<10000x128xf32, #tpu.memory_space<hbm>>) target(%arg13 : memref<80x128xf32, #tpu.memory_space<vmem>>) offsets(%dma_start3A_168 : memref<80xi32, #tpu.memory_space<vmem>>) semaphore(%arg20 : memref<!tpu.dma_semaphore, #tpu.memory_space<semaphore_mem>>)
      } else {
      }
    }
    %scan3A_35 = arith.constant 41 : i32
    %dma_wait3A = arith.constant 0 : i32
    %dma_wait3A_36 = arith.constant 0 : i32
    %dma_wait3A_37 = tpu.memref_slice %arg14[%dma_wait3A, %dma_wait3A_36] : memref<10240x128xf32, #tpu.memory_space<vmem_shared>> -> memref<10240x128xf32, #tpu.memory_space<vmem_shared>>
    tpu.wait_indirect_dma semaphore(%arg21 : memref<!tpu.dma_semaphore, #tpu.memory_space<semaphore_mem>>) src(%arg11 : memref<80x128xf32, #tpu.memory_space<vmem>>) dst(%dma_wait3A_37 : memref<10240x128xf32, #tpu.memory_space<vmem_shared>>)
    %dma_wait3A_38 = arith.constant 0 : i32
    %dma_wait3A_39 = arith.constant 0 : i32
    %dma_wait3A_40 = tpu.memref_slice %arg14[%dma_wait3A_38, %dma_wait3A_39] : memref<10240x128xf32, #tpu.memory_space<vmem_shared>> -> memref<10240x128xf32, #tpu.memory_space<vmem_shared>>
    tpu.wait_indirect_dma semaphore(%arg22 : memref<!tpu.dma_semaphore, #tpu.memory_space<semaphore_mem>>) src(%arg12 : memref<80x128xf32, #tpu.memory_space<vmem>>) dst(%dma_wait3A_40 : memref<10240x128xf32, #tpu.memory_space<vmem_shared>>)
    %dma_wait3A_41 = arith.constant 0 : i32
    %dma_wait3A_42 = arith.constant 0 : i32
    %dma_wait3A_43 = tpu.memref_slice %arg14[%dma_wait3A_41, %dma_wait3A_42] : memref<10240x128xf32, #tpu.memory_space<vmem_shared>> -> memref<10240x128xf32, #tpu.memory_space<vmem_shared>>
    tpu.wait_indirect_dma semaphore(%arg23 : memref<!tpu.dma_semaphore, #tpu.memory_space<semaphore_mem>>) src(%arg13 : memref<80x128xf32, #tpu.memory_space<vmem>>) dst(%dma_wait3A_43 : memref<10240x128xf32, #tpu.memory_space<vmem_shared>>)
    %add3A_44 = arith.constant 9840 : i32
    %add3A_45 = arith.addi %mul3A_2, %add3A_44 : i32
    %dma_start3A_46 = tpu.memref_slice %arg4[%add3A_45] : memref<320000xi32, #tpu.memory_space<hbm>> -> memref<80xi32, #tpu.memory_space<hbm>>
    %dma_start3A_47 = tpu.memref_slice %arg4[%add3A_45] : memref<320000xi32, #tpu.memory_space<hbm>> -> memref<80xi32, #tpu.memory_space<hbm>>
    tpu.enqueue_dma source(%dma_start3A_47 : memref<80xi32, #tpu.memory_space<hbm>>) target(%arg8 : memref<80xi32, #tpu.memory_space<vmem>>) target_semaphore(%arg15 : memref<!tpu.dma_semaphore, #tpu.memory_space<semaphore_mem>>)
    %dma_start3A_48 = arith.constant 9840 : i32
    %dma_start3A_49 = tpu.memref_slice %arg7[%dma_start3A_48] : memref<10000xi32, #tpu.memory_space<vmem>> -> memref<80xi32, #tpu.memory_space<vmem>>
    %dma_start3A_50 = arith.constant 0 : i32
    %dma_start3A_51 = arith.constant 0 : i32
    %dma_start3A_52 = tpu.memref_slice %arg2[%dma_start3A_50, %dma_start3A_51] : memref<10000x128xf32, #tpu.memory_space<hbm>> -> memref<10000x128xf32, #tpu.memory_space<hbm>>
    tpu.enqueue_indirect_dma source(%dma_start3A_52 : memref<10000x128xf32, #tpu.memory_space<hbm>>) target(%arg11 : memref<80x128xf32, #tpu.memory_space<vmem>>) offsets(%dma_start3A_49 : memref<80xi32, #tpu.memory_space<vmem>>) semaphore(%arg18 : memref<!tpu.dma_semaphore, #tpu.memory_space<semaphore_mem>>)
    %dma_wait3A_53 = arith.constant 0 : i32
    %dma_wait3A_54 = tpu.memref_slice %arg4[%dma_wait3A_53] : memref<320000xi32, #tpu.memory_space<hbm>> -> memref<80xi32, #tpu.memory_space<hbm>>
    %dma_wait3A_55 = arith.constant 0 : i32
    %dma_wait3A_56 = tpu.memref_slice %arg4[%dma_wait3A_55] : memref<320000xi32, #tpu.memory_space<hbm>> -> memref<80xi32, #tpu.memory_space<hbm>>
    tpu.wait_dma2 semaphore(%arg15 : memref<!tpu.dma_semaphore, #tpu.memory_space<semaphore_mem>>) src(%dma_wait3A_56 : memref<80xi32, #tpu.memory_space<hbm>>) dst(%arg8 : memref<80xi32, #tpu.memory_space<vmem>>)
    %dma_wait3A_57 = arith.constant 0 : i32
    %dma_wait3A_58 = tpu.memref_slice %arg7[%dma_wait3A_57] : memref<10000xi32, #tpu.memory_space<vmem>> -> memref<80xi32, #tpu.memory_space<vmem>>
    %dma_wait3A_59 = arith.constant 0 : i32
    %dma_wait3A_60 = arith.constant 0 : i32
    %dma_wait3A_61 = tpu.memref_slice %arg2[%dma_wait3A_59, %dma_wait3A_60] : memref<10000x128xf32, #tpu.memory_space<hbm>> -> memref<10000x128xf32, #tpu.memory_space<hbm>>
    tpu.wait_indirect_dma semaphore(%arg18 : memref<!tpu.dma_semaphore, #tpu.memory_space<semaphore_mem>>) src(%dma_wait3A_61 : memref<10000x128xf32, #tpu.memory_space<hbm>>) dst(%arg11 : memref<80x128xf32, #tpu.memory_space<vmem>>)
    %dma_start3A_62 = arith.constant 0 : i32
    %dma_start3A_63 = arith.constant 0 : i32
    %dma_start3A_64 = tpu.memref_slice %arg14[%dma_start3A_62, %dma_start3A_63] : memref<10240x128xf32, #tpu.memory_space<vmem_shared>> -> memref<10240x128xf32, #tpu.memory_space<vmem_shared>>
    tpu.enqueue_indirect_dma source(%arg11 : memref<80x128xf32, #tpu.memory_space<vmem>>) target(%dma_start3A_64 : memref<10240x128xf32, #tpu.memory_space<vmem_shared>>) offsets(%arg8 : memref<80xi32, #tpu.memory_space<vmem>>) semaphore(%arg21 : memref<!tpu.dma_semaphore, #tpu.memory_space<semaphore_mem>>) {add = true}
    %dma_wait3A_65 = arith.constant 0 : i32
    %dma_wait3A_66 = arith.constant 0 : i32
    %dma_wait3A_67 = tpu.memref_slice %arg14[%dma_wait3A_65, %dma_wait3A_66] : memref<10240x128xf32, #tpu.memory_space<vmem_shared>> -> memref<10240x128xf32, #tpu.memory_space<vmem_shared>>
    tpu.wait_indirect_dma semaphore(%arg21 : memref<!tpu.dma_semaphore, #tpu.memory_space<semaphore_mem>>) src(%arg11 : memref<80x128xf32, #tpu.memory_space<vmem>>) dst(%dma_wait3A_67 : memref<10240x128xf32, #tpu.memory_space<vmem_shared>>)
    %add3A_68 = arith.constant 9920 : i32
    %add3A_69 = arith.addi %mul3A_2, %add3A_68 : i32
    %dma_start3A_70 = tpu.memref_slice %arg4[%add3A_69] : memref<320000xi32, #tpu.memory_space<hbm>> -> memref<80xi32, #tpu.memory_space<hbm>>
    %dma_start3A_71 = tpu.memref_slice %arg4[%add3A_69] : memref<320000xi32, #tpu.memory_space<hbm>> -> memref<80xi32, #tpu.memory_space<hbm>>
    tpu.enqueue_dma source(%dma_start3A_71 : memref<80xi32, #tpu.memory_space<hbm>>) target(%arg8 : memref<80xi32, #tpu.memory_space<vmem>>) target_semaphore(%arg15 : memref<!tpu.dma_semaphore, #tpu.memory_space<semaphore_mem>>)
    %dma_start3A_72 = arith.constant 9920 : i32
    %dma_start3A_73 = tpu.memref_slice %arg7[%dma_start3A_72] : memref<10000xi32, #tpu.memory_space<vmem>> -> memref<80xi32, #tpu.memory_space<vmem>>
    %dma_start3A_74 = arith.constant 0 : i32
    %dma_start3A_75 = arith.constant 0 : i32
    %dma_start3A_76 = tpu.memref_slice %arg2[%dma_start3A_74, %dma_start3A_75] : memref<10000x128xf32, #tpu.memory_space<hbm>> -> memref<10000x128xf32, #tpu.memory_space<hbm>>
    tpu.enqueue_indirect_dma source(%dma_start3A_76 : memref<10000x128xf32, #tpu.memory_space<hbm>>) target(%arg11 : memref<80x128xf32, #tpu.memory_space<vmem>>) offsets(%dma_start3A_73 : memref<80xi32, #tpu.memory_space<vmem>>) semaphore(%arg18 : memref<!tpu.dma_semaphore, #tpu.memory_space<semaphore_mem>>)
    %dma_wait3A_77 = arith.constant 0 : i32
    %dma_wait3A_78 = tpu.memref_slice %arg4[%dma_wait3A_77] : memref<320000xi32, #tpu.memory_space<hbm>> -> memref<80xi32, #tpu.memory_space<hbm>>
    %dma_wait3A_79 = arith.constant 0 : i32
    %dma_wait3A_80 = tpu.memref_slice %arg4[%dma_wait3A_79] : memref<320000xi32, #tpu.memory_space<hbm>> -> memref<80xi32, #tpu.memory_space<hbm>>
    tpu.wait_dma2 semaphore(%arg15 : memref<!tpu.dma_semaphore, #tpu.memory_space<semaphore_mem>>) src(%dma_wait3A_80 : memref<80xi32, #tpu.memory_space<hbm>>) dst(%arg8 : memref<80xi32, #tpu.memory_space<vmem>>)
    %dma_wait3A_81 = arith.constant 0 : i32
    %dma_wait3A_82 = tpu.memref_slice %arg7[%dma_wait3A_81] : memref<10000xi32, #tpu.memory_space<vmem>> -> memref<80xi32, #tpu.memory_space<vmem>>
    %dma_wait3A_83 = arith.constant 0 : i32
    %dma_wait3A_84 = arith.constant 0 : i32
    %dma_wait3A_85 = tpu.memref_slice %arg2[%dma_wait3A_83, %dma_wait3A_84] : memref<10000x128xf32, #tpu.memory_space<hbm>> -> memref<10000x128xf32, #tpu.memory_space<hbm>>
    tpu.wait_indirect_dma semaphore(%arg18 : memref<!tpu.dma_semaphore, #tpu.memory_space<semaphore_mem>>) src(%dma_wait3A_85 : memref<10000x128xf32, #tpu.memory_space<hbm>>) dst(%arg11 : memref<80x128xf32, #tpu.memory_space<vmem>>)
    %dma_start3A_86 = arith.constant 0 : i32
    %dma_start3A_87 = arith.constant 0 : i32
    %dma_start3A_88 = tpu.memref_slice %arg14[%dma_start3A_86, %dma_start3A_87] : memref<10240x128xf32, #tpu.memory_space<vmem_shared>> -> memref<10240x128xf32, #tpu.memory_space<vmem_shared>>
    tpu.enqueue_indirect_dma source(%arg11 : memref<80x128xf32, #tpu.memory_space<vmem>>) target(%dma_start3A_88 : memref<10240x128xf32, #tpu.memory_space<vmem_shared>>) offsets(%arg8 : memref<80xi32, #tpu.memory_space<vmem>>) semaphore(%arg21 : memref<!tpu.dma_semaphore, #tpu.memory_space<semaphore_mem>>) {add = true}
    %dma_wait3A_89 = arith.constant 0 : i32
    %dma_wait3A_90 = arith.constant 0 : i32
    %dma_wait3A_91 = tpu.memref_slice %arg14[%dma_wait3A_89, %dma_wait3A_90] : memref<10240x128xf32, #tpu.memory_space<vmem_shared>> -> memref<10240x128xf32, #tpu.memory_space<vmem_shared>>
    tpu.wait_indirect_dma semaphore(%arg21 : memref<!tpu.dma_semaphore, #tpu.memory_space<semaphore_mem>>) src(%arg11 : memref<80x128xf32, #tpu.memory_space<vmem>>) dst(%dma_wait3A_91 : memref<10240x128xf32, #tpu.memory_space<vmem_shared>>)
    %barrier3A_92 = arith.constant 0 : index
    tpu.barrier barrier_id(%barrier3A_92)
    %mul3A_93 = arith.constant 640 : i32
    %mul3A_94 = arith.muli %arg1, %mul3A_93 : i32
    %mul3A_95 = arith.constant 640 : i32
    %mul3A_96 = arith.muli %arg1, %mul3A_95 : i32
    "tpu.region"() ({
      %run_scoped3A = tpu.sem_alloc : memref<!tpu.dma_semaphore, #tpu.memory_space<semaphore_mem>>
      %dma_start3A_97 = arith.constant 0 : i32
      %dma_start3A_98 = tpu.memref_slice %arg6[%arg0, %mul3A_96, %dma_start3A_97] : memref<2x10240x128xf32, #tpu.memory_space<hbm>> -> memref<1x640x128xf32, #tpu.memory_space<hbm>>
      %dma_start3A_99 = tpu.memref_squeeze %dma_start3A_98 : memref<1x640x128xf32, #tpu.memory_space<hbm>> -> memref<640x128xf32, #tpu.memory_space<hbm>>
      %dma_start3A_100 = arith.constant 0 : i32
      %dma_start3A_101 = tpu.memref_slice %arg14[%mul3A_94, %dma_start3A_100] : memref<10240x128xf32, #tpu.memory_space<vmem_shared>> -> memref<640x128xf32, #tpu.memory_space<vmem_shared>>
      tpu.enqueue_dma source(%dma_start3A_101 : memref<640x128xf32, #tpu.memory_space<vmem_shared>>) target(%dma_start3A_99 : memref<640x128xf32, #tpu.memory_space<hbm>>) target_semaphore(%run_scoped3A : memref<!tpu.dma_semaphore, #tpu.memory_space<semaphore_mem>>)
      %dma_wait3A_102 = arith.constant 0 : i32
      %dma_wait3A_103 = tpu.memref_slice %arg6[%arg0, %mul3A_96, %dma_wait3A_102] : memref<2x10240x128xf32, #tpu.memory_space<hbm>> -> memref<1x640x128xf32, #tpu.memory_space<hbm>>
      %dma_wait3A_104 = tpu.memref_squeeze %dma_wait3A_103 : memref<1x640x128xf32, #tpu.memory_space<hbm>> -> memref<640x128xf32, #tpu.memory_space<hbm>>
      %dma_wait3A_105 = arith.constant 0 : i32
      %dma_wait3A_106 = tpu.memref_slice %arg14[%mul3A_94, %dma_wait3A_105] : memref<10240x128xf32, #tpu.memory_space<vmem_shared>> -> memref<640x128xf32, #tpu.memory_space<vmem_shared>>
      tpu.wait_dma2 semaphore(%run_scoped3A : memref<!tpu.dma_semaphore, #tpu.memory_space<semaphore_mem>>) src(%dma_wait3A_106 : memref<640x128xf32, #tpu.memory_space<vmem_shared>>) dst(%dma_wait3A_104 : memref<640x128xf32, #tpu.memory_space<hbm>>)
      tpu.yield
    }) : () -> ()
    return
  }
}

#map = affine_map<(d0, d1) -> (0, 0)>
#map1 = affine_map<(d0, d1) -> (0)>
#map2 = affine_map<(d0, d1) -> (0, 0, 0)>
module attributes {stable_mosaic.version = 14 : i64} {
  func.func @_sc_agg(%arg0: i32, %arg1: i32, %arg2: memref<10000x128xf32, #tpu.memory_space<hbm>>, %arg3: memref<320000xi32, #tpu.memory_space<hbm>>, %arg4: memref<320000xi32, #tpu.memory_space<hbm>>, %arg5: memref<640x128xf32, #tpu.memory_space<hbm>>, %arg6: memref<2x10240x128xf32, #tpu.memory_space<hbm>>, %arg7: memref<10000xi32, #tpu.memory_space<vmem>>, %arg8: memref<80xi32, #tpu.memory_space<vmem>>, %arg9: memref<80xi32, #tpu.memory_space<vmem>>, %arg10: memref<80xi32, #tpu.memory_space<vmem>>, %arg11: memref<80x128xf32, #tpu.memory_space<vmem>>, %arg12: memref<80x128xf32, #tpu.memory_space<vmem>>, %arg13: memref<80x128xf32, #tpu.memory_space<vmem>>, %arg14: memref<10240x128xf32, #tpu.memory_space<vmem_shared>>, %arg15: memref<!tpu.dma_semaphore, #tpu.memory_space<semaphore_mem>>, %arg16: memref<!tpu.dma_semaphore, #tpu.memory_space<semaphore_mem>>, %arg17: memref<!tpu.dma_semaphore, #tpu.memory_space<semaphore_mem>>, %arg18: memref<!tpu.dma_semaphore, #tpu.memory_space<semaphore_mem>>, %arg19: memref<!tpu.dma_semaphore, #tpu.memory_space<semaphore_mem>>, %arg20: memref<!tpu.dma_semaphore, #tpu.memory_space<semaphore_mem>>, %arg21: memref<!tpu.dma_semaphore, #tpu.memory_space<semaphore_mem>>, %arg22: memref<!tpu.dma_semaphore, #tpu.memory_space<semaphore_mem>>, %arg23: memref<!tpu.dma_semaphore, #tpu.memory_space<semaphore_mem>>) attributes {dimension_semantics = [#tpu.dimension_semantics<core_parallel>, #tpu.dimension_semantics<subcore_parallel>], iteration_bounds = array<i64: 2, 16>, scalar_prefetch = 0 : i64, scratch_operands = 17 : i64, tpu.core_type = #tpu.core_type<sc_vector_subcore>, window_params = [{transform_indices = #map}, {transform_indices = #map1}, {transform_indices = #map1}, {transform_indices = #map}, {transform_indices = #map2}]} {
    %mul3A = arith.constant 2 : i32
    %mul3A_0 = arith.muli %arg1, %mul3A : i32
    %add3A = arith.addi %mul3A_0, %arg0 : i32
    %mul3A_1 = arith.constant 10000 : i32
    %mul3A_2 = arith.muli %add3A, %mul3A_1 : i32
    "tpu.region"() ({
      %run_scoped3A = tpu.sem_alloc : memref<!tpu.dma_semaphore, #tpu.memory_space<semaphore_mem>>
      %dma_start3A_97 = tpu.memref_slice %arg3[%mul3A_2] : memref<320000xi32, #tpu.memory_space<hbm>> -> memref<10000xi32, #tpu.memory_space<hbm>>
      %dma_start3A_98 = tpu.memref_slice %arg3[%mul3A_2] : memref<320000xi32, #tpu.memory_space<hbm>> -> memref<10000xi32, #tpu.memory_space<hbm>>
      tpu.enqueue_dma source(%dma_start3A_98 : memref<10000xi32, #tpu.memory_space<hbm>>) target(%arg7 : memref<10000xi32, #tpu.memory_space<vmem>>) target_semaphore(%run_scoped3A : memref<!tpu.dma_semaphore, #tpu.memory_space<semaphore_mem>>)
      %dma_wait3A_99 = tpu.memref_slice %arg3[%mul3A_2] : memref<320000xi32, #tpu.memory_space<hbm>> -> memref<10000xi32, #tpu.memory_space<hbm>>
      %dma_wait3A_100 = tpu.memref_slice %arg3[%mul3A_2] : memref<320000xi32, #tpu.memory_space<hbm>> -> memref<10000xi32, #tpu.memory_space<hbm>>
      tpu.wait_dma2 semaphore(%run_scoped3A : memref<!tpu.dma_semaphore, #tpu.memory_space<semaphore_mem>>) src(%dma_wait3A_100 : memref<10000xi32, #tpu.memory_space<hbm>>) dst(%arg7 : memref<10000xi32, #tpu.memory_space<vmem>>)
      tpu.yield
    }) : () -> ()
    %add3A_3 = arith.constant 0 : i32
    %add3A_4 = arith.addi %mul3A_2, %add3A_3 : i32
    %dma_start3A = tpu.memref_slice %arg4[%add3A_4] : memref<320000xi32, #tpu.memory_space<hbm>> -> memref<80xi32, #tpu.memory_space<hbm>>
    %dma_start3A_5 = tpu.memref_slice %arg4[%add3A_4] : memref<320000xi32, #tpu.memory_space<hbm>> -> memref<80xi32, #tpu.memory_space<hbm>>
    tpu.enqueue_dma source(%dma_start3A_5 : memref<80xi32, #tpu.memory_space<hbm>>) target(%arg8 : memref<80xi32, #tpu.memory_space<vmem>>) target_semaphore(%arg15 : memref<!tpu.dma_semaphore, #tpu.memory_space<semaphore_mem>>)
    %dma_start3A_6 = arith.constant 0 : i32
    %dma_start3A_7 = tpu.memref_slice %arg7[%dma_start3A_6] : memref<10000xi32, #tpu.memory_space<vmem>> -> memref<80xi32, #tpu.memory_space<vmem>>
    %dma_start3A_8 = arith.constant 0 : i32
    %dma_start3A_9 = arith.constant 0 : i32
    %dma_start3A_10 = tpu.memref_slice %arg2[%dma_start3A_8, %dma_start3A_9] : memref<10000x128xf32, #tpu.memory_space<hbm>> -> memref<10000x128xf32, #tpu.memory_space<hbm>>
    tpu.enqueue_indirect_dma source(%dma_start3A_10 : memref<10000x128xf32, #tpu.memory_space<hbm>>) target(%arg11 : memref<80x128xf32, #tpu.memory_space<vmem>>) offsets(%dma_start3A_7 : memref<80xi32, #tpu.memory_space<vmem>>) semaphore(%arg18 : memref<!tpu.dma_semaphore, #tpu.memory_space<semaphore_mem>>)
    %add3A_11 = arith.constant 80 : i32
    %add3A_12 = arith.addi %mul3A_2, %add3A_11 : i32
    %dma_start3A_13 = tpu.memref_slice %arg4[%add3A_12] : memref<320000xi32, #tpu.memory_space<hbm>> -> memref<80xi32, #tpu.memory_space<hbm>>
    %dma_start3A_14 = tpu.memref_slice %arg4[%add3A_12] : memref<320000xi32, #tpu.memory_space<hbm>> -> memref<80xi32, #tpu.memory_space<hbm>>
    tpu.enqueue_dma source(%dma_start3A_14 : memref<80xi32, #tpu.memory_space<hbm>>) target(%arg9 : memref<80xi32, #tpu.memory_space<vmem>>) target_semaphore(%arg16 : memref<!tpu.dma_semaphore, #tpu.memory_space<semaphore_mem>>)
    %dma_start3A_15 = arith.constant 80 : i32
    %dma_start3A_16 = tpu.memref_slice %arg7[%dma_start3A_15] : memref<10000xi32, #tpu.memory_space<vmem>> -> memref<80xi32, #tpu.memory_space<vmem>>
    %dma_start3A_17 = arith.constant 0 : i32
    %dma_start3A_18 = arith.constant 0 : i32
    %dma_start3A_19 = tpu.memref_slice %arg2[%dma_start3A_17, %dma_start3A_18] : memref<10000x128xf32, #tpu.memory_space<hbm>> -> memref<10000x128xf32, #tpu.memory_space<hbm>>
    tpu.enqueue_indirect_dma source(%dma_start3A_19 : memref<10000x128xf32, #tpu.memory_space<hbm>>) target(%arg12 : memref<80x128xf32, #tpu.memory_space<vmem>>) offsets(%dma_start3A_16 : memref<80xi32, #tpu.memory_space<vmem>>) semaphore(%arg19 : memref<!tpu.dma_semaphore, #tpu.memory_space<semaphore_mem>>)
    %add3A_20 = arith.constant 160 : i32
    %add3A_21 = arith.addi %mul3A_2, %add3A_20 : i32
    %dma_start3A_22 = tpu.memref_slice %arg4[%add3A_21] : memref<320000xi32, #tpu.memory_space<hbm>> -> memref<80xi32, #tpu.memory_space<hbm>>
    %dma_start3A_23 = tpu.memref_slice %arg4[%add3A_21] : memref<320000xi32, #tpu.memory_space<hbm>> -> memref<80xi32, #tpu.memory_space<hbm>>
    tpu.enqueue_dma source(%dma_start3A_23 : memref<80xi32, #tpu.memory_space<hbm>>) target(%arg10 : memref<80xi32, #tpu.memory_space<vmem>>) target_semaphore(%arg17 : memref<!tpu.dma_semaphore, #tpu.memory_space<semaphore_mem>>)
    %dma_start3A_24 = arith.constant 160 : i32
    %dma_start3A_25 = tpu.memref_slice %arg7[%dma_start3A_24] : memref<10000xi32, #tpu.memory_space<vmem>> -> memref<80xi32, #tpu.memory_space<vmem>>
    %dma_start3A_26 = arith.constant 0 : i32
    %dma_start3A_27 = arith.constant 0 : i32
    %dma_start3A_28 = tpu.memref_slice %arg2[%dma_start3A_26, %dma_start3A_27] : memref<10000x128xf32, #tpu.memory_space<hbm>> -> memref<10000x128xf32, #tpu.memory_space<hbm>>
    tpu.enqueue_indirect_dma source(%dma_start3A_28 : memref<10000x128xf32, #tpu.memory_space<hbm>>) target(%arg13 : memref<80x128xf32, #tpu.memory_space<vmem>>) offsets(%dma_start3A_25 : memref<80xi32, #tpu.memory_space<vmem>>) semaphore(%arg20 : memref<!tpu.dma_semaphore, #tpu.memory_space<semaphore_mem>>)
    %mul3A_29 = arith.constant 640 : i32
    %mul3A_30 = arith.muli %arg1, %mul3A_29 : i32
    "tpu.region"() ({
      %run_scoped3A = tpu.sem_alloc : memref<!tpu.dma_semaphore, #tpu.memory_space<semaphore_mem>>
      %dma_start3A_97 = arith.constant 0 : i32
      %dma_start3A_98 = tpu.memref_slice %arg14[%mul3A_30, %dma_start3A_97] : memref<10240x128xf32, #tpu.memory_space<vmem_shared>> -> memref<640x128xf32, #tpu.memory_space<vmem_shared>>
      tpu.enqueue_dma source(%arg5 : memref<640x128xf32, #tpu.memory_space<hbm>>) target(%dma_start3A_98 : memref<640x128xf32, #tpu.memory_space<vmem_shared>>) target_semaphore(%run_scoped3A : memref<!tpu.dma_semaphore, #tpu.memory_space<semaphore_mem>>)
      %dma_wait3A_99 = arith.constant 0 : i32
      %dma_wait3A_100 = tpu.memref_slice %arg14[%mul3A_30, %dma_wait3A_99] : memref<10240x128xf32, #tpu.memory_space<vmem_shared>> -> memref<640x128xf32, #tpu.memory_space<vmem_shared>>
      tpu.wait_dma2 semaphore(%run_scoped3A : memref<!tpu.dma_semaphore, #tpu.memory_space<semaphore_mem>>) src(%arg5 : memref<640x128xf32, #tpu.memory_space<hbm>>) dst(%dma_wait3A_100 : memref<640x128xf32, #tpu.memory_space<vmem_shared>>)
      tpu.yield
    }) : () -> ()
    %barrier3A = arith.constant 0 : index
    tpu.barrier barrier_id(%barrier3A)
    %scan3A = arith.constant 0 : i32
    %scan3A_31 = arith.constant 0 : i32
    %scan3A_32 = arith.constant 41 : i32
    %scan3A_33 = arith.addi %scan3A_31, %scan3A_32 : i32
    %scan3A_34 = arith.constant 1 : i32
    scf.for %scan3A_97 = %scan3A_31 to %scan3A_33 step %scan3A_34  : i32 {
      %dma_wait3A_98 = arith.constant 0 : i32
      %dma_wait3A_99 = tpu.memref_slice %arg7[%dma_wait3A_98] : memref<10000xi32, #tpu.memory_space<vmem>> -> memref<80xi32, #tpu.memory_space<vmem>>
      %dma_wait3A_100 = arith.constant 0 : i32
      %dma_wait3A_101 = arith.constant 0 : i32
      %dma_wait3A_102 = tpu.memref_slice %arg2[%dma_wait3A_100, %dma_wait3A_101] : memref<10000x128xf32, #tpu.memory_space<hbm>> -> memref<10000x128xf32, #tpu.memory_space<hbm>>
      tpu.wait_indirect_dma semaphore(%arg18 : memref<!tpu.dma_semaphore, #tpu.memory_space<semaphore_mem>>) src(%dma_wait3A_102 : memref<10000x128xf32, #tpu.memory_space<hbm>>) dst(%arg11 : memref<80x128xf32, #tpu.memory_space<vmem>>)
      %dma_wait3A_103 = arith.constant 0 : i32
      %dma_wait3A_104 = tpu.memref_slice %arg4[%dma_wait3A_103] : memref<320000xi32, #tpu.memory_space<hbm>> -> memref<80xi32, #tpu.memory_space<hbm>>
      %dma_wait3A_105 = arith.constant 0 : i32
      %dma_wait3A_106 = tpu.memref_slice %arg4[%dma_wait3A_105] : memref<320000xi32, #tpu.memory_space<hbm>> -> memref<80xi32, #tpu.memory_space<hbm>>
      tpu.wait_dma2 semaphore(%arg15 : memref<!tpu.dma_semaphore, #tpu.memory_space<semaphore_mem>>) src(%dma_wait3A_106 : memref<80xi32, #tpu.memory_space<hbm>>) dst(%arg8 : memref<80xi32, #tpu.memory_space<vmem>>)
      %dma_start3A_107 = arith.constant 0 : i32
      %dma_start3A_108 = arith.constant 0 : i32
      %dma_start3A_109 = tpu.memref_slice %arg14[%dma_start3A_107, %dma_start3A_108] : memref<10240x128xf32, #tpu.memory_space<vmem_shared>> -> memref<10240x128xf32, #tpu.memory_space<vmem_shared>>
      tpu.enqueue_indirect_dma source(%arg11 : memref<80x128xf32, #tpu.memory_space<vmem>>) target(%dma_start3A_109 : memref<10240x128xf32, #tpu.memory_space<vmem_shared>>) offsets(%arg8 : memref<80xi32, #tpu.memory_space<vmem>>) semaphore(%arg21 : memref<!tpu.dma_semaphore, #tpu.memory_space<semaphore_mem>>) {add = true}
      %dma_wait3A_110 = arith.constant 0 : i32
      %dma_wait3A_111 = tpu.memref_slice %arg7[%dma_wait3A_110] : memref<10000xi32, #tpu.memory_space<vmem>> -> memref<80xi32, #tpu.memory_space<vmem>>
      %dma_wait3A_112 = arith.constant 0 : i32
      %dma_wait3A_113 = arith.constant 0 : i32
      %dma_wait3A_114 = tpu.memref_slice %arg2[%dma_wait3A_112, %dma_wait3A_113] : memref<10000x128xf32, #tpu.memory_space<hbm>> -> memref<10000x128xf32, #tpu.memory_space<hbm>>
      tpu.wait_indirect_dma semaphore(%arg19 : memref<!tpu.dma_semaphore, #tpu.memory_space<semaphore_mem>>) src(%dma_wait3A_114 : memref<10000x128xf32, #tpu.memory_space<hbm>>) dst(%arg12 : memref<80x128xf32, #tpu.memory_space<vmem>>)
      %dma_wait3A_115 = arith.constant 0 : i32
      %dma_wait3A_116 = tpu.memref_slice %arg4[%dma_wait3A_115] : memref<320000xi32, #tpu.memory_space<hbm>> -> memref<80xi32, #tpu.memory_space<hbm>>
      %dma_wait3A_117 = arith.constant 0 : i32
      %dma_wait3A_118 = tpu.memref_slice %arg4[%dma_wait3A_117] : memref<320000xi32, #tpu.memory_space<hbm>> -> memref<80xi32, #tpu.memory_space<hbm>>
      tpu.wait_dma2 semaphore(%arg16 : memref<!tpu.dma_semaphore, #tpu.memory_space<semaphore_mem>>) src(%dma_wait3A_118 : memref<80xi32, #tpu.memory_space<hbm>>) dst(%arg9 : memref<80xi32, #tpu.memory_space<vmem>>)
      %dma_start3A_119 = arith.constant 0 : i32
      %dma_start3A_120 = arith.constant 0 : i32
      %dma_start3A_121 = tpu.memref_slice %arg14[%dma_start3A_119, %dma_start3A_120] : memref<10240x128xf32, #tpu.memory_space<vmem_shared>> -> memref<10240x128xf32, #tpu.memory_space<vmem_shared>>
      tpu.enqueue_indirect_dma source(%arg12 : memref<80x128xf32, #tpu.memory_space<vmem>>) target(%dma_start3A_121 : memref<10240x128xf32, #tpu.memory_space<vmem_shared>>) offsets(%arg9 : memref<80xi32, #tpu.memory_space<vmem>>) semaphore(%arg22 : memref<!tpu.dma_semaphore, #tpu.memory_space<semaphore_mem>>) {add = true}
      %dma_wait3A_122 = arith.constant 0 : i32
      %dma_wait3A_123 = tpu.memref_slice %arg7[%dma_wait3A_122] : memref<10000xi32, #tpu.memory_space<vmem>> -> memref<80xi32, #tpu.memory_space<vmem>>
      %dma_wait3A_124 = arith.constant 0 : i32
      %dma_wait3A_125 = arith.constant 0 : i32
      %dma_wait3A_126 = tpu.memref_slice %arg2[%dma_wait3A_124, %dma_wait3A_125] : memref<10000x128xf32, #tpu.memory_space<hbm>> -> memref<10000x128xf32, #tpu.memory_space<hbm>>
      tpu.wait_indirect_dma semaphore(%arg20 : memref<!tpu.dma_semaphore, #tpu.memory_space<semaphore_mem>>) src(%dma_wait3A_126 : memref<10000x128xf32, #tpu.memory_space<hbm>>) dst(%arg13 : memref<80x128xf32, #tpu.memory_space<vmem>>)
      %dma_wait3A_127 = arith.constant 0 : i32
      %dma_wait3A_128 = tpu.memref_slice %arg4[%dma_wait3A_127] : memref<320000xi32, #tpu.memory_space<hbm>> -> memref<80xi32, #tpu.memory_space<hbm>>
      %dma_wait3A_129 = arith.constant 0 : i32
      %dma_wait3A_130 = tpu.memref_slice %arg4[%dma_wait3A_129] : memref<320000xi32, #tpu.memory_space<hbm>> -> memref<80xi32, #tpu.memory_space<hbm>>
      tpu.wait_dma2 semaphore(%arg17 : memref<!tpu.dma_semaphore, #tpu.memory_space<semaphore_mem>>) src(%dma_wait3A_130 : memref<80xi32, #tpu.memory_space<hbm>>) dst(%arg10 : memref<80xi32, #tpu.memory_space<vmem>>)
      %dma_start3A_131 = arith.constant 0 : i32
      %dma_start3A_132 = arith.constant 0 : i32
      %dma_start3A_133 = tpu.memref_slice %arg14[%dma_start3A_131, %dma_start3A_132] : memref<10240x128xf32, #tpu.memory_space<vmem_shared>> -> memref<10240x128xf32, #tpu.memory_space<vmem_shared>>
      tpu.enqueue_indirect_dma source(%arg13 : memref<80x128xf32, #tpu.memory_space<vmem>>) target(%dma_start3A_133 : memref<10240x128xf32, #tpu.memory_space<vmem_shared>>) offsets(%arg10 : memref<80xi32, #tpu.memory_space<vmem>>) semaphore(%arg23 : memref<!tpu.dma_semaphore, #tpu.memory_space<semaphore_mem>>) {add = true}
      %lt3A = arith.constant 40 : i32
      %lt3A_134 = arith.cmpi slt, %scan3A_97, %lt3A : i32
      %convert_element_type3A = arith.extui %lt3A_134 : i1 to i32
      %cond3A = arith.constant 0 : i32
      %cond3A_135 = arith.cmpi ne, %convert_element_type3A, %cond3A : i32
      scf.if %cond3A_135 {
        %dma_wait3A_146 = arith.constant 0 : i32
        %dma_wait3A_147 = arith.constant 0 : i32
        %dma_wait3A_148 = tpu.memref_slice %arg14[%dma_wait3A_146, %dma_wait3A_147] : memref<10240x128xf32, #tpu.memory_space<vmem_shared>> -> memref<10240x128xf32, #tpu.memory_space<vmem_shared>>
        tpu.wait_indirect_dma semaphore(%arg21 : memref<!tpu.dma_semaphore, #tpu.memory_space<semaphore_mem>>) src(%arg11 : memref<80x128xf32, #tpu.memory_space<vmem>>) dst(%dma_wait3A_148 : memref<10240x128xf32, #tpu.memory_space<vmem_shared>>)
        %mul3A_149 = arith.constant 3 : i32
        %mul3A_150 = arith.muli %mul3A_149, %scan3A_97 : i32
        %add3A_151 = arith.constant 3 : i32
        %add3A_152 = arith.addi %mul3A_150, %add3A_151 : i32
        %add3A_153 = arith.constant 0 : i32
        %add3A_154 = arith.addi %add3A_152, %add3A_153 : i32
        %mul3A_155 = arith.constant 80 : i32
        %mul3A_156 = arith.muli %add3A_154, %mul3A_155 : i32
        %add3A_157 = arith.addi %mul3A_2, %mul3A_156 : i32
        %dma_start3A_158 = tpu.memref_slice %arg4[%add3A_157] : memref<320000xi32, #tpu.memory_space<hbm>> -> memref<80xi32, #tpu.memory_space<hbm>>
        %dma_start3A_159 = tpu.memref_slice %arg4[%add3A_157] : memref<320000xi32, #tpu.memory_space<hbm>> -> memref<80xi32, #tpu.memory_space<hbm>>
        tpu.enqueue_dma source(%dma_start3A_159 : memref<80xi32, #tpu.memory_space<hbm>>) target(%arg8 : memref<80xi32, #tpu.memory_space<vmem>>) target_semaphore(%arg15 : memref<!tpu.dma_semaphore, #tpu.memory_space<semaphore_mem>>)
        %mul3A_160 = arith.constant 3 : i32
        %mul3A_161 = arith.muli %mul3A_160, %scan3A_97 : i32
        %add3A_162 = arith.constant 3 : i32
        %add3A_163 = arith.addi %mul3A_161, %add3A_162 : i32
        %add3A_164 = arith.constant 0 : i32
        %add3A_165 = arith.addi %add3A_163, %add3A_164 : i32
        %mul3A_166 = arith.constant 80 : i32
        %mul3A_167 = arith.muli %add3A_165, %mul3A_166 : i32
        %dma_start3A_168 = tpu.memref_slice %arg7[%mul3A_167] : memref<10000xi32, #tpu.memory_space<vmem>> -> memref<80xi32, #tpu.memory_space<vmem>>
        %dma_start3A_169 = arith.constant 0 : i32
        %dma_start3A_170 = arith.constant 0 : i32
        %dma_start3A_171 = tpu.memref_slice %arg2[%dma_start3A_169, %dma_start3A_170] : memref<10000x128xf32, #tpu.memory_space<hbm>> -> memref<10000x128xf32, #tpu.memory_space<hbm>>
        tpu.enqueue_indirect_dma source(%dma_start3A_171 : memref<10000x128xf32, #tpu.memory_space<hbm>>) target(%arg11 : memref<80x128xf32, #tpu.memory_space<vmem>>) offsets(%dma_start3A_168 : memref<80xi32, #tpu.memory_space<vmem>>) semaphore(%arg18 : memref<!tpu.dma_semaphore, #tpu.memory_space<semaphore_mem>>)
      } else {
      }
      %lt3A_136 = arith.constant 40 : i32
      %lt3A_137 = arith.cmpi slt, %scan3A_97, %lt3A_136 : i32
      %convert_element_type3A_138 = arith.extui %lt3A_137 : i1 to i32
      %cond3A_139 = arith.constant 0 : i32
      %cond3A_140 = arith.cmpi ne, %convert_element_type3A_138, %cond3A_139 : i32
      scf.if %cond3A_140 {
        %dma_wait3A_146 = arith.constant 0 : i32
        %dma_wait3A_147 = arith.constant 0 : i32
        %dma_wait3A_148 = tpu.memref_slice %arg14[%dma_wait3A_146, %dma_wait3A_147] : memref<10240x128xf32, #tpu.memory_space<vmem_shared>> -> memref<10240x128xf32, #tpu.memory_space<vmem_shared>>
        tpu.wait_indirect_dma semaphore(%arg22 : memref<!tpu.dma_semaphore, #tpu.memory_space<semaphore_mem>>) src(%arg12 : memref<80x128xf32, #tpu.memory_space<vmem>>) dst(%dma_wait3A_148 : memref<10240x128xf32, #tpu.memory_space<vmem_shared>>)
        %mul3A_149 = arith.constant 3 : i32
        %mul3A_150 = arith.muli %mul3A_149, %scan3A_97 : i32
        %add3A_151 = arith.constant 3 : i32
        %add3A_152 = arith.addi %mul3A_150, %add3A_151 : i32
        %add3A_153 = arith.constant 1 : i32
        %add3A_154 = arith.addi %add3A_152, %add3A_153 : i32
        %mul3A_155 = arith.constant 80 : i32
        %mul3A_156 = arith.muli %add3A_154, %mul3A_155 : i32
        %add3A_157 = arith.addi %mul3A_2, %mul3A_156 : i32
        %dma_start3A_158 = tpu.memref_slice %arg4[%add3A_157] : memref<320000xi32, #tpu.memory_space<hbm>> -> memref<80xi32, #tpu.memory_space<hbm>>
        %dma_start3A_159 = tpu.memref_slice %arg4[%add3A_157] : memref<320000xi32, #tpu.memory_space<hbm>> -> memref<80xi32, #tpu.memory_space<hbm>>
        tpu.enqueue_dma source(%dma_start3A_159 : memref<80xi32, #tpu.memory_space<hbm>>) target(%arg9 : memref<80xi32, #tpu.memory_space<vmem>>) target_semaphore(%arg16 : memref<!tpu.dma_semaphore, #tpu.memory_space<semaphore_mem>>)
        %mul3A_160 = arith.constant 3 : i32
        %mul3A_161 = arith.muli %mul3A_160, %scan3A_97 : i32
        %add3A_162 = arith.constant 3 : i32
        %add3A_163 = arith.addi %mul3A_161, %add3A_162 : i32
        %add3A_164 = arith.constant 1 : i32
        %add3A_165 = arith.addi %add3A_163, %add3A_164 : i32
        %mul3A_166 = arith.constant 80 : i32
        %mul3A_167 = arith.muli %add3A_165, %mul3A_166 : i32
        %dma_start3A_168 = tpu.memref_slice %arg7[%mul3A_167] : memref<10000xi32, #tpu.memory_space<vmem>> -> memref<80xi32, #tpu.memory_space<vmem>>
        %dma_start3A_169 = arith.constant 0 : i32
        %dma_start3A_170 = arith.constant 0 : i32
        %dma_start3A_171 = tpu.memref_slice %arg2[%dma_start3A_169, %dma_start3A_170] : memref<10000x128xf32, #tpu.memory_space<hbm>> -> memref<10000x128xf32, #tpu.memory_space<hbm>>
        tpu.enqueue_indirect_dma source(%dma_start3A_171 : memref<10000x128xf32, #tpu.memory_space<hbm>>) target(%arg12 : memref<80x128xf32, #tpu.memory_space<vmem>>) offsets(%dma_start3A_168 : memref<80xi32, #tpu.memory_space<vmem>>) semaphore(%arg19 : memref<!tpu.dma_semaphore, #tpu.memory_space<semaphore_mem>>)
      } else {
      }
      %lt3A_141 = arith.constant 40 : i32
      %lt3A_142 = arith.cmpi slt, %scan3A_97, %lt3A_141 : i32
      %convert_element_type3A_143 = arith.extui %lt3A_142 : i1 to i32
      %cond3A_144 = arith.constant 0 : i32
      %cond3A_145 = arith.cmpi ne, %convert_element_type3A_143, %cond3A_144 : i32
      scf.if %cond3A_145 {
        %dma_wait3A_146 = arith.constant 0 : i32
        %dma_wait3A_147 = arith.constant 0 : i32
        %dma_wait3A_148 = tpu.memref_slice %arg14[%dma_wait3A_146, %dma_wait3A_147] : memref<10240x128xf32, #tpu.memory_space<vmem_shared>> -> memref<10240x128xf32, #tpu.memory_space<vmem_shared>>
        tpu.wait_indirect_dma semaphore(%arg23 : memref<!tpu.dma_semaphore, #tpu.memory_space<semaphore_mem>>) src(%arg13 : memref<80x128xf32, #tpu.memory_space<vmem>>) dst(%dma_wait3A_148 : memref<10240x128xf32, #tpu.memory_space<vmem_shared>>)
        %mul3A_149 = arith.constant 3 : i32
        %mul3A_150 = arith.muli %mul3A_149, %scan3A_97 : i32
        %add3A_151 = arith.constant 3 : i32
        %add3A_152 = arith.addi %mul3A_150, %add3A_151 : i32
        %add3A_153 = arith.constant 2 : i32
        %add3A_154 = arith.addi %add3A_152, %add3A_153 : i32
        %mul3A_155 = arith.constant 80 : i32
        %mul3A_156 = arith.muli %add3A_154, %mul3A_155 : i32
        %add3A_157 = arith.addi %mul3A_2, %mul3A_156 : i32
        %dma_start3A_158 = tpu.memref_slice %arg4[%add3A_157] : memref<320000xi32, #tpu.memory_space<hbm>> -> memref<80xi32, #tpu.memory_space<hbm>>
        %dma_start3A_159 = tpu.memref_slice %arg4[%add3A_157] : memref<320000xi32, #tpu.memory_space<hbm>> -> memref<80xi32, #tpu.memory_space<hbm>>
        tpu.enqueue_dma source(%dma_start3A_159 : memref<80xi32, #tpu.memory_space<hbm>>) target(%arg10 : memref<80xi32, #tpu.memory_space<vmem>>) target_semaphore(%arg17 : memref<!tpu.dma_semaphore, #tpu.memory_space<semaphore_mem>>)
        %mul3A_160 = arith.constant 3 : i32
        %mul3A_161 = arith.muli %mul3A_160, %scan3A_97 : i32
        %add3A_162 = arith.constant 3 : i32
        %add3A_163 = arith.addi %mul3A_161, %add3A_162 : i32
        %add3A_164 = arith.constant 2 : i32
        %add3A_165 = arith.addi %add3A_163, %add3A_164 : i32
        %mul3A_166 = arith.constant 80 : i32
        %mul3A_167 = arith.muli %add3A_165, %mul3A_166 : i32
        %dma_start3A_168 = tpu.memref_slice %arg7[%mul3A_167] : memref<10000xi32, #tpu.memory_space<vmem>> -> memref<80xi32, #tpu.memory_space<vmem>>
        %dma_start3A_169 = arith.constant 0 : i32
        %dma_start3A_170 = arith.constant 0 : i32
        %dma_start3A_171 = tpu.memref_slice %arg2[%dma_start3A_169, %dma_start3A_170] : memref<10000x128xf32, #tpu.memory_space<hbm>> -> memref<10000x128xf32, #tpu.memory_space<hbm>>
        tpu.enqueue_indirect_dma source(%dma_start3A_171 : memref<10000x128xf32, #tpu.memory_space<hbm>>) target(%arg13 : memref<80x128xf32, #tpu.memory_space<vmem>>) offsets(%dma_start3A_168 : memref<80xi32, #tpu.memory_space<vmem>>) semaphore(%arg20 : memref<!tpu.dma_semaphore, #tpu.memory_space<semaphore_mem>>)
      } else {
      }
    }
    %scan3A_35 = arith.constant 41 : i32
    %dma_wait3A = arith.constant 0 : i32
    %dma_wait3A_36 = arith.constant 0 : i32
    %dma_wait3A_37 = tpu.memref_slice %arg14[%dma_wait3A, %dma_wait3A_36] : memref<10240x128xf32, #tpu.memory_space<vmem_shared>> -> memref<10240x128xf32, #tpu.memory_space<vmem_shared>>
    tpu.wait_indirect_dma semaphore(%arg21 : memref<!tpu.dma_semaphore, #tpu.memory_space<semaphore_mem>>) src(%arg11 : memref<80x128xf32, #tpu.memory_space<vmem>>) dst(%dma_wait3A_37 : memref<10240x128xf32, #tpu.memory_space<vmem_shared>>)
    %dma_wait3A_38 = arith.constant 0 : i32
    %dma_wait3A_39 = arith.constant 0 : i32
    %dma_wait3A_40 = tpu.memref_slice %arg14[%dma_wait3A_38, %dma_wait3A_39] : memref<10240x128xf32, #tpu.memory_space<vmem_shared>> -> memref<10240x128xf32, #tpu.memory_space<vmem_shared>>
    tpu.wait_indirect_dma semaphore(%arg22 : memref<!tpu.dma_semaphore, #tpu.memory_space<semaphore_mem>>) src(%arg12 : memref<80x128xf32, #tpu.memory_space<vmem>>) dst(%dma_wait3A_40 : memref<10240x128xf32, #tpu.memory_space<vmem_shared>>)
    %dma_wait3A_41 = arith.constant 0 : i32
    %dma_wait3A_42 = arith.constant 0 : i32
    %dma_wait3A_43 = tpu.memref_slice %arg14[%dma_wait3A_41, %dma_wait3A_42] : memref<10240x128xf32, #tpu.memory_space<vmem_shared>> -> memref<10240x128xf32, #tpu.memory_space<vmem_shared>>
    tpu.wait_indirect_dma semaphore(%arg23 : memref<!tpu.dma_semaphore, #tpu.memory_space<semaphore_mem>>) src(%arg13 : memref<80x128xf32, #tpu.memory_space<vmem>>) dst(%dma_wait3A_43 : memref<10240x128xf32, #tpu.memory_space<vmem_shared>>)
    %add3A_44 = arith.constant 9840 : i32
    %add3A_45 = arith.addi %mul3A_2, %add3A_44 : i32
    %dma_start3A_46 = tpu.memref_slice %arg4[%add3A_45] : memref<320000xi32, #tpu.memory_space<hbm>> -> memref<80xi32, #tpu.memory_space<hbm>>
    %dma_start3A_47 = tpu.memref_slice %arg4[%add3A_45] : memref<320000xi32, #tpu.memory_space<hbm>> -> memref<80xi32, #tpu.memory_space<hbm>>
    tpu.enqueue_dma source(%dma_start3A_47 : memref<80xi32, #tpu.memory_space<hbm>>) target(%arg8 : memref<80xi32, #tpu.memory_space<vmem>>) target_semaphore(%arg15 : memref<!tpu.dma_semaphore, #tpu.memory_space<semaphore_mem>>)
    %dma_start3A_48 = arith.constant 9840 : i32
    %dma_start3A_49 = tpu.memref_slice %arg7[%dma_start3A_48] : memref<10000xi32, #tpu.memory_space<vmem>> -> memref<80xi32, #tpu.memory_space<vmem>>
    %dma_start3A_50 = arith.constant 0 : i32
    %dma_start3A_51 = arith.constant 0 : i32
    %dma_start3A_52 = tpu.memref_slice %arg2[%dma_start3A_50, %dma_start3A_51] : memref<10000x128xf32, #tpu.memory_space<hbm>> -> memref<10000x128xf32, #tpu.memory_space<hbm>>
    tpu.enqueue_indirect_dma source(%dma_start3A_52 : memref<10000x128xf32, #tpu.memory_space<hbm>>) target(%arg11 : memref<80x128xf32, #tpu.memory_space<vmem>>) offsets(%dma_start3A_49 : memref<80xi32, #tpu.memory_space<vmem>>) semaphore(%arg18 : memref<!tpu.dma_semaphore, #tpu.memory_space<semaphore_mem>>)
    %dma_wait3A_53 = arith.constant 0 : i32
    %dma_wait3A_54 = tpu.memref_slice %arg4[%dma_wait3A_53] : memref<320000xi32, #tpu.memory_space<hbm>> -> memref<80xi32, #tpu.memory_space<hbm>>
    %dma_wait3A_55 = arith.constant 0 : i32
    %dma_wait3A_56 = tpu.memref_slice %arg4[%dma_wait3A_55] : memref<320000xi32, #tpu.memory_space<hbm>> -> memref<80xi32, #tpu.memory_space<hbm>>
    tpu.wait_dma2 semaphore(%arg15 : memref<!tpu.dma_semaphore, #tpu.memory_space<semaphore_mem>>) src(%dma_wait3A_56 : memref<80xi32, #tpu.memory_space<hbm>>) dst(%arg8 : memref<80xi32, #tpu.memory_space<vmem>>)
    %dma_wait3A_57 = arith.constant 0 : i32
    %dma_wait3A_58 = tpu.memref_slice %arg7[%dma_wait3A_57] : memref<10000xi32, #tpu.memory_space<vmem>> -> memref<80xi32, #tpu.memory_space<vmem>>
    %dma_wait3A_59 = arith.constant 0 : i32
    %dma_wait3A_60 = arith.constant 0 : i32
    %dma_wait3A_61 = tpu.memref_slice %arg2[%dma_wait3A_59, %dma_wait3A_60] : memref<10000x128xf32, #tpu.memory_space<hbm>> -> memref<10000x128xf32, #tpu.memory_space<hbm>>
    tpu.wait_indirect_dma semaphore(%arg18 : memref<!tpu.dma_semaphore, #tpu.memory_space<semaphore_mem>>) src(%dma_wait3A_61 : memref<10000x128xf32, #tpu.memory_space<hbm>>) dst(%arg11 : memref<80x128xf32, #tpu.memory_space<vmem>>)
    %dma_start3A_62 = arith.constant 0 : i32
    %dma_start3A_63 = arith.constant 0 : i32
    %dma_start3A_64 = tpu.memref_slice %arg14[%dma_start3A_62, %dma_start3A_63] : memref<10240x128xf32, #tpu.memory_space<vmem_shared>> -> memref<10240x128xf32, #tpu.memory_space<vmem_shared>>
    tpu.enqueue_indirect_dma source(%arg11 : memref<80x128xf32, #tpu.memory_space<vmem>>) target(%dma_start3A_64 : memref<10240x128xf32, #tpu.memory_space<vmem_shared>>) offsets(%arg8 : memref<80xi32, #tpu.memory_space<vmem>>) semaphore(%arg21 : memref<!tpu.dma_semaphore, #tpu.memory_space<semaphore_mem>>) {add = true}
    %dma_wait3A_65 = arith.constant 0 : i32
    %dma_wait3A_66 = arith.constant 0 : i32
    %dma_wait3A_67 = tpu.memref_slice %arg14[%dma_wait3A_65, %dma_wait3A_66] : memref<10240x128xf32, #tpu.memory_space<vmem_shared>> -> memref<10240x128xf32, #tpu.memory_space<vmem_shared>>
    tpu.wait_indirect_dma semaphore(%arg21 : memref<!tpu.dma_semaphore, #tpu.memory_space<semaphore_mem>>) src(%arg11 : memref<80x128xf32, #tpu.memory_space<vmem>>) dst(%dma_wait3A_67 : memref<10240x128xf32, #tpu.memory_space<vmem_shared>>)
    %add3A_68 = arith.constant 9920 : i32
    %add3A_69 = arith.addi %mul3A_2, %add3A_68 : i32
    %dma_start3A_70 = tpu.memref_slice %arg4[%add3A_69] : memref<320000xi32, #tpu.memory_space<hbm>> -> memref<80xi32, #tpu.memory_space<hbm>>
    %dma_start3A_71 = tpu.memref_slice %arg4[%add3A_69] : memref<320000xi32, #tpu.memory_space<hbm>> -> memref<80xi32, #tpu.memory_space<hbm>>
    tpu.enqueue_dma source(%dma_start3A_71 : memref<80xi32, #tpu.memory_space<hbm>>) target(%arg8 : memref<80xi32, #tpu.memory_space<vmem>>) target_semaphore(%arg15 : memref<!tpu.dma_semaphore, #tpu.memory_space<semaphore_mem>>)
    %dma_start3A_72 = arith.constant 9920 : i32
    %dma_start3A_73 = tpu.memref_slice %arg7[%dma_start3A_72] : memref<10000xi32, #tpu.memory_space<vmem>> -> memref<80xi32, #tpu.memory_space<vmem>>
    %dma_start3A_74 = arith.constant 0 : i32
    %dma_start3A_75 = arith.constant 0 : i32
    %dma_start3A_76 = tpu.memref_slice %arg2[%dma_start3A_74, %dma_start3A_75] : memref<10000x128xf32, #tpu.memory_space<hbm>> -> memref<10000x128xf32, #tpu.memory_space<hbm>>
    tpu.enqueue_indirect_dma source(%dma_start3A_76 : memref<10000x128xf32, #tpu.memory_space<hbm>>) target(%arg11 : memref<80x128xf32, #tpu.memory_space<vmem>>) offsets(%dma_start3A_73 : memref<80xi32, #tpu.memory_space<vmem>>) semaphore(%arg18 : memref<!tpu.dma_semaphore, #tpu.memory_space<semaphore_mem>>)
    %dma_wait3A_77 = arith.constant 0 : i32
    %dma_wait3A_78 = tpu.memref_slice %arg4[%dma_wait3A_77] : memref<320000xi32, #tpu.memory_space<hbm>> -> memref<80xi32, #tpu.memory_space<hbm>>
    %dma_wait3A_79 = arith.constant 0 : i32
    %dma_wait3A_80 = tpu.memref_slice %arg4[%dma_wait3A_79] : memref<320000xi32, #tpu.memory_space<hbm>> -> memref<80xi32, #tpu.memory_space<hbm>>
    tpu.wait_dma2 semaphore(%arg15 : memref<!tpu.dma_semaphore, #tpu.memory_space<semaphore_mem>>) src(%dma_wait3A_80 : memref<80xi32, #tpu.memory_space<hbm>>) dst(%arg8 : memref<80xi32, #tpu.memory_space<vmem>>)
    %dma_wait3A_81 = arith.constant 0 : i32
    %dma_wait3A_82 = tpu.memref_slice %arg7[%dma_wait3A_81] : memref<10000xi32, #tpu.memory_space<vmem>> -> memref<80xi32, #tpu.memory_space<vmem>>
    %dma_wait3A_83 = arith.constant 0 : i32
    %dma_wait3A_84 = arith.constant 0 : i32
    %dma_wait3A_85 = tpu.memref_slice %arg2[%dma_wait3A_83, %dma_wait3A_84] : memref<10000x128xf32, #tpu.memory_space<hbm>> -> memref<10000x128xf32, #tpu.memory_space<hbm>>
    tpu.wait_indirect_dma semaphore(%arg18 : memref<!tpu.dma_semaphore, #tpu.memory_space<semaphore_mem>>) src(%dma_wait3A_85 : memref<10000x128xf32, #tpu.memory_space<hbm>>) dst(%arg11 : memref<80x128xf32, #tpu.memory_space<vmem>>)
    %dma_start3A_86 = arith.constant 0 : i32
    %dma_start3A_87 = arith.constant 0 : i32
    %dma_start3A_88 = tpu.memref_slice %arg14[%dma_start3A_86, %dma_start3A_87] : memref<10240x128xf32, #tpu.memory_space<vmem_shared>> -> memref<10240x128xf32, #tpu.memory_space<vmem_shared>>
    tpu.enqueue_indirect_dma source(%arg11 : memref<80x128xf32, #tpu.memory_space<vmem>>) target(%dma_start3A_88 : memref<10240x128xf32, #tpu.memory_space<vmem_shared>>) offsets(%arg8 : memref<80xi32, #tpu.memory_space<vmem>>) semaphore(%arg21 : memref<!tpu.dma_semaphore, #tpu.memory_space<semaphore_mem>>) {add = true}
    %dma_wait3A_89 = arith.constant 0 : i32
    %dma_wait3A_90 = arith.constant 0 : i32
    %dma_wait3A_91 = tpu.memref_slice %arg14[%dma_wait3A_89, %dma_wait3A_90] : memref<10240x128xf32, #tpu.memory_space<vmem_shared>> -> memref<10240x128xf32, #tpu.memory_space<vmem_shared>>
    tpu.wait_indirect_dma semaphore(%arg21 : memref<!tpu.dma_semaphore, #tpu.memory_space<semaphore_mem>>) src(%arg11 : memref<80x128xf32, #tpu.memory_space<vmem>>) dst(%dma_wait3A_91 : memref<10240x128xf32, #tpu.memory_space<vmem_shared>>)
    %barrier3A_92 = arith.constant 0 : index
    tpu.barrier barrier_id(%barrier3A_92)
    %mul3A_93 = arith.constant 640 : i32
    %mul3A_94 = arith.muli %arg1, %mul3A_93 : i32
    %mul3A_95 = arith.constant 640 : i32
    %mul3A_96 = arith.muli %arg1, %mul3A_95 : i32
    "tpu.region"() ({
      %run_scoped3A = tpu.sem_alloc : memref<!tpu.dma_semaphore, #tpu.memory_space<semaphore_mem>>
      %dma_start3A_97 = arith.constant 0 : i32
      %dma_start3A_98 = tpu.memref_slice %arg6[%arg0, %mul3A_96, %dma_start3A_97] : memref<2x10240x128xf32, #tpu.memory_space<hbm>> -> memref<1x640x128xf32, #tpu.memory_space<hbm>>
      %dma_start3A_99 = tpu.memref_squeeze %dma_start3A_98 : memref<1x640x128xf32, #tpu.memory_space<hbm>> -> memref<640x128xf32, #tpu.memory_space<hbm>>
      %dma_start3A_100 = arith.constant 0 : i32
      %dma_start3A_101 = tpu.memref_slice %arg14[%mul3A_94, %dma_start3A_100] : memref<10240x128xf32, #tpu.memory_space<vmem_shared>> -> memref<640x128xf32, #tpu.memory_space<vmem_shared>>
      tpu.enqueue_dma source(%dma_start3A_101 : memref<640x128xf32, #tpu.memory_space<vmem_shared>>) target(%dma_start3A_99 : memref<640x128xf32, #tpu.memory_space<hbm>>) target_semaphore(%run_scoped3A : memref<!tpu.dma_semaphore, #tpu.memory_space<semaphore_mem>>)
      %dma_wait3A_102 = arith.constant 0 : i32
      %dma_wait3A_103 = tpu.memref_slice %arg6[%arg0, %mul3A_96, %dma_wait3A_102] : memref<2x10240x128xf32, #tpu.memory_space<hbm>> -> memref<1x640x128xf32, #tpu.memory_space<hbm>>
      %dma_wait3A_104 = tpu.memref_squeeze %dma_wait3A_103 : memref<1x640x128xf32, #tpu.memory_space<hbm>> -> memref<640x128xf32, #tpu.memory_space<hbm>>
      %dma_wait3A_105 = arith.constant 0 : i32
      %dma_wait3A_106 = tpu.memref_slice %arg14[%mul3A_94, %dma_wait3A_105] : memref<10240x128xf32, #tpu.memory_space<vmem_shared>> -> memref<640x128xf32, #tpu.memory_space<vmem_shared>>
      tpu.wait_dma2 semaphore(%run_scoped3A : memref<!tpu.dma_semaphore, #tpu.memory_space<semaphore_mem>>) src(%dma_wait3A_106 : memref<640x128xf32, #tpu.memory_space<vmem_shared>>) dst(%dma_wait3A_104 : memref<640x128xf32, #tpu.memory_space<hbm>>)
      tpu.yield
    }) : () -> ()
    return
  }
}

#map = affine_map<(d0, d1) -> (0, 0)>
#map1 = affine_map<(d0, d1) -> (0)>
#map2 = affine_map<(d0, d1) -> (0, 0, 0)>
module attributes {stable_mosaic.version = 14 : i64} {
  func.func @_sc_agg(%arg0: i32, %arg1: i32, %arg2: memref<10000x128xf32, #tpu.memory_space<hbm>>, %arg3: memref<320000xi32, #tpu.memory_space<hbm>>, %arg4: memref<320000xi32, #tpu.memory_space<hbm>>, %arg5: memref<640x128xf32, #tpu.memory_space<hbm>>, %arg6: memref<2x10240x128xf32, #tpu.memory_space<hbm>>, %arg7: memref<10000xi32, #tpu.memory_space<vmem>>, %arg8: memref<80xi32, #tpu.memory_space<vmem>>, %arg9: memref<80xi32, #tpu.memory_space<vmem>>, %arg10: memref<80xi32, #tpu.memory_space<vmem>>, %arg11: memref<80x128xf32, #tpu.memory_space<vmem>>, %arg12: memref<80x128xf32, #tpu.memory_space<vmem>>, %arg13: memref<80x128xf32, #tpu.memory_space<vmem>>, %arg14: memref<10240x128xf32, #tpu.memory_space<vmem_shared>>, %arg15: memref<!tpu.dma_semaphore, #tpu.memory_space<semaphore_mem>>, %arg16: memref<!tpu.dma_semaphore, #tpu.memory_space<semaphore_mem>>, %arg17: memref<!tpu.dma_semaphore, #tpu.memory_space<semaphore_mem>>, %arg18: memref<!tpu.dma_semaphore, #tpu.memory_space<semaphore_mem>>, %arg19: memref<!tpu.dma_semaphore, #tpu.memory_space<semaphore_mem>>, %arg20: memref<!tpu.dma_semaphore, #tpu.memory_space<semaphore_mem>>, %arg21: memref<!tpu.dma_semaphore, #tpu.memory_space<semaphore_mem>>, %arg22: memref<!tpu.dma_semaphore, #tpu.memory_space<semaphore_mem>>, %arg23: memref<!tpu.dma_semaphore, #tpu.memory_space<semaphore_mem>>) attributes {dimension_semantics = [#tpu.dimension_semantics<core_parallel>, #tpu.dimension_semantics<subcore_parallel>], iteration_bounds = array<i64: 2, 16>, scalar_prefetch = 0 : i64, scratch_operands = 17 : i64, tpu.core_type = #tpu.core_type<sc_vector_subcore>, window_params = [{transform_indices = #map}, {transform_indices = #map1}, {transform_indices = #map1}, {transform_indices = #map}, {transform_indices = #map2}]} {
    %mul3A = arith.constant 2 : i32
    %mul3A_0 = arith.muli %arg1, %mul3A : i32
    %add3A = arith.addi %mul3A_0, %arg0 : i32
    %mul3A_1 = arith.constant 10000 : i32
    %mul3A_2 = arith.muli %add3A, %mul3A_1 : i32
    "tpu.region"() ({
      %run_scoped3A = tpu.sem_alloc : memref<!tpu.dma_semaphore, #tpu.memory_space<semaphore_mem>>
      %dma_start3A_97 = tpu.memref_slice %arg3[%mul3A_2] : memref<320000xi32, #tpu.memory_space<hbm>> -> memref<10000xi32, #tpu.memory_space<hbm>>
      %dma_start3A_98 = tpu.memref_slice %arg3[%mul3A_2] : memref<320000xi32, #tpu.memory_space<hbm>> -> memref<10000xi32, #tpu.memory_space<hbm>>
      tpu.enqueue_dma source(%dma_start3A_98 : memref<10000xi32, #tpu.memory_space<hbm>>) target(%arg7 : memref<10000xi32, #tpu.memory_space<vmem>>) target_semaphore(%run_scoped3A : memref<!tpu.dma_semaphore, #tpu.memory_space<semaphore_mem>>)
      %dma_wait3A_99 = tpu.memref_slice %arg3[%mul3A_2] : memref<320000xi32, #tpu.memory_space<hbm>> -> memref<10000xi32, #tpu.memory_space<hbm>>
      %dma_wait3A_100 = tpu.memref_slice %arg3[%mul3A_2] : memref<320000xi32, #tpu.memory_space<hbm>> -> memref<10000xi32, #tpu.memory_space<hbm>>
      tpu.wait_dma2 semaphore(%run_scoped3A : memref<!tpu.dma_semaphore, #tpu.memory_space<semaphore_mem>>) src(%dma_wait3A_100 : memref<10000xi32, #tpu.memory_space<hbm>>) dst(%arg7 : memref<10000xi32, #tpu.memory_space<vmem>>)
      tpu.yield
    }) : () -> ()
    %add3A_3 = arith.constant 0 : i32
    %add3A_4 = arith.addi %mul3A_2, %add3A_3 : i32
    %dma_start3A = tpu.memref_slice %arg4[%add3A_4] : memref<320000xi32, #tpu.memory_space<hbm>> -> memref<80xi32, #tpu.memory_space<hbm>>
    %dma_start3A_5 = tpu.memref_slice %arg4[%add3A_4] : memref<320000xi32, #tpu.memory_space<hbm>> -> memref<80xi32, #tpu.memory_space<hbm>>
    tpu.enqueue_dma source(%dma_start3A_5 : memref<80xi32, #tpu.memory_space<hbm>>) target(%arg8 : memref<80xi32, #tpu.memory_space<vmem>>) target_semaphore(%arg15 : memref<!tpu.dma_semaphore, #tpu.memory_space<semaphore_mem>>)
    %dma_start3A_6 = arith.constant 0 : i32
    %dma_start3A_7 = tpu.memref_slice %arg7[%dma_start3A_6] : memref<10000xi32, #tpu.memory_space<vmem>> -> memref<80xi32, #tpu.memory_space<vmem>>
    %dma_start3A_8 = arith.constant 0 : i32
    %dma_start3A_9 = arith.constant 0 : i32
    %dma_start3A_10 = tpu.memref_slice %arg2[%dma_start3A_8, %dma_start3A_9] : memref<10000x128xf32, #tpu.memory_space<hbm>> -> memref<10000x128xf32, #tpu.memory_space<hbm>>
    tpu.enqueue_indirect_dma source(%dma_start3A_10 : memref<10000x128xf32, #tpu.memory_space<hbm>>) target(%arg11 : memref<80x128xf32, #tpu.memory_space<vmem>>) offsets(%dma_start3A_7 : memref<80xi32, #tpu.memory_space<vmem>>) semaphore(%arg18 : memref<!tpu.dma_semaphore, #tpu.memory_space<semaphore_mem>>)
    %add3A_11 = arith.constant 80 : i32
    %add3A_12 = arith.addi %mul3A_2, %add3A_11 : i32
    %dma_start3A_13 = tpu.memref_slice %arg4[%add3A_12] : memref<320000xi32, #tpu.memory_space<hbm>> -> memref<80xi32, #tpu.memory_space<hbm>>
    %dma_start3A_14 = tpu.memref_slice %arg4[%add3A_12] : memref<320000xi32, #tpu.memory_space<hbm>> -> memref<80xi32, #tpu.memory_space<hbm>>
    tpu.enqueue_dma source(%dma_start3A_14 : memref<80xi32, #tpu.memory_space<hbm>>) target(%arg9 : memref<80xi32, #tpu.memory_space<vmem>>) target_semaphore(%arg16 : memref<!tpu.dma_semaphore, #tpu.memory_space<semaphore_mem>>)
    %dma_start3A_15 = arith.constant 80 : i32
    %dma_start3A_16 = tpu.memref_slice %arg7[%dma_start3A_15] : memref<10000xi32, #tpu.memory_space<vmem>> -> memref<80xi32, #tpu.memory_space<vmem>>
    %dma_start3A_17 = arith.constant 0 : i32
    %dma_start3A_18 = arith.constant 0 : i32
    %dma_start3A_19 = tpu.memref_slice %arg2[%dma_start3A_17, %dma_start3A_18] : memref<10000x128xf32, #tpu.memory_space<hbm>> -> memref<10000x128xf32, #tpu.memory_space<hbm>>
    tpu.enqueue_indirect_dma source(%dma_start3A_19 : memref<10000x128xf32, #tpu.memory_space<hbm>>) target(%arg12 : memref<80x128xf32, #tpu.memory_space<vmem>>) offsets(%dma_start3A_16 : memref<80xi32, #tpu.memory_space<vmem>>) semaphore(%arg19 : memref<!tpu.dma_semaphore, #tpu.memory_space<semaphore_mem>>)
    %add3A_20 = arith.constant 160 : i32
    %add3A_21 = arith.addi %mul3A_2, %add3A_20 : i32
    %dma_start3A_22 = tpu.memref_slice %arg4[%add3A_21] : memref<320000xi32, #tpu.memory_space<hbm>> -> memref<80xi32, #tpu.memory_space<hbm>>
    %dma_start3A_23 = tpu.memref_slice %arg4[%add3A_21] : memref<320000xi32, #tpu.memory_space<hbm>> -> memref<80xi32, #tpu.memory_space<hbm>>
    tpu.enqueue_dma source(%dma_start3A_23 : memref<80xi32, #tpu.memory_space<hbm>>) target(%arg10 : memref<80xi32, #tpu.memory_space<vmem>>) target_semaphore(%arg17 : memref<!tpu.dma_semaphore, #tpu.memory_space<semaphore_mem>>)
    %dma_start3A_24 = arith.constant 160 : i32
    %dma_start3A_25 = tpu.memref_slice %arg7[%dma_start3A_24] : memref<10000xi32, #tpu.memory_space<vmem>> -> memref<80xi32, #tpu.memory_space<vmem>>
    %dma_start3A_26 = arith.constant 0 : i32
    %dma_start3A_27 = arith.constant 0 : i32
    %dma_start3A_28 = tpu.memref_slice %arg2[%dma_start3A_26, %dma_start3A_27] : memref<10000x128xf32, #tpu.memory_space<hbm>> -> memref<10000x128xf32, #tpu.memory_space<hbm>>
    tpu.enqueue_indirect_dma source(%dma_start3A_28 : memref<10000x128xf32, #tpu.memory_space<hbm>>) target(%arg13 : memref<80x128xf32, #tpu.memory_space<vmem>>) offsets(%dma_start3A_25 : memref<80xi32, #tpu.memory_space<vmem>>) semaphore(%arg20 : memref<!tpu.dma_semaphore, #tpu.memory_space<semaphore_mem>>)
    %mul3A_29 = arith.constant 640 : i32
    %mul3A_30 = arith.muli %arg1, %mul3A_29 : i32
    "tpu.region"() ({
      %run_scoped3A = tpu.sem_alloc : memref<!tpu.dma_semaphore, #tpu.memory_space<semaphore_mem>>
      %dma_start3A_97 = arith.constant 0 : i32
      %dma_start3A_98 = tpu.memref_slice %arg14[%mul3A_30, %dma_start3A_97] : memref<10240x128xf32, #tpu.memory_space<vmem_shared>> -> memref<640x128xf32, #tpu.memory_space<vmem_shared>>
      tpu.enqueue_dma source(%arg5 : memref<640x128xf32, #tpu.memory_space<hbm>>) target(%dma_start3A_98 : memref<640x128xf32, #tpu.memory_space<vmem_shared>>) target_semaphore(%run_scoped3A : memref<!tpu.dma_semaphore, #tpu.memory_space<semaphore_mem>>)
      %dma_wait3A_99 = arith.constant 0 : i32
      %dma_wait3A_100 = tpu.memref_slice %arg14[%mul3A_30, %dma_wait3A_99] : memref<10240x128xf32, #tpu.memory_space<vmem_shared>> -> memref<640x128xf32, #tpu.memory_space<vmem_shared>>
      tpu.wait_dma2 semaphore(%run_scoped3A : memref<!tpu.dma_semaphore, #tpu.memory_space<semaphore_mem>>) src(%arg5 : memref<640x128xf32, #tpu.memory_space<hbm>>) dst(%dma_wait3A_100 : memref<640x128xf32, #tpu.memory_space<vmem_shared>>)
      tpu.yield
    }) : () -> ()
    %barrier3A = arith.constant 0 : index
    tpu.barrier barrier_id(%barrier3A)
    %scan3A = arith.constant 0 : i32
    %scan3A_31 = arith.constant 0 : i32
    %scan3A_32 = arith.constant 41 : i32
    %scan3A_33 = arith.addi %scan3A_31, %scan3A_32 : i32
    %scan3A_34 = arith.constant 1 : i32
    scf.for %scan3A_97 = %scan3A_31 to %scan3A_33 step %scan3A_34  : i32 {
      %dma_wait3A_98 = arith.constant 0 : i32
      %dma_wait3A_99 = tpu.memref_slice %arg7[%dma_wait3A_98] : memref<10000xi32, #tpu.memory_space<vmem>> -> memref<80xi32, #tpu.memory_space<vmem>>
      %dma_wait3A_100 = arith.constant 0 : i32
      %dma_wait3A_101 = arith.constant 0 : i32
      %dma_wait3A_102 = tpu.memref_slice %arg2[%dma_wait3A_100, %dma_wait3A_101] : memref<10000x128xf32, #tpu.memory_space<hbm>> -> memref<10000x128xf32, #tpu.memory_space<hbm>>
      tpu.wait_indirect_dma semaphore(%arg18 : memref<!tpu.dma_semaphore, #tpu.memory_space<semaphore_mem>>) src(%dma_wait3A_102 : memref<10000x128xf32, #tpu.memory_space<hbm>>) dst(%arg11 : memref<80x128xf32, #tpu.memory_space<vmem>>)
      %dma_wait3A_103 = arith.constant 0 : i32
      %dma_wait3A_104 = tpu.memref_slice %arg4[%dma_wait3A_103] : memref<320000xi32, #tpu.memory_space<hbm>> -> memref<80xi32, #tpu.memory_space<hbm>>
      %dma_wait3A_105 = arith.constant 0 : i32
      %dma_wait3A_106 = tpu.memref_slice %arg4[%dma_wait3A_105] : memref<320000xi32, #tpu.memory_space<hbm>> -> memref<80xi32, #tpu.memory_space<hbm>>
      tpu.wait_dma2 semaphore(%arg15 : memref<!tpu.dma_semaphore, #tpu.memory_space<semaphore_mem>>) src(%dma_wait3A_106 : memref<80xi32, #tpu.memory_space<hbm>>) dst(%arg8 : memref<80xi32, #tpu.memory_space<vmem>>)
      %dma_start3A_107 = arith.constant 0 : i32
      %dma_start3A_108 = arith.constant 0 : i32
      %dma_start3A_109 = tpu.memref_slice %arg14[%dma_start3A_107, %dma_start3A_108] : memref<10240x128xf32, #tpu.memory_space<vmem_shared>> -> memref<10240x128xf32, #tpu.memory_space<vmem_shared>>
      tpu.enqueue_indirect_dma source(%arg11 : memref<80x128xf32, #tpu.memory_space<vmem>>) target(%dma_start3A_109 : memref<10240x128xf32, #tpu.memory_space<vmem_shared>>) offsets(%arg8 : memref<80xi32, #tpu.memory_space<vmem>>) semaphore(%arg21 : memref<!tpu.dma_semaphore, #tpu.memory_space<semaphore_mem>>) {add = true}
      %dma_wait3A_110 = arith.constant 0 : i32
      %dma_wait3A_111 = tpu.memref_slice %arg7[%dma_wait3A_110] : memref<10000xi32, #tpu.memory_space<vmem>> -> memref<80xi32, #tpu.memory_space<vmem>>
      %dma_wait3A_112 = arith.constant 0 : i32
      %dma_wait3A_113 = arith.constant 0 : i32
      %dma_wait3A_114 = tpu.memref_slice %arg2[%dma_wait3A_112, %dma_wait3A_113] : memref<10000x128xf32, #tpu.memory_space<hbm>> -> memref<10000x128xf32, #tpu.memory_space<hbm>>
      tpu.wait_indirect_dma semaphore(%arg19 : memref<!tpu.dma_semaphore, #tpu.memory_space<semaphore_mem>>) src(%dma_wait3A_114 : memref<10000x128xf32, #tpu.memory_space<hbm>>) dst(%arg12 : memref<80x128xf32, #tpu.memory_space<vmem>>)
      %dma_wait3A_115 = arith.constant 0 : i32
      %dma_wait3A_116 = tpu.memref_slice %arg4[%dma_wait3A_115] : memref<320000xi32, #tpu.memory_space<hbm>> -> memref<80xi32, #tpu.memory_space<hbm>>
      %dma_wait3A_117 = arith.constant 0 : i32
      %dma_wait3A_118 = tpu.memref_slice %arg4[%dma_wait3A_117] : memref<320000xi32, #tpu.memory_space<hbm>> -> memref<80xi32, #tpu.memory_space<hbm>>
      tpu.wait_dma2 semaphore(%arg16 : memref<!tpu.dma_semaphore, #tpu.memory_space<semaphore_mem>>) src(%dma_wait3A_118 : memref<80xi32, #tpu.memory_space<hbm>>) dst(%arg9 : memref<80xi32, #tpu.memory_space<vmem>>)
      %dma_start3A_119 = arith.constant 0 : i32
      %dma_start3A_120 = arith.constant 0 : i32
      %dma_start3A_121 = tpu.memref_slice %arg14[%dma_start3A_119, %dma_start3A_120] : memref<10240x128xf32, #tpu.memory_space<vmem_shared>> -> memref<10240x128xf32, #tpu.memory_space<vmem_shared>>
      tpu.enqueue_indirect_dma source(%arg12 : memref<80x128xf32, #tpu.memory_space<vmem>>) target(%dma_start3A_121 : memref<10240x128xf32, #tpu.memory_space<vmem_shared>>) offsets(%arg9 : memref<80xi32, #tpu.memory_space<vmem>>) semaphore(%arg22 : memref<!tpu.dma_semaphore, #tpu.memory_space<semaphore_mem>>) {add = true}
      %dma_wait3A_122 = arith.constant 0 : i32
      %dma_wait3A_123 = tpu.memref_slice %arg7[%dma_wait3A_122] : memref<10000xi32, #tpu.memory_space<vmem>> -> memref<80xi32, #tpu.memory_space<vmem>>
      %dma_wait3A_124 = arith.constant 0 : i32
      %dma_wait3A_125 = arith.constant 0 : i32
      %dma_wait3A_126 = tpu.memref_slice %arg2[%dma_wait3A_124, %dma_wait3A_125] : memref<10000x128xf32, #tpu.memory_space<hbm>> -> memref<10000x128xf32, #tpu.memory_space<hbm>>
      tpu.wait_indirect_dma semaphore(%arg20 : memref<!tpu.dma_semaphore, #tpu.memory_space<semaphore_mem>>) src(%dma_wait3A_126 : memref<10000x128xf32, #tpu.memory_space<hbm>>) dst(%arg13 : memref<80x128xf32, #tpu.memory_space<vmem>>)
      %dma_wait3A_127 = arith.constant 0 : i32
      %dma_wait3A_128 = tpu.memref_slice %arg4[%dma_wait3A_127] : memref<320000xi32, #tpu.memory_space<hbm>> -> memref<80xi32, #tpu.memory_space<hbm>>
      %dma_wait3A_129 = arith.constant 0 : i32
      %dma_wait3A_130 = tpu.memref_slice %arg4[%dma_wait3A_129] : memref<320000xi32, #tpu.memory_space<hbm>> -> memref<80xi32, #tpu.memory_space<hbm>>
      tpu.wait_dma2 semaphore(%arg17 : memref<!tpu.dma_semaphore, #tpu.memory_space<semaphore_mem>>) src(%dma_wait3A_130 : memref<80xi32, #tpu.memory_space<hbm>>) dst(%arg10 : memref<80xi32, #tpu.memory_space<vmem>>)
      %dma_start3A_131 = arith.constant 0 : i32
      %dma_start3A_132 = arith.constant 0 : i32
      %dma_start3A_133 = tpu.memref_slice %arg14[%dma_start3A_131, %dma_start3A_132] : memref<10240x128xf32, #tpu.memory_space<vmem_shared>> -> memref<10240x128xf32, #tpu.memory_space<vmem_shared>>
      tpu.enqueue_indirect_dma source(%arg13 : memref<80x128xf32, #tpu.memory_space<vmem>>) target(%dma_start3A_133 : memref<10240x128xf32, #tpu.memory_space<vmem_shared>>) offsets(%arg10 : memref<80xi32, #tpu.memory_space<vmem>>) semaphore(%arg23 : memref<!tpu.dma_semaphore, #tpu.memory_space<semaphore_mem>>) {add = true}
      %lt3A = arith.constant 40 : i32
      %lt3A_134 = arith.cmpi slt, %scan3A_97, %lt3A : i32
      %convert_element_type3A = arith.extui %lt3A_134 : i1 to i32
      %cond3A = arith.constant 0 : i32
      %cond3A_135 = arith.cmpi ne, %convert_element_type3A, %cond3A : i32
      scf.if %cond3A_135 {
        %dma_wait3A_146 = arith.constant 0 : i32
        %dma_wait3A_147 = arith.constant 0 : i32
        %dma_wait3A_148 = tpu.memref_slice %arg14[%dma_wait3A_146, %dma_wait3A_147] : memref<10240x128xf32, #tpu.memory_space<vmem_shared>> -> memref<10240x128xf32, #tpu.memory_space<vmem_shared>>
        tpu.wait_indirect_dma semaphore(%arg21 : memref<!tpu.dma_semaphore, #tpu.memory_space<semaphore_mem>>) src(%arg11 : memref<80x128xf32, #tpu.memory_space<vmem>>) dst(%dma_wait3A_148 : memref<10240x128xf32, #tpu.memory_space<vmem_shared>>)
        %mul3A_149 = arith.constant 3 : i32
        %mul3A_150 = arith.muli %mul3A_149, %scan3A_97 : i32
        %add3A_151 = arith.constant 3 : i32
        %add3A_152 = arith.addi %mul3A_150, %add3A_151 : i32
        %add3A_153 = arith.constant 0 : i32
        %add3A_154 = arith.addi %add3A_152, %add3A_153 : i32
        %mul3A_155 = arith.constant 80 : i32
        %mul3A_156 = arith.muli %add3A_154, %mul3A_155 : i32
        %add3A_157 = arith.addi %mul3A_2, %mul3A_156 : i32
        %dma_start3A_158 = tpu.memref_slice %arg4[%add3A_157] : memref<320000xi32, #tpu.memory_space<hbm>> -> memref<80xi32, #tpu.memory_space<hbm>>
        %dma_start3A_159 = tpu.memref_slice %arg4[%add3A_157] : memref<320000xi32, #tpu.memory_space<hbm>> -> memref<80xi32, #tpu.memory_space<hbm>>
        tpu.enqueue_dma source(%dma_start3A_159 : memref<80xi32, #tpu.memory_space<hbm>>) target(%arg8 : memref<80xi32, #tpu.memory_space<vmem>>) target_semaphore(%arg15 : memref<!tpu.dma_semaphore, #tpu.memory_space<semaphore_mem>>)
        %mul3A_160 = arith.constant 3 : i32
        %mul3A_161 = arith.muli %mul3A_160, %scan3A_97 : i32
        %add3A_162 = arith.constant 3 : i32
        %add3A_163 = arith.addi %mul3A_161, %add3A_162 : i32
        %add3A_164 = arith.constant 0 : i32
        %add3A_165 = arith.addi %add3A_163, %add3A_164 : i32
        %mul3A_166 = arith.constant 80 : i32
        %mul3A_167 = arith.muli %add3A_165, %mul3A_166 : i32
        %dma_start3A_168 = tpu.memref_slice %arg7[%mul3A_167] : memref<10000xi32, #tpu.memory_space<vmem>> -> memref<80xi32, #tpu.memory_space<vmem>>
        %dma_start3A_169 = arith.constant 0 : i32
        %dma_start3A_170 = arith.constant 0 : i32
        %dma_start3A_171 = tpu.memref_slice %arg2[%dma_start3A_169, %dma_start3A_170] : memref<10000x128xf32, #tpu.memory_space<hbm>> -> memref<10000x128xf32, #tpu.memory_space<hbm>>
        tpu.enqueue_indirect_dma source(%dma_start3A_171 : memref<10000x128xf32, #tpu.memory_space<hbm>>) target(%arg11 : memref<80x128xf32, #tpu.memory_space<vmem>>) offsets(%dma_start3A_168 : memref<80xi32, #tpu.memory_space<vmem>>) semaphore(%arg18 : memref<!tpu.dma_semaphore, #tpu.memory_space<semaphore_mem>>)
      } else {
      }
      %lt3A_136 = arith.constant 40 : i32
      %lt3A_137 = arith.cmpi slt, %scan3A_97, %lt3A_136 : i32
      %convert_element_type3A_138 = arith.extui %lt3A_137 : i1 to i32
      %cond3A_139 = arith.constant 0 : i32
      %cond3A_140 = arith.cmpi ne, %convert_element_type3A_138, %cond3A_139 : i32
      scf.if %cond3A_140 {
        %dma_wait3A_146 = arith.constant 0 : i32
        %dma_wait3A_147 = arith.constant 0 : i32
        %dma_wait3A_148 = tpu.memref_slice %arg14[%dma_wait3A_146, %dma_wait3A_147] : memref<10240x128xf32, #tpu.memory_space<vmem_shared>> -> memref<10240x128xf32, #tpu.memory_space<vmem_shared>>
        tpu.wait_indirect_dma semaphore(%arg22 : memref<!tpu.dma_semaphore, #tpu.memory_space<semaphore_mem>>) src(%arg12 : memref<80x128xf32, #tpu.memory_space<vmem>>) dst(%dma_wait3A_148 : memref<10240x128xf32, #tpu.memory_space<vmem_shared>>)
        %mul3A_149 = arith.constant 3 : i32
        %mul3A_150 = arith.muli %mul3A_149, %scan3A_97 : i32
        %add3A_151 = arith.constant 3 : i32
        %add3A_152 = arith.addi %mul3A_150, %add3A_151 : i32
        %add3A_153 = arith.constant 1 : i32
        %add3A_154 = arith.addi %add3A_152, %add3A_153 : i32
        %mul3A_155 = arith.constant 80 : i32
        %mul3A_156 = arith.muli %add3A_154, %mul3A_155 : i32
        %add3A_157 = arith.addi %mul3A_2, %mul3A_156 : i32
        %dma_start3A_158 = tpu.memref_slice %arg4[%add3A_157] : memref<320000xi32, #tpu.memory_space<hbm>> -> memref<80xi32, #tpu.memory_space<hbm>>
        %dma_start3A_159 = tpu.memref_slice %arg4[%add3A_157] : memref<320000xi32, #tpu.memory_space<hbm>> -> memref<80xi32, #tpu.memory_space<hbm>>
        tpu.enqueue_dma source(%dma_start3A_159 : memref<80xi32, #tpu.memory_space<hbm>>) target(%arg9 : memref<80xi32, #tpu.memory_space<vmem>>) target_semaphore(%arg16 : memref<!tpu.dma_semaphore, #tpu.memory_space<semaphore_mem>>)
        %mul3A_160 = arith.constant 3 : i32
        %mul3A_161 = arith.muli %mul3A_160, %scan3A_97 : i32
        %add3A_162 = arith.constant 3 : i32
        %add3A_163 = arith.addi %mul3A_161, %add3A_162 : i32
        %add3A_164 = arith.constant 1 : i32
        %add3A_165 = arith.addi %add3A_163, %add3A_164 : i32
        %mul3A_166 = arith.constant 80 : i32
        %mul3A_167 = arith.muli %add3A_165, %mul3A_166 : i32
        %dma_start3A_168 = tpu.memref_slice %arg7[%mul3A_167] : memref<10000xi32, #tpu.memory_space<vmem>> -> memref<80xi32, #tpu.memory_space<vmem>>
        %dma_start3A_169 = arith.constant 0 : i32
        %dma_start3A_170 = arith.constant 0 : i32
        %dma_start3A_171 = tpu.memref_slice %arg2[%dma_start3A_169, %dma_start3A_170] : memref<10000x128xf32, #tpu.memory_space<hbm>> -> memref<10000x128xf32, #tpu.memory_space<hbm>>
        tpu.enqueue_indirect_dma source(%dma_start3A_171 : memref<10000x128xf32, #tpu.memory_space<hbm>>) target(%arg12 : memref<80x128xf32, #tpu.memory_space<vmem>>) offsets(%dma_start3A_168 : memref<80xi32, #tpu.memory_space<vmem>>) semaphore(%arg19 : memref<!tpu.dma_semaphore, #tpu.memory_space<semaphore_mem>>)
      } else {
      }
      %lt3A_141 = arith.constant 40 : i32
      %lt3A_142 = arith.cmpi slt, %scan3A_97, %lt3A_141 : i32
      %convert_element_type3A_143 = arith.extui %lt3A_142 : i1 to i32
      %cond3A_144 = arith.constant 0 : i32
      %cond3A_145 = arith.cmpi ne, %convert_element_type3A_143, %cond3A_144 : i32
      scf.if %cond3A_145 {
        %dma_wait3A_146 = arith.constant 0 : i32
        %dma_wait3A_147 = arith.constant 0 : i32
        %dma_wait3A_148 = tpu.memref_slice %arg14[%dma_wait3A_146, %dma_wait3A_147] : memref<10240x128xf32, #tpu.memory_space<vmem_shared>> -> memref<10240x128xf32, #tpu.memory_space<vmem_shared>>
        tpu.wait_indirect_dma semaphore(%arg23 : memref<!tpu.dma_semaphore, #tpu.memory_space<semaphore_mem>>) src(%arg13 : memref<80x128xf32, #tpu.memory_space<vmem>>) dst(%dma_wait3A_148 : memref<10240x128xf32, #tpu.memory_space<vmem_shared>>)
        %mul3A_149 = arith.constant 3 : i32
        %mul3A_150 = arith.muli %mul3A_149, %scan3A_97 : i32
        %add3A_151 = arith.constant 3 : i32
        %add3A_152 = arith.addi %mul3A_150, %add3A_151 : i32
        %add3A_153 = arith.constant 2 : i32
        %add3A_154 = arith.addi %add3A_152, %add3A_153 : i32
        %mul3A_155 = arith.constant 80 : i32
        %mul3A_156 = arith.muli %add3A_154, %mul3A_155 : i32
        %add3A_157 = arith.addi %mul3A_2, %mul3A_156 : i32
        %dma_start3A_158 = tpu.memref_slice %arg4[%add3A_157] : memref<320000xi32, #tpu.memory_space<hbm>> -> memref<80xi32, #tpu.memory_space<hbm>>
        %dma_start3A_159 = tpu.memref_slice %arg4[%add3A_157] : memref<320000xi32, #tpu.memory_space<hbm>> -> memref<80xi32, #tpu.memory_space<hbm>>
        tpu.enqueue_dma source(%dma_start3A_159 : memref<80xi32, #tpu.memory_space<hbm>>) target(%arg10 : memref<80xi32, #tpu.memory_space<vmem>>) target_semaphore(%arg17 : memref<!tpu.dma_semaphore, #tpu.memory_space<semaphore_mem>>)
        %mul3A_160 = arith.constant 3 : i32
        %mul3A_161 = arith.muli %mul3A_160, %scan3A_97 : i32
        %add3A_162 = arith.constant 3 : i32
        %add3A_163 = arith.addi %mul3A_161, %add3A_162 : i32
        %add3A_164 = arith.constant 2 : i32
        %add3A_165 = arith.addi %add3A_163, %add3A_164 : i32
        %mul3A_166 = arith.constant 80 : i32
        %mul3A_167 = arith.muli %add3A_165, %mul3A_166 : i32
        %dma_start3A_168 = tpu.memref_slice %arg7[%mul3A_167] : memref<10000xi32, #tpu.memory_space<vmem>> -> memref<80xi32, #tpu.memory_space<vmem>>
        %dma_start3A_169 = arith.constant 0 : i32
        %dma_start3A_170 = arith.constant 0 : i32
        %dma_start3A_171 = tpu.memref_slice %arg2[%dma_start3A_169, %dma_start3A_170] : memref<10000x128xf32, #tpu.memory_space<hbm>> -> memref<10000x128xf32, #tpu.memory_space<hbm>>
        tpu.enqueue_indirect_dma source(%dma_start3A_171 : memref<10000x128xf32, #tpu.memory_space<hbm>>) target(%arg13 : memref<80x128xf32, #tpu.memory_space<vmem>>) offsets(%dma_start3A_168 : memref<80xi32, #tpu.memory_space<vmem>>) semaphore(%arg20 : memref<!tpu.dma_semaphore, #tpu.memory_space<semaphore_mem>>)
      } else {
      }
    }
    %scan3A_35 = arith.constant 41 : i32
    %dma_wait3A = arith.constant 0 : i32
    %dma_wait3A_36 = arith.constant 0 : i32
    %dma_wait3A_37 = tpu.memref_slice %arg14[%dma_wait3A, %dma_wait3A_36] : memref<10240x128xf32, #tpu.memory_space<vmem_shared>> -> memref<10240x128xf32, #tpu.memory_space<vmem_shared>>
    tpu.wait_indirect_dma semaphore(%arg21 : memref<!tpu.dma_semaphore, #tpu.memory_space<semaphore_mem>>) src(%arg11 : memref<80x128xf32, #tpu.memory_space<vmem>>) dst(%dma_wait3A_37 : memref<10240x128xf32, #tpu.memory_space<vmem_shared>>)
    %dma_wait3A_38 = arith.constant 0 : i32
    %dma_wait3A_39 = arith.constant 0 : i32
    %dma_wait3A_40 = tpu.memref_slice %arg14[%dma_wait3A_38, %dma_wait3A_39] : memref<10240x128xf32, #tpu.memory_space<vmem_shared>> -> memref<10240x128xf32, #tpu.memory_space<vmem_shared>>
    tpu.wait_indirect_dma semaphore(%arg22 : memref<!tpu.dma_semaphore, #tpu.memory_space<semaphore_mem>>) src(%arg12 : memref<80x128xf32, #tpu.memory_space<vmem>>) dst(%dma_wait3A_40 : memref<10240x128xf32, #tpu.memory_space<vmem_shared>>)
    %dma_wait3A_41 = arith.constant 0 : i32
    %dma_wait3A_42 = arith.constant 0 : i32
    %dma_wait3A_43 = tpu.memref_slice %arg14[%dma_wait3A_41, %dma_wait3A_42] : memref<10240x128xf32, #tpu.memory_space<vmem_shared>> -> memref<10240x128xf32, #tpu.memory_space<vmem_shared>>
    tpu.wait_indirect_dma semaphore(%arg23 : memref<!tpu.dma_semaphore, #tpu.memory_space<semaphore_mem>>) src(%arg13 : memref<80x128xf32, #tpu.memory_space<vmem>>) dst(%dma_wait3A_43 : memref<10240x128xf32, #tpu.memory_space<vmem_shared>>)
    %add3A_44 = arith.constant 9840 : i32
    %add3A_45 = arith.addi %mul3A_2, %add3A_44 : i32
    %dma_start3A_46 = tpu.memref_slice %arg4[%add3A_45] : memref<320000xi32, #tpu.memory_space<hbm>> -> memref<80xi32, #tpu.memory_space<hbm>>
    %dma_start3A_47 = tpu.memref_slice %arg4[%add3A_45] : memref<320000xi32, #tpu.memory_space<hbm>> -> memref<80xi32, #tpu.memory_space<hbm>>
    tpu.enqueue_dma source(%dma_start3A_47 : memref<80xi32, #tpu.memory_space<hbm>>) target(%arg8 : memref<80xi32, #tpu.memory_space<vmem>>) target_semaphore(%arg15 : memref<!tpu.dma_semaphore, #tpu.memory_space<semaphore_mem>>)
    %dma_start3A_48 = arith.constant 9840 : i32
    %dma_start3A_49 = tpu.memref_slice %arg7[%dma_start3A_48] : memref<10000xi32, #tpu.memory_space<vmem>> -> memref<80xi32, #tpu.memory_space<vmem>>
    %dma_start3A_50 = arith.constant 0 : i32
    %dma_start3A_51 = arith.constant 0 : i32
    %dma_start3A_52 = tpu.memref_slice %arg2[%dma_start3A_50, %dma_start3A_51] : memref<10000x128xf32, #tpu.memory_space<hbm>> -> memref<10000x128xf32, #tpu.memory_space<hbm>>
    tpu.enqueue_indirect_dma source(%dma_start3A_52 : memref<10000x128xf32, #tpu.memory_space<hbm>>) target(%arg11 : memref<80x128xf32, #tpu.memory_space<vmem>>) offsets(%dma_start3A_49 : memref<80xi32, #tpu.memory_space<vmem>>) semaphore(%arg18 : memref<!tpu.dma_semaphore, #tpu.memory_space<semaphore_mem>>)
    %dma_wait3A_53 = arith.constant 0 : i32
    %dma_wait3A_54 = tpu.memref_slice %arg4[%dma_wait3A_53] : memref<320000xi32, #tpu.memory_space<hbm>> -> memref<80xi32, #tpu.memory_space<hbm>>
    %dma_wait3A_55 = arith.constant 0 : i32
    %dma_wait3A_56 = tpu.memref_slice %arg4[%dma_wait3A_55] : memref<320000xi32, #tpu.memory_space<hbm>> -> memref<80xi32, #tpu.memory_space<hbm>>
    tpu.wait_dma2 semaphore(%arg15 : memref<!tpu.dma_semaphore, #tpu.memory_space<semaphore_mem>>) src(%dma_wait3A_56 : memref<80xi32, #tpu.memory_space<hbm>>) dst(%arg8 : memref<80xi32, #tpu.memory_space<vmem>>)
    %dma_wait3A_57 = arith.constant 0 : i32
    %dma_wait3A_58 = tpu.memref_slice %arg7[%dma_wait3A_57] : memref<10000xi32, #tpu.memory_space<vmem>> -> memref<80xi32, #tpu.memory_space<vmem>>
    %dma_wait3A_59 = arith.constant 0 : i32
    %dma_wait3A_60 = arith.constant 0 : i32
    %dma_wait3A_61 = tpu.memref_slice %arg2[%dma_wait3A_59, %dma_wait3A_60] : memref<10000x128xf32, #tpu.memory_space<hbm>> -> memref<10000x128xf32, #tpu.memory_space<hbm>>
    tpu.wait_indirect_dma semaphore(%arg18 : memref<!tpu.dma_semaphore, #tpu.memory_space<semaphore_mem>>) src(%dma_wait3A_61 : memref<10000x128xf32, #tpu.memory_space<hbm>>) dst(%arg11 : memref<80x128xf32, #tpu.memory_space<vmem>>)
    %dma_start3A_62 = arith.constant 0 : i32
    %dma_start3A_63 = arith.constant 0 : i32
    %dma_start3A_64 = tpu.memref_slice %arg14[%dma_start3A_62, %dma_start3A_63] : memref<10240x128xf32, #tpu.memory_space<vmem_shared>> -> memref<10240x128xf32, #tpu.memory_space<vmem_shared>>
    tpu.enqueue_indirect_dma source(%arg11 : memref<80x128xf32, #tpu.memory_space<vmem>>) target(%dma_start3A_64 : memref<10240x128xf32, #tpu.memory_space<vmem_shared>>) offsets(%arg8 : memref<80xi32, #tpu.memory_space<vmem>>) semaphore(%arg21 : memref<!tpu.dma_semaphore, #tpu.memory_space<semaphore_mem>>) {add = true}
    %dma_wait3A_65 = arith.constant 0 : i32
    %dma_wait3A_66 = arith.constant 0 : i32
    %dma_wait3A_67 = tpu.memref_slice %arg14[%dma_wait3A_65, %dma_wait3A_66] : memref<10240x128xf32, #tpu.memory_space<vmem_shared>> -> memref<10240x128xf32, #tpu.memory_space<vmem_shared>>
    tpu.wait_indirect_dma semaphore(%arg21 : memref<!tpu.dma_semaphore, #tpu.memory_space<semaphore_mem>>) src(%arg11 : memref<80x128xf32, #tpu.memory_space<vmem>>) dst(%dma_wait3A_67 : memref<10240x128xf32, #tpu.memory_space<vmem_shared>>)
    %add3A_68 = arith.constant 9920 : i32
    %add3A_69 = arith.addi %mul3A_2, %add3A_68 : i32
    %dma_start3A_70 = tpu.memref_slice %arg4[%add3A_69] : memref<320000xi32, #tpu.memory_space<hbm>> -> memref<80xi32, #tpu.memory_space<hbm>>
    %dma_start3A_71 = tpu.memref_slice %arg4[%add3A_69] : memref<320000xi32, #tpu.memory_space<hbm>> -> memref<80xi32, #tpu.memory_space<hbm>>
    tpu.enqueue_dma source(%dma_start3A_71 : memref<80xi32, #tpu.memory_space<hbm>>) target(%arg8 : memref<80xi32, #tpu.memory_space<vmem>>) target_semaphore(%arg15 : memref<!tpu.dma_semaphore, #tpu.memory_space<semaphore_mem>>)
    %dma_start3A_72 = arith.constant 9920 : i32
    %dma_start3A_73 = tpu.memref_slice %arg7[%dma_start3A_72] : memref<10000xi32, #tpu.memory_space<vmem>> -> memref<80xi32, #tpu.memory_space<vmem>>
    %dma_start3A_74 = arith.constant 0 : i32
    %dma_start3A_75 = arith.constant 0 : i32
    %dma_start3A_76 = tpu.memref_slice %arg2[%dma_start3A_74, %dma_start3A_75] : memref<10000x128xf32, #tpu.memory_space<hbm>> -> memref<10000x128xf32, #tpu.memory_space<hbm>>
    tpu.enqueue_indirect_dma source(%dma_start3A_76 : memref<10000x128xf32, #tpu.memory_space<hbm>>) target(%arg11 : memref<80x128xf32, #tpu.memory_space<vmem>>) offsets(%dma_start3A_73 : memref<80xi32, #tpu.memory_space<vmem>>) semaphore(%arg18 : memref<!tpu.dma_semaphore, #tpu.memory_space<semaphore_mem>>)
    %dma_wait3A_77 = arith.constant 0 : i32
    %dma_wait3A_78 = tpu.memref_slice %arg4[%dma_wait3A_77] : memref<320000xi32, #tpu.memory_space<hbm>> -> memref<80xi32, #tpu.memory_space<hbm>>
    %dma_wait3A_79 = arith.constant 0 : i32
    %dma_wait3A_80 = tpu.memref_slice %arg4[%dma_wait3A_79] : memref<320000xi32, #tpu.memory_space<hbm>> -> memref<80xi32, #tpu.memory_space<hbm>>
    tpu.wait_dma2 semaphore(%arg15 : memref<!tpu.dma_semaphore, #tpu.memory_space<semaphore_mem>>) src(%dma_wait3A_80 : memref<80xi32, #tpu.memory_space<hbm>>) dst(%arg8 : memref<80xi32, #tpu.memory_space<vmem>>)
    %dma_wait3A_81 = arith.constant 0 : i32
    %dma_wait3A_82 = tpu.memref_slice %arg7[%dma_wait3A_81] : memref<10000xi32, #tpu.memory_space<vmem>> -> memref<80xi32, #tpu.memory_space<vmem>>
    %dma_wait3A_83 = arith.constant 0 : i32
    %dma_wait3A_84 = arith.constant 0 : i32
    %dma_wait3A_85 = tpu.memref_slice %arg2[%dma_wait3A_83, %dma_wait3A_84] : memref<10000x128xf32, #tpu.memory_space<hbm>> -> memref<10000x128xf32, #tpu.memory_space<hbm>>
    tpu.wait_indirect_dma semaphore(%arg18 : memref<!tpu.dma_semaphore, #tpu.memory_space<semaphore_mem>>) src(%dma_wait3A_85 : memref<10000x128xf32, #tpu.memory_space<hbm>>) dst(%arg11 : memref<80x128xf32, #tpu.memory_space<vmem>>)
    %dma_start3A_86 = arith.constant 0 : i32
    %dma_start3A_87 = arith.constant 0 : i32
    %dma_start3A_88 = tpu.memref_slice %arg14[%dma_start3A_86, %dma_start3A_87] : memref<10240x128xf32, #tpu.memory_space<vmem_shared>> -> memref<10240x128xf32, #tpu.memory_space<vmem_shared>>
    tpu.enqueue_indirect_dma source(%arg11 : memref<80x128xf32, #tpu.memory_space<vmem>>) target(%dma_start3A_88 : memref<10240x128xf32, #tpu.memory_space<vmem_shared>>) offsets(%arg8 : memref<80xi32, #tpu.memory_space<vmem>>) semaphore(%arg21 : memref<!tpu.dma_semaphore, #tpu.memory_space<semaphore_mem>>) {add = true}
    %dma_wait3A_89 = arith.constant 0 : i32
    %dma_wait3A_90 = arith.constant 0 : i32
    %dma_wait3A_91 = tpu.memref_slice %arg14[%dma_wait3A_89, %dma_wait3A_90] : memref<10240x128xf32, #tpu.memory_space<vmem_shared>> -> memref<10240x128xf32, #tpu.memory_space<vmem_shared>>
    tpu.wait_indirect_dma semaphore(%arg21 : memref<!tpu.dma_semaphore, #tpu.memory_space<semaphore_mem>>) src(%arg11 : memref<80x128xf32, #tpu.memory_space<vmem>>) dst(%dma_wait3A_91 : memref<10240x128xf32, #tpu.memory_space<vmem_shared>>)
    %barrier3A_92 = arith.constant 0 : index
    tpu.barrier barrier_id(%barrier3A_92)
    %mul3A_93 = arith.constant 640 : i32
    %mul3A_94 = arith.muli %arg1, %mul3A_93 : i32
    %mul3A_95 = arith.constant 640 : i32
    %mul3A_96 = arith.muli %arg1, %mul3A_95 : i32
    "tpu.region"() ({
      %run_scoped3A = tpu.sem_alloc : memref<!tpu.dma_semaphore, #tpu.memory_space<semaphore_mem>>
      %dma_start3A_97 = arith.constant 0 : i32
      %dma_start3A_98 = tpu.memref_slice %arg6[%arg0, %mul3A_96, %dma_start3A_97] : memref<2x10240x128xf32, #tpu.memory_space<hbm>> -> memref<1x640x128xf32, #tpu.memory_space<hbm>>
      %dma_start3A_99 = tpu.memref_squeeze %dma_start3A_98 : memref<1x640x128xf32, #tpu.memory_space<hbm>> -> memref<640x128xf32, #tpu.memory_space<hbm>>
      %dma_start3A_100 = arith.constant 0 : i32
      %dma_start3A_101 = tpu.memref_slice %arg14[%mul3A_94, %dma_start3A_100] : memref<10240x128xf32, #tpu.memory_space<vmem_shared>> -> memref<640x128xf32, #tpu.memory_space<vmem_shared>>
      tpu.enqueue_dma source(%dma_start3A_101 : memref<640x128xf32, #tpu.memory_space<vmem_shared>>) target(%dma_start3A_99 : memref<640x128xf32, #tpu.memory_space<hbm>>) target_semaphore(%run_scoped3A : memref<!tpu.dma_semaphore, #tpu.memory_space<semaphore_mem>>)
      %dma_wait3A_102 = arith.constant 0 : i32
      %dma_wait3A_103 = tpu.memref_slice %arg6[%arg0, %mul3A_96, %dma_wait3A_102] : memref<2x10240x128xf32, #tpu.memory_space<hbm>> -> memref<1x640x128xf32, #tpu.memory_space<hbm>>
      %dma_wait3A_104 = tpu.memref_squeeze %dma_wait3A_103 : memref<1x640x128xf32, #tpu.memory_space<hbm>> -> memref<640x128xf32, #tpu.memory_space<hbm>>
      %dma_wait3A_105 = arith.constant 0 : i32
      %dma_wait3A_106 = tpu.memref_slice %arg14[%mul3A_94, %dma_wait3A_105] : memref<10240x128xf32, #tpu.memory_space<vmem_shared>> -> memref<640x128xf32, #tpu.memory_space<vmem_shared>>
      tpu.wait_dma2 semaphore(%run_scoped3A : memref<!tpu.dma_semaphore, #tpu.memory_space<semaphore_mem>>) src(%dma_wait3A_106 : memref<640x128xf32, #tpu.memory_space<vmem_shared>>) dst(%dma_wait3A_104 : memref<640x128xf32, #tpu.memory_space<hbm>>)
      tpu.yield
    }) : () -> ()
    return
  }
}

#map = affine_map<(d0, d1) -> (0, 0)>
#map1 = affine_map<(d0, d1) -> (0)>
#map2 = affine_map<(d0, d1) -> (0, 0, 0)>
module attributes {stable_mosaic.version = 14 : i64} {
  func.func @_sc_agg(%arg0: i32, %arg1: i32, %arg2: memref<10000x128xf32, #tpu.memory_space<hbm>>, %arg3: memref<320000xi32, #tpu.memory_space<hbm>>, %arg4: memref<320000xi32, #tpu.memory_space<hbm>>, %arg5: memref<640x128xf32, #tpu.memory_space<hbm>>, %arg6: memref<2x10240x128xf32, #tpu.memory_space<hbm>>, %arg7: memref<10000xi32, #tpu.memory_space<vmem>>, %arg8: memref<80xi32, #tpu.memory_space<vmem>>, %arg9: memref<80xi32, #tpu.memory_space<vmem>>, %arg10: memref<80xi32, #tpu.memory_space<vmem>>, %arg11: memref<80x128xf32, #tpu.memory_space<vmem>>, %arg12: memref<80x128xf32, #tpu.memory_space<vmem>>, %arg13: memref<80x128xf32, #tpu.memory_space<vmem>>, %arg14: memref<10240x128xf32, #tpu.memory_space<vmem_shared>>, %arg15: memref<!tpu.dma_semaphore, #tpu.memory_space<semaphore_mem>>, %arg16: memref<!tpu.dma_semaphore, #tpu.memory_space<semaphore_mem>>, %arg17: memref<!tpu.dma_semaphore, #tpu.memory_space<semaphore_mem>>, %arg18: memref<!tpu.dma_semaphore, #tpu.memory_space<semaphore_mem>>, %arg19: memref<!tpu.dma_semaphore, #tpu.memory_space<semaphore_mem>>, %arg20: memref<!tpu.dma_semaphore, #tpu.memory_space<semaphore_mem>>, %arg21: memref<!tpu.dma_semaphore, #tpu.memory_space<semaphore_mem>>, %arg22: memref<!tpu.dma_semaphore, #tpu.memory_space<semaphore_mem>>, %arg23: memref<!tpu.dma_semaphore, #tpu.memory_space<semaphore_mem>>) attributes {dimension_semantics = [#tpu.dimension_semantics<core_parallel>, #tpu.dimension_semantics<subcore_parallel>], iteration_bounds = array<i64: 2, 16>, scalar_prefetch = 0 : i64, scratch_operands = 17 : i64, tpu.core_type = #tpu.core_type<sc_vector_subcore>, window_params = [{transform_indices = #map}, {transform_indices = #map1}, {transform_indices = #map1}, {transform_indices = #map}, {transform_indices = #map2}]} {
    %mul3A = arith.constant 2 : i32
    %mul3A_0 = arith.muli %arg1, %mul3A : i32
    %add3A = arith.addi %mul3A_0, %arg0 : i32
    %mul3A_1 = arith.constant 10000 : i32
    %mul3A_2 = arith.muli %add3A, %mul3A_1 : i32
    "tpu.region"() ({
      %run_scoped3A = tpu.sem_alloc : memref<!tpu.dma_semaphore, #tpu.memory_space<semaphore_mem>>
      %dma_start3A_97 = tpu.memref_slice %arg3[%mul3A_2] : memref<320000xi32, #tpu.memory_space<hbm>> -> memref<10000xi32, #tpu.memory_space<hbm>>
      %dma_start3A_98 = tpu.memref_slice %arg3[%mul3A_2] : memref<320000xi32, #tpu.memory_space<hbm>> -> memref<10000xi32, #tpu.memory_space<hbm>>
      tpu.enqueue_dma source(%dma_start3A_98 : memref<10000xi32, #tpu.memory_space<hbm>>) target(%arg7 : memref<10000xi32, #tpu.memory_space<vmem>>) target_semaphore(%run_scoped3A : memref<!tpu.dma_semaphore, #tpu.memory_space<semaphore_mem>>)
      %dma_wait3A_99 = tpu.memref_slice %arg3[%mul3A_2] : memref<320000xi32, #tpu.memory_space<hbm>> -> memref<10000xi32, #tpu.memory_space<hbm>>
      %dma_wait3A_100 = tpu.memref_slice %arg3[%mul3A_2] : memref<320000xi32, #tpu.memory_space<hbm>> -> memref<10000xi32, #tpu.memory_space<hbm>>
      tpu.wait_dma2 semaphore(%run_scoped3A : memref<!tpu.dma_semaphore, #tpu.memory_space<semaphore_mem>>) src(%dma_wait3A_100 : memref<10000xi32, #tpu.memory_space<hbm>>) dst(%arg7 : memref<10000xi32, #tpu.memory_space<vmem>>)
      tpu.yield
    }) : () -> ()
    %add3A_3 = arith.constant 0 : i32
    %add3A_4 = arith.addi %mul3A_2, %add3A_3 : i32
    %dma_start3A = tpu.memref_slice %arg4[%add3A_4] : memref<320000xi32, #tpu.memory_space<hbm>> -> memref<80xi32, #tpu.memory_space<hbm>>
    %dma_start3A_5 = tpu.memref_slice %arg4[%add3A_4] : memref<320000xi32, #tpu.memory_space<hbm>> -> memref<80xi32, #tpu.memory_space<hbm>>
    tpu.enqueue_dma source(%dma_start3A_5 : memref<80xi32, #tpu.memory_space<hbm>>) target(%arg8 : memref<80xi32, #tpu.memory_space<vmem>>) target_semaphore(%arg15 : memref<!tpu.dma_semaphore, #tpu.memory_space<semaphore_mem>>)
    %dma_start3A_6 = arith.constant 0 : i32
    %dma_start3A_7 = tpu.memref_slice %arg7[%dma_start3A_6] : memref<10000xi32, #tpu.memory_space<vmem>> -> memref<80xi32, #tpu.memory_space<vmem>>
    %dma_start3A_8 = arith.constant 0 : i32
    %dma_start3A_9 = arith.constant 0 : i32
    %dma_start3A_10 = tpu.memref_slice %arg2[%dma_start3A_8, %dma_start3A_9] : memref<10000x128xf32, #tpu.memory_space<hbm>> -> memref<10000x128xf32, #tpu.memory_space<hbm>>
    tpu.enqueue_indirect_dma source(%dma_start3A_10 : memref<10000x128xf32, #tpu.memory_space<hbm>>) target(%arg11 : memref<80x128xf32, #tpu.memory_space<vmem>>) offsets(%dma_start3A_7 : memref<80xi32, #tpu.memory_space<vmem>>) semaphore(%arg18 : memref<!tpu.dma_semaphore, #tpu.memory_space<semaphore_mem>>)
    %add3A_11 = arith.constant 80 : i32
    %add3A_12 = arith.addi %mul3A_2, %add3A_11 : i32
    %dma_start3A_13 = tpu.memref_slice %arg4[%add3A_12] : memref<320000xi32, #tpu.memory_space<hbm>> -> memref<80xi32, #tpu.memory_space<hbm>>
    %dma_start3A_14 = tpu.memref_slice %arg4[%add3A_12] : memref<320000xi32, #tpu.memory_space<hbm>> -> memref<80xi32, #tpu.memory_space<hbm>>
    tpu.enqueue_dma source(%dma_start3A_14 : memref<80xi32, #tpu.memory_space<hbm>>) target(%arg9 : memref<80xi32, #tpu.memory_space<vmem>>) target_semaphore(%arg16 : memref<!tpu.dma_semaphore, #tpu.memory_space<semaphore_mem>>)
    %dma_start3A_15 = arith.constant 80 : i32
    %dma_start3A_16 = tpu.memref_slice %arg7[%dma_start3A_15] : memref<10000xi32, #tpu.memory_space<vmem>> -> memref<80xi32, #tpu.memory_space<vmem>>
    %dma_start3A_17 = arith.constant 0 : i32
    %dma_start3A_18 = arith.constant 0 : i32
    %dma_start3A_19 = tpu.memref_slice %arg2[%dma_start3A_17, %dma_start3A_18] : memref<10000x128xf32, #tpu.memory_space<hbm>> -> memref<10000x128xf32, #tpu.memory_space<hbm>>
    tpu.enqueue_indirect_dma source(%dma_start3A_19 : memref<10000x128xf32, #tpu.memory_space<hbm>>) target(%arg12 : memref<80x128xf32, #tpu.memory_space<vmem>>) offsets(%dma_start3A_16 : memref<80xi32, #tpu.memory_space<vmem>>) semaphore(%arg19 : memref<!tpu.dma_semaphore, #tpu.memory_space<semaphore_mem>>)
    %add3A_20 = arith.constant 160 : i32
    %add3A_21 = arith.addi %mul3A_2, %add3A_20 : i32
    %dma_start3A_22 = tpu.memref_slice %arg4[%add3A_21] : memref<320000xi32, #tpu.memory_space<hbm>> -> memref<80xi32, #tpu.memory_space<hbm>>
    %dma_start3A_23 = tpu.memref_slice %arg4[%add3A_21] : memref<320000xi32, #tpu.memory_space<hbm>> -> memref<80xi32, #tpu.memory_space<hbm>>
    tpu.enqueue_dma source(%dma_start3A_23 : memref<80xi32, #tpu.memory_space<hbm>>) target(%arg10 : memref<80xi32, #tpu.memory_space<vmem>>) target_semaphore(%arg17 : memref<!tpu.dma_semaphore, #tpu.memory_space<semaphore_mem>>)
    %dma_start3A_24 = arith.constant 160 : i32
    %dma_start3A_25 = tpu.memref_slice %arg7[%dma_start3A_24] : memref<10000xi32, #tpu.memory_space<vmem>> -> memref<80xi32, #tpu.memory_space<vmem>>
    %dma_start3A_26 = arith.constant 0 : i32
    %dma_start3A_27 = arith.constant 0 : i32
    %dma_start3A_28 = tpu.memref_slice %arg2[%dma_start3A_26, %dma_start3A_27] : memref<10000x128xf32, #tpu.memory_space<hbm>> -> memref<10000x128xf32, #tpu.memory_space<hbm>>
    tpu.enqueue_indirect_dma source(%dma_start3A_28 : memref<10000x128xf32, #tpu.memory_space<hbm>>) target(%arg13 : memref<80x128xf32, #tpu.memory_space<vmem>>) offsets(%dma_start3A_25 : memref<80xi32, #tpu.memory_space<vmem>>) semaphore(%arg20 : memref<!tpu.dma_semaphore, #tpu.memory_space<semaphore_mem>>)
    %mul3A_29 = arith.constant 640 : i32
    %mul3A_30 = arith.muli %arg1, %mul3A_29 : i32
    "tpu.region"() ({
      %run_scoped3A = tpu.sem_alloc : memref<!tpu.dma_semaphore, #tpu.memory_space<semaphore_mem>>
      %dma_start3A_97 = arith.constant 0 : i32
      %dma_start3A_98 = tpu.memref_slice %arg14[%mul3A_30, %dma_start3A_97] : memref<10240x128xf32, #tpu.memory_space<vmem_shared>> -> memref<640x128xf32, #tpu.memory_space<vmem_shared>>
      tpu.enqueue_dma source(%arg5 : memref<640x128xf32, #tpu.memory_space<hbm>>) target(%dma_start3A_98 : memref<640x128xf32, #tpu.memory_space<vmem_shared>>) target_semaphore(%run_scoped3A : memref<!tpu.dma_semaphore, #tpu.memory_space<semaphore_mem>>)
      %dma_wait3A_99 = arith.constant 0 : i32
      %dma_wait3A_100 = tpu.memref_slice %arg14[%mul3A_30, %dma_wait3A_99] : memref<10240x128xf32, #tpu.memory_space<vmem_shared>> -> memref<640x128xf32, #tpu.memory_space<vmem_shared>>
      tpu.wait_dma2 semaphore(%run_scoped3A : memref<!tpu.dma_semaphore, #tpu.memory_space<semaphore_mem>>) src(%arg5 : memref<640x128xf32, #tpu.memory_space<hbm>>) dst(%dma_wait3A_100 : memref<640x128xf32, #tpu.memory_space<vmem_shared>>)
      tpu.yield
    }) : () -> ()
    %barrier3A = arith.constant 0 : index
    tpu.barrier barrier_id(%barrier3A)
    %scan3A = arith.constant 0 : i32
    %scan3A_31 = arith.constant 0 : i32
    %scan3A_32 = arith.constant 41 : i32
    %scan3A_33 = arith.addi %scan3A_31, %scan3A_32 : i32
    %scan3A_34 = arith.constant 1 : i32
    scf.for %scan3A_97 = %scan3A_31 to %scan3A_33 step %scan3A_34  : i32 {
      %dma_wait3A_98 = arith.constant 0 : i32
      %dma_wait3A_99 = tpu.memref_slice %arg7[%dma_wait3A_98] : memref<10000xi32, #tpu.memory_space<vmem>> -> memref<80xi32, #tpu.memory_space<vmem>>
      %dma_wait3A_100 = arith.constant 0 : i32
      %dma_wait3A_101 = arith.constant 0 : i32
      %dma_wait3A_102 = tpu.memref_slice %arg2[%dma_wait3A_100, %dma_wait3A_101] : memref<10000x128xf32, #tpu.memory_space<hbm>> -> memref<10000x128xf32, #tpu.memory_space<hbm>>
      tpu.wait_indirect_dma semaphore(%arg18 : memref<!tpu.dma_semaphore, #tpu.memory_space<semaphore_mem>>) src(%dma_wait3A_102 : memref<10000x128xf32, #tpu.memory_space<hbm>>) dst(%arg11 : memref<80x128xf32, #tpu.memory_space<vmem>>)
      %dma_wait3A_103 = arith.constant 0 : i32
      %dma_wait3A_104 = tpu.memref_slice %arg4[%dma_wait3A_103] : memref<320000xi32, #tpu.memory_space<hbm>> -> memref<80xi32, #tpu.memory_space<hbm>>
      %dma_wait3A_105 = arith.constant 0 : i32
      %dma_wait3A_106 = tpu.memref_slice %arg4[%dma_wait3A_105] : memref<320000xi32, #tpu.memory_space<hbm>> -> memref<80xi32, #tpu.memory_space<hbm>>
      tpu.wait_dma2 semaphore(%arg15 : memref<!tpu.dma_semaphore, #tpu.memory_space<semaphore_mem>>) src(%dma_wait3A_106 : memref<80xi32, #tpu.memory_space<hbm>>) dst(%arg8 : memref<80xi32, #tpu.memory_space<vmem>>)
      %dma_start3A_107 = arith.constant 0 : i32
      %dma_start3A_108 = arith.constant 0 : i32
      %dma_start3A_109 = tpu.memref_slice %arg14[%dma_start3A_107, %dma_start3A_108] : memref<10240x128xf32, #tpu.memory_space<vmem_shared>> -> memref<10240x128xf32, #tpu.memory_space<vmem_shared>>
      tpu.enqueue_indirect_dma source(%arg11 : memref<80x128xf32, #tpu.memory_space<vmem>>) target(%dma_start3A_109 : memref<10240x128xf32, #tpu.memory_space<vmem_shared>>) offsets(%arg8 : memref<80xi32, #tpu.memory_space<vmem>>) semaphore(%arg21 : memref<!tpu.dma_semaphore, #tpu.memory_space<semaphore_mem>>) {add = true}
      %dma_wait3A_110 = arith.constant 0 : i32
      %dma_wait3A_111 = tpu.memref_slice %arg7[%dma_wait3A_110] : memref<10000xi32, #tpu.memory_space<vmem>> -> memref<80xi32, #tpu.memory_space<vmem>>
      %dma_wait3A_112 = arith.constant 0 : i32
      %dma_wait3A_113 = arith.constant 0 : i32
      %dma_wait3A_114 = tpu.memref_slice %arg2[%dma_wait3A_112, %dma_wait3A_113] : memref<10000x128xf32, #tpu.memory_space<hbm>> -> memref<10000x128xf32, #tpu.memory_space<hbm>>
      tpu.wait_indirect_dma semaphore(%arg19 : memref<!tpu.dma_semaphore, #tpu.memory_space<semaphore_mem>>) src(%dma_wait3A_114 : memref<10000x128xf32, #tpu.memory_space<hbm>>) dst(%arg12 : memref<80x128xf32, #tpu.memory_space<vmem>>)
      %dma_wait3A_115 = arith.constant 0 : i32
      %dma_wait3A_116 = tpu.memref_slice %arg4[%dma_wait3A_115] : memref<320000xi32, #tpu.memory_space<hbm>> -> memref<80xi32, #tpu.memory_space<hbm>>
      %dma_wait3A_117 = arith.constant 0 : i32
      %dma_wait3A_118 = tpu.memref_slice %arg4[%dma_wait3A_117] : memref<320000xi32, #tpu.memory_space<hbm>> -> memref<80xi32, #tpu.memory_space<hbm>>
      tpu.wait_dma2 semaphore(%arg16 : memref<!tpu.dma_semaphore, #tpu.memory_space<semaphore_mem>>) src(%dma_wait3A_118 : memref<80xi32, #tpu.memory_space<hbm>>) dst(%arg9 : memref<80xi32, #tpu.memory_space<vmem>>)
      %dma_start3A_119 = arith.constant 0 : i32
      %dma_start3A_120 = arith.constant 0 : i32
      %dma_start3A_121 = tpu.memref_slice %arg14[%dma_start3A_119, %dma_start3A_120] : memref<10240x128xf32, #tpu.memory_space<vmem_shared>> -> memref<10240x128xf32, #tpu.memory_space<vmem_shared>>
      tpu.enqueue_indirect_dma source(%arg12 : memref<80x128xf32, #tpu.memory_space<vmem>>) target(%dma_start3A_121 : memref<10240x128xf32, #tpu.memory_space<vmem_shared>>) offsets(%arg9 : memref<80xi32, #tpu.memory_space<vmem>>) semaphore(%arg22 : memref<!tpu.dma_semaphore, #tpu.memory_space<semaphore_mem>>) {add = true}
      %dma_wait3A_122 = arith.constant 0 : i32
      %dma_wait3A_123 = tpu.memref_slice %arg7[%dma_wait3A_122] : memref<10000xi32, #tpu.memory_space<vmem>> -> memref<80xi32, #tpu.memory_space<vmem>>
      %dma_wait3A_124 = arith.constant 0 : i32
      %dma_wait3A_125 = arith.constant 0 : i32
      %dma_wait3A_126 = tpu.memref_slice %arg2[%dma_wait3A_124, %dma_wait3A_125] : memref<10000x128xf32, #tpu.memory_space<hbm>> -> memref<10000x128xf32, #tpu.memory_space<hbm>>
      tpu.wait_indirect_dma semaphore(%arg20 : memref<!tpu.dma_semaphore, #tpu.memory_space<semaphore_mem>>) src(%dma_wait3A_126 : memref<10000x128xf32, #tpu.memory_space<hbm>>) dst(%arg13 : memref<80x128xf32, #tpu.memory_space<vmem>>)
      %dma_wait3A_127 = arith.constant 0 : i32
      %dma_wait3A_128 = tpu.memref_slice %arg4[%dma_wait3A_127] : memref<320000xi32, #tpu.memory_space<hbm>> -> memref<80xi32, #tpu.memory_space<hbm>>
      %dma_wait3A_129 = arith.constant 0 : i32
      %dma_wait3A_130 = tpu.memref_slice %arg4[%dma_wait3A_129] : memref<320000xi32, #tpu.memory_space<hbm>> -> memref<80xi32, #tpu.memory_space<hbm>>
      tpu.wait_dma2 semaphore(%arg17 : memref<!tpu.dma_semaphore, #tpu.memory_space<semaphore_mem>>) src(%dma_wait3A_130 : memref<80xi32, #tpu.memory_space<hbm>>) dst(%arg10 : memref<80xi32, #tpu.memory_space<vmem>>)
      %dma_start3A_131 = arith.constant 0 : i32
      %dma_start3A_132 = arith.constant 0 : i32
      %dma_start3A_133 = tpu.memref_slice %arg14[%dma_start3A_131, %dma_start3A_132] : memref<10240x128xf32, #tpu.memory_space<vmem_shared>> -> memref<10240x128xf32, #tpu.memory_space<vmem_shared>>
      tpu.enqueue_indirect_dma source(%arg13 : memref<80x128xf32, #tpu.memory_space<vmem>>) target(%dma_start3A_133 : memref<10240x128xf32, #tpu.memory_space<vmem_shared>>) offsets(%arg10 : memref<80xi32, #tpu.memory_space<vmem>>) semaphore(%arg23 : memref<!tpu.dma_semaphore, #tpu.memory_space<semaphore_mem>>) {add = true}
      %lt3A = arith.constant 40 : i32
      %lt3A_134 = arith.cmpi slt, %scan3A_97, %lt3A : i32
      %convert_element_type3A = arith.extui %lt3A_134 : i1 to i32
      %cond3A = arith.constant 0 : i32
      %cond3A_135 = arith.cmpi ne, %convert_element_type3A, %cond3A : i32
      scf.if %cond3A_135 {
        %dma_wait3A_146 = arith.constant 0 : i32
        %dma_wait3A_147 = arith.constant 0 : i32
        %dma_wait3A_148 = tpu.memref_slice %arg14[%dma_wait3A_146, %dma_wait3A_147] : memref<10240x128xf32, #tpu.memory_space<vmem_shared>> -> memref<10240x128xf32, #tpu.memory_space<vmem_shared>>
        tpu.wait_indirect_dma semaphore(%arg21 : memref<!tpu.dma_semaphore, #tpu.memory_space<semaphore_mem>>) src(%arg11 : memref<80x128xf32, #tpu.memory_space<vmem>>) dst(%dma_wait3A_148 : memref<10240x128xf32, #tpu.memory_space<vmem_shared>>)
        %mul3A_149 = arith.constant 3 : i32
        %mul3A_150 = arith.muli %mul3A_149, %scan3A_97 : i32
        %add3A_151 = arith.constant 3 : i32
        %add3A_152 = arith.addi %mul3A_150, %add3A_151 : i32
        %add3A_153 = arith.constant 0 : i32
        %add3A_154 = arith.addi %add3A_152, %add3A_153 : i32
        %mul3A_155 = arith.constant 80 : i32
        %mul3A_156 = arith.muli %add3A_154, %mul3A_155 : i32
        %add3A_157 = arith.addi %mul3A_2, %mul3A_156 : i32
        %dma_start3A_158 = tpu.memref_slice %arg4[%add3A_157] : memref<320000xi32, #tpu.memory_space<hbm>> -> memref<80xi32, #tpu.memory_space<hbm>>
        %dma_start3A_159 = tpu.memref_slice %arg4[%add3A_157] : memref<320000xi32, #tpu.memory_space<hbm>> -> memref<80xi32, #tpu.memory_space<hbm>>
        tpu.enqueue_dma source(%dma_start3A_159 : memref<80xi32, #tpu.memory_space<hbm>>) target(%arg8 : memref<80xi32, #tpu.memory_space<vmem>>) target_semaphore(%arg15 : memref<!tpu.dma_semaphore, #tpu.memory_space<semaphore_mem>>)
        %mul3A_160 = arith.constant 3 : i32
        %mul3A_161 = arith.muli %mul3A_160, %scan3A_97 : i32
        %add3A_162 = arith.constant 3 : i32
        %add3A_163 = arith.addi %mul3A_161, %add3A_162 : i32
        %add3A_164 = arith.constant 0 : i32
        %add3A_165 = arith.addi %add3A_163, %add3A_164 : i32
        %mul3A_166 = arith.constant 80 : i32
        %mul3A_167 = arith.muli %add3A_165, %mul3A_166 : i32
        %dma_start3A_168 = tpu.memref_slice %arg7[%mul3A_167] : memref<10000xi32, #tpu.memory_space<vmem>> -> memref<80xi32, #tpu.memory_space<vmem>>
        %dma_start3A_169 = arith.constant 0 : i32
        %dma_start3A_170 = arith.constant 0 : i32
        %dma_start3A_171 = tpu.memref_slice %arg2[%dma_start3A_169, %dma_start3A_170] : memref<10000x128xf32, #tpu.memory_space<hbm>> -> memref<10000x128xf32, #tpu.memory_space<hbm>>
        tpu.enqueue_indirect_dma source(%dma_start3A_171 : memref<10000x128xf32, #tpu.memory_space<hbm>>) target(%arg11 : memref<80x128xf32, #tpu.memory_space<vmem>>) offsets(%dma_start3A_168 : memref<80xi32, #tpu.memory_space<vmem>>) semaphore(%arg18 : memref<!tpu.dma_semaphore, #tpu.memory_space<semaphore_mem>>)
      } else {
      }
      %lt3A_136 = arith.constant 40 : i32
      %lt3A_137 = arith.cmpi slt, %scan3A_97, %lt3A_136 : i32
      %convert_element_type3A_138 = arith.extui %lt3A_137 : i1 to i32
      %cond3A_139 = arith.constant 0 : i32
      %cond3A_140 = arith.cmpi ne, %convert_element_type3A_138, %cond3A_139 : i32
      scf.if %cond3A_140 {
        %dma_wait3A_146 = arith.constant 0 : i32
        %dma_wait3A_147 = arith.constant 0 : i32
        %dma_wait3A_148 = tpu.memref_slice %arg14[%dma_wait3A_146, %dma_wait3A_147] : memref<10240x128xf32, #tpu.memory_space<vmem_shared>> -> memref<10240x128xf32, #tpu.memory_space<vmem_shared>>
        tpu.wait_indirect_dma semaphore(%arg22 : memref<!tpu.dma_semaphore, #tpu.memory_space<semaphore_mem>>) src(%arg12 : memref<80x128xf32, #tpu.memory_space<vmem>>) dst(%dma_wait3A_148 : memref<10240x128xf32, #tpu.memory_space<vmem_shared>>)
        %mul3A_149 = arith.constant 3 : i32
        %mul3A_150 = arith.muli %mul3A_149, %scan3A_97 : i32
        %add3A_151 = arith.constant 3 : i32
        %add3A_152 = arith.addi %mul3A_150, %add3A_151 : i32
        %add3A_153 = arith.constant 1 : i32
        %add3A_154 = arith.addi %add3A_152, %add3A_153 : i32
        %mul3A_155 = arith.constant 80 : i32
        %mul3A_156 = arith.muli %add3A_154, %mul3A_155 : i32
        %add3A_157 = arith.addi %mul3A_2, %mul3A_156 : i32
        %dma_start3A_158 = tpu.memref_slice %arg4[%add3A_157] : memref<320000xi32, #tpu.memory_space<hbm>> -> memref<80xi32, #tpu.memory_space<hbm>>
        %dma_start3A_159 = tpu.memref_slice %arg4[%add3A_157] : memref<320000xi32, #tpu.memory_space<hbm>> -> memref<80xi32, #tpu.memory_space<hbm>>
        tpu.enqueue_dma source(%dma_start3A_159 : memref<80xi32, #tpu.memory_space<hbm>>) target(%arg9 : memref<80xi32, #tpu.memory_space<vmem>>) target_semaphore(%arg16 : memref<!tpu.dma_semaphore, #tpu.memory_space<semaphore_mem>>)
        %mul3A_160 = arith.constant 3 : i32
        %mul3A_161 = arith.muli %mul3A_160, %scan3A_97 : i32
        %add3A_162 = arith.constant 3 : i32
        %add3A_163 = arith.addi %mul3A_161, %add3A_162 : i32
        %add3A_164 = arith.constant 1 : i32
        %add3A_165 = arith.addi %add3A_163, %add3A_164 : i32
        %mul3A_166 = arith.constant 80 : i32
        %mul3A_167 = arith.muli %add3A_165, %mul3A_166 : i32
        %dma_start3A_168 = tpu.memref_slice %arg7[%mul3A_167] : memref<10000xi32, #tpu.memory_space<vmem>> -> memref<80xi32, #tpu.memory_space<vmem>>
        %dma_start3A_169 = arith.constant 0 : i32
        %dma_start3A_170 = arith.constant 0 : i32
        %dma_start3A_171 = tpu.memref_slice %arg2[%dma_start3A_169, %dma_start3A_170] : memref<10000x128xf32, #tpu.memory_space<hbm>> -> memref<10000x128xf32, #tpu.memory_space<hbm>>
        tpu.enqueue_indirect_dma source(%dma_start3A_171 : memref<10000x128xf32, #tpu.memory_space<hbm>>) target(%arg12 : memref<80x128xf32, #tpu.memory_space<vmem>>) offsets(%dma_start3A_168 : memref<80xi32, #tpu.memory_space<vmem>>) semaphore(%arg19 : memref<!tpu.dma_semaphore, #tpu.memory_space<semaphore_mem>>)
      } else {
      }
      %lt3A_141 = arith.constant 40 : i32
      %lt3A_142 = arith.cmpi slt, %scan3A_97, %lt3A_141 : i32
      %convert_element_type3A_143 = arith.extui %lt3A_142 : i1 to i32
      %cond3A_144 = arith.constant 0 : i32
      %cond3A_145 = arith.cmpi ne, %convert_element_type3A_143, %cond3A_144 : i32
      scf.if %cond3A_145 {
        %dma_wait3A_146 = arith.constant 0 : i32
        %dma_wait3A_147 = arith.constant 0 : i32
        %dma_wait3A_148 = tpu.memref_slice %arg14[%dma_wait3A_146, %dma_wait3A_147] : memref<10240x128xf32, #tpu.memory_space<vmem_shared>> -> memref<10240x128xf32, #tpu.memory_space<vmem_shared>>
        tpu.wait_indirect_dma semaphore(%arg23 : memref<!tpu.dma_semaphore, #tpu.memory_space<semaphore_mem>>) src(%arg13 : memref<80x128xf32, #tpu.memory_space<vmem>>) dst(%dma_wait3A_148 : memref<10240x128xf32, #tpu.memory_space<vmem_shared>>)
        %mul3A_149 = arith.constant 3 : i32
        %mul3A_150 = arith.muli %mul3A_149, %scan3A_97 : i32
        %add3A_151 = arith.constant 3 : i32
        %add3A_152 = arith.addi %mul3A_150, %add3A_151 : i32
        %add3A_153 = arith.constant 2 : i32
        %add3A_154 = arith.addi %add3A_152, %add3A_153 : i32
        %mul3A_155 = arith.constant 80 : i32
        %mul3A_156 = arith.muli %add3A_154, %mul3A_155 : i32
        %add3A_157 = arith.addi %mul3A_2, %mul3A_156 : i32
        %dma_start3A_158 = tpu.memref_slice %arg4[%add3A_157] : memref<320000xi32, #tpu.memory_space<hbm>> -> memref<80xi32, #tpu.memory_space<hbm>>
        %dma_start3A_159 = tpu.memref_slice %arg4[%add3A_157] : memref<320000xi32, #tpu.memory_space<hbm>> -> memref<80xi32, #tpu.memory_space<hbm>>
        tpu.enqueue_dma source(%dma_start3A_159 : memref<80xi32, #tpu.memory_space<hbm>>) target(%arg10 : memref<80xi32, #tpu.memory_space<vmem>>) target_semaphore(%arg17 : memref<!tpu.dma_semaphore, #tpu.memory_space<semaphore_mem>>)
        %mul3A_160 = arith.constant 3 : i32
        %mul3A_161 = arith.muli %mul3A_160, %scan3A_97 : i32
        %add3A_162 = arith.constant 3 : i32
        %add3A_163 = arith.addi %mul3A_161, %add3A_162 : i32
        %add3A_164 = arith.constant 2 : i32
        %add3A_165 = arith.addi %add3A_163, %add3A_164 : i32
        %mul3A_166 = arith.constant 80 : i32
        %mul3A_167 = arith.muli %add3A_165, %mul3A_166 : i32
        %dma_start3A_168 = tpu.memref_slice %arg7[%mul3A_167] : memref<10000xi32, #tpu.memory_space<vmem>> -> memref<80xi32, #tpu.memory_space<vmem>>
        %dma_start3A_169 = arith.constant 0 : i32
        %dma_start3A_170 = arith.constant 0 : i32
        %dma_start3A_171 = tpu.memref_slice %arg2[%dma_start3A_169, %dma_start3A_170] : memref<10000x128xf32, #tpu.memory_space<hbm>> -> memref<10000x128xf32, #tpu.memory_space<hbm>>
        tpu.enqueue_indirect_dma source(%dma_start3A_171 : memref<10000x128xf32, #tpu.memory_space<hbm>>) target(%arg13 : memref<80x128xf32, #tpu.memory_space<vmem>>) offsets(%dma_start3A_168 : memref<80xi32, #tpu.memory_space<vmem>>) semaphore(%arg20 : memref<!tpu.dma_semaphore, #tpu.memory_space<semaphore_mem>>)
      } else {
      }
    }
    %scan3A_35 = arith.constant 41 : i32
    %dma_wait3A = arith.constant 0 : i32
    %dma_wait3A_36 = arith.constant 0 : i32
    %dma_wait3A_37 = tpu.memref_slice %arg14[%dma_wait3A, %dma_wait3A_36] : memref<10240x128xf32, #tpu.memory_space<vmem_shared>> -> memref<10240x128xf32, #tpu.memory_space<vmem_shared>>
    tpu.wait_indirect_dma semaphore(%arg21 : memref<!tpu.dma_semaphore, #tpu.memory_space<semaphore_mem>>) src(%arg11 : memref<80x128xf32, #tpu.memory_space<vmem>>) dst(%dma_wait3A_37 : memref<10240x128xf32, #tpu.memory_space<vmem_shared>>)
    %dma_wait3A_38 = arith.constant 0 : i32
    %dma_wait3A_39 = arith.constant 0 : i32
    %dma_wait3A_40 = tpu.memref_slice %arg14[%dma_wait3A_38, %dma_wait3A_39] : memref<10240x128xf32, #tpu.memory_space<vmem_shared>> -> memref<10240x128xf32, #tpu.memory_space<vmem_shared>>
    tpu.wait_indirect_dma semaphore(%arg22 : memref<!tpu.dma_semaphore, #tpu.memory_space<semaphore_mem>>) src(%arg12 : memref<80x128xf32, #tpu.memory_space<vmem>>) dst(%dma_wait3A_40 : memref<10240x128xf32, #tpu.memory_space<vmem_shared>>)
    %dma_wait3A_41 = arith.constant 0 : i32
    %dma_wait3A_42 = arith.constant 0 : i32
    %dma_wait3A_43 = tpu.memref_slice %arg14[%dma_wait3A_41, %dma_wait3A_42] : memref<10240x128xf32, #tpu.memory_space<vmem_shared>> -> memref<10240x128xf32, #tpu.memory_space<vmem_shared>>
    tpu.wait_indirect_dma semaphore(%arg23 : memref<!tpu.dma_semaphore, #tpu.memory_space<semaphore_mem>>) src(%arg13 : memref<80x128xf32, #tpu.memory_space<vmem>>) dst(%dma_wait3A_43 : memref<10240x128xf32, #tpu.memory_space<vmem_shared>>)
    %add3A_44 = arith.constant 9840 : i32
    %add3A_45 = arith.addi %mul3A_2, %add3A_44 : i32
    %dma_start3A_46 = tpu.memref_slice %arg4[%add3A_45] : memref<320000xi32, #tpu.memory_space<hbm>> -> memref<80xi32, #tpu.memory_space<hbm>>
    %dma_start3A_47 = tpu.memref_slice %arg4[%add3A_45] : memref<320000xi32, #tpu.memory_space<hbm>> -> memref<80xi32, #tpu.memory_space<hbm>>
    tpu.enqueue_dma source(%dma_start3A_47 : memref<80xi32, #tpu.memory_space<hbm>>) target(%arg8 : memref<80xi32, #tpu.memory_space<vmem>>) target_semaphore(%arg15 : memref<!tpu.dma_semaphore, #tpu.memory_space<semaphore_mem>>)
    %dma_start3A_48 = arith.constant 9840 : i32
    %dma_start3A_49 = tpu.memref_slice %arg7[%dma_start3A_48] : memref<10000xi32, #tpu.memory_space<vmem>> -> memref<80xi32, #tpu.memory_space<vmem>>
    %dma_start3A_50 = arith.constant 0 : i32
    %dma_start3A_51 = arith.constant 0 : i32
    %dma_start3A_52 = tpu.memref_slice %arg2[%dma_start3A_50, %dma_start3A_51] : memref<10000x128xf32, #tpu.memory_space<hbm>> -> memref<10000x128xf32, #tpu.memory_space<hbm>>
    tpu.enqueue_indirect_dma source(%dma_start3A_52 : memref<10000x128xf32, #tpu.memory_space<hbm>>) target(%arg11 : memref<80x128xf32, #tpu.memory_space<vmem>>) offsets(%dma_start3A_49 : memref<80xi32, #tpu.memory_space<vmem>>) semaphore(%arg18 : memref<!tpu.dma_semaphore, #tpu.memory_space<semaphore_mem>>)
    %dma_wait3A_53 = arith.constant 0 : i32
    %dma_wait3A_54 = tpu.memref_slice %arg4[%dma_wait3A_53] : memref<320000xi32, #tpu.memory_space<hbm>> -> memref<80xi32, #tpu.memory_space<hbm>>
    %dma_wait3A_55 = arith.constant 0 : i32
    %dma_wait3A_56 = tpu.memref_slice %arg4[%dma_wait3A_55] : memref<320000xi32, #tpu.memory_space<hbm>> -> memref<80xi32, #tpu.memory_space<hbm>>
    tpu.wait_dma2 semaphore(%arg15 : memref<!tpu.dma_semaphore, #tpu.memory_space<semaphore_mem>>) src(%dma_wait3A_56 : memref<80xi32, #tpu.memory_space<hbm>>) dst(%arg8 : memref<80xi32, #tpu.memory_space<vmem>>)
    %dma_wait3A_57 = arith.constant 0 : i32
    %dma_wait3A_58 = tpu.memref_slice %arg7[%dma_wait3A_57] : memref<10000xi32, #tpu.memory_space<vmem>> -> memref<80xi32, #tpu.memory_space<vmem>>
    %dma_wait3A_59 = arith.constant 0 : i32
    %dma_wait3A_60 = arith.constant 0 : i32
    %dma_wait3A_61 = tpu.memref_slice %arg2[%dma_wait3A_59, %dma_wait3A_60] : memref<10000x128xf32, #tpu.memory_space<hbm>> -> memref<10000x128xf32, #tpu.memory_space<hbm>>
    tpu.wait_indirect_dma semaphore(%arg18 : memref<!tpu.dma_semaphore, #tpu.memory_space<semaphore_mem>>) src(%dma_wait3A_61 : memref<10000x128xf32, #tpu.memory_space<hbm>>) dst(%arg11 : memref<80x128xf32, #tpu.memory_space<vmem>>)
    %dma_start3A_62 = arith.constant 0 : i32
    %dma_start3A_63 = arith.constant 0 : i32
    %dma_start3A_64 = tpu.memref_slice %arg14[%dma_start3A_62, %dma_start3A_63] : memref<10240x128xf32, #tpu.memory_space<vmem_shared>> -> memref<10240x128xf32, #tpu.memory_space<vmem_shared>>
    tpu.enqueue_indirect_dma source(%arg11 : memref<80x128xf32, #tpu.memory_space<vmem>>) target(%dma_start3A_64 : memref<10240x128xf32, #tpu.memory_space<vmem_shared>>) offsets(%arg8 : memref<80xi32, #tpu.memory_space<vmem>>) semaphore(%arg21 : memref<!tpu.dma_semaphore, #tpu.memory_space<semaphore_mem>>) {add = true}
    %dma_wait3A_65 = arith.constant 0 : i32
    %dma_wait3A_66 = arith.constant 0 : i32
    %dma_wait3A_67 = tpu.memref_slice %arg14[%dma_wait3A_65, %dma_wait3A_66] : memref<10240x128xf32, #tpu.memory_space<vmem_shared>> -> memref<10240x128xf32, #tpu.memory_space<vmem_shared>>
    tpu.wait_indirect_dma semaphore(%arg21 : memref<!tpu.dma_semaphore, #tpu.memory_space<semaphore_mem>>) src(%arg11 : memref<80x128xf32, #tpu.memory_space<vmem>>) dst(%dma_wait3A_67 : memref<10240x128xf32, #tpu.memory_space<vmem_shared>>)
    %add3A_68 = arith.constant 9920 : i32
    %add3A_69 = arith.addi %mul3A_2, %add3A_68 : i32
    %dma_start3A_70 = tpu.memref_slice %arg4[%add3A_69] : memref<320000xi32, #tpu.memory_space<hbm>> -> memref<80xi32, #tpu.memory_space<hbm>>
    %dma_start3A_71 = tpu.memref_slice %arg4[%add3A_69] : memref<320000xi32, #tpu.memory_space<hbm>> -> memref<80xi32, #tpu.memory_space<hbm>>
    tpu.enqueue_dma source(%dma_start3A_71 : memref<80xi32, #tpu.memory_space<hbm>>) target(%arg8 : memref<80xi32, #tpu.memory_space<vmem>>) target_semaphore(%arg15 : memref<!tpu.dma_semaphore, #tpu.memory_space<semaphore_mem>>)
    %dma_start3A_72 = arith.constant 9920 : i32
    %dma_start3A_73 = tpu.memref_slice %arg7[%dma_start3A_72] : memref<10000xi32, #tpu.memory_space<vmem>> -> memref<80xi32, #tpu.memory_space<vmem>>
    %dma_start3A_74 = arith.constant 0 : i32
    %dma_start3A_75 = arith.constant 0 : i32
    %dma_start3A_76 = tpu.memref_slice %arg2[%dma_start3A_74, %dma_start3A_75] : memref<10000x128xf32, #tpu.memory_space<hbm>> -> memref<10000x128xf32, #tpu.memory_space<hbm>>
    tpu.enqueue_indirect_dma source(%dma_start3A_76 : memref<10000x128xf32, #tpu.memory_space<hbm>>) target(%arg11 : memref<80x128xf32, #tpu.memory_space<vmem>>) offsets(%dma_start3A_73 : memref<80xi32, #tpu.memory_space<vmem>>) semaphore(%arg18 : memref<!tpu.dma_semaphore, #tpu.memory_space<semaphore_mem>>)
    %dma_wait3A_77 = arith.constant 0 : i32
    %dma_wait3A_78 = tpu.memref_slice %arg4[%dma_wait3A_77] : memref<320000xi32, #tpu.memory_space<hbm>> -> memref<80xi32, #tpu.memory_space<hbm>>
    %dma_wait3A_79 = arith.constant 0 : i32
    %dma_wait3A_80 = tpu.memref_slice %arg4[%dma_wait3A_79] : memref<320000xi32, #tpu.memory_space<hbm>> -> memref<80xi32, #tpu.memory_space<hbm>>
    tpu.wait_dma2 semaphore(%arg15 : memref<!tpu.dma_semaphore, #tpu.memory_space<semaphore_mem>>) src(%dma_wait3A_80 : memref<80xi32, #tpu.memory_space<hbm>>) dst(%arg8 : memref<80xi32, #tpu.memory_space<vmem>>)
    %dma_wait3A_81 = arith.constant 0 : i32
    %dma_wait3A_82 = tpu.memref_slice %arg7[%dma_wait3A_81] : memref<10000xi32, #tpu.memory_space<vmem>> -> memref<80xi32, #tpu.memory_space<vmem>>
    %dma_wait3A_83 = arith.constant 0 : i32
    %dma_wait3A_84 = arith.constant 0 : i32
    %dma_wait3A_85 = tpu.memref_slice %arg2[%dma_wait3A_83, %dma_wait3A_84] : memref<10000x128xf32, #tpu.memory_space<hbm>> -> memref<10000x128xf32, #tpu.memory_space<hbm>>
    tpu.wait_indirect_dma semaphore(%arg18 : memref<!tpu.dma_semaphore, #tpu.memory_space<semaphore_mem>>) src(%dma_wait3A_85 : memref<10000x128xf32, #tpu.memory_space<hbm>>) dst(%arg11 : memref<80x128xf32, #tpu.memory_space<vmem>>)
    %dma_start3A_86 = arith.constant 0 : i32
    %dma_start3A_87 = arith.constant 0 : i32
    %dma_start3A_88 = tpu.memref_slice %arg14[%dma_start3A_86, %dma_start3A_87] : memref<10240x128xf32, #tpu.memory_space<vmem_shared>> -> memref<10240x128xf32, #tpu.memory_space<vmem_shared>>
    tpu.enqueue_indirect_dma source(%arg11 : memref<80x128xf32, #tpu.memory_space<vmem>>) target(%dma_start3A_88 : memref<10240x128xf32, #tpu.memory_space<vmem_shared>>) offsets(%arg8 : memref<80xi32, #tpu.memory_space<vmem>>) semaphore(%arg21 : memref<!tpu.dma_semaphore, #tpu.memory_space<semaphore_mem>>) {add = true}
    %dma_wait3A_89 = arith.constant 0 : i32
    %dma_wait3A_90 = arith.constant 0 : i32
    %dma_wait3A_91 = tpu.memref_slice %arg14[%dma_wait3A_89, %dma_wait3A_90] : memref<10240x128xf32, #tpu.memory_space<vmem_shared>> -> memref<10240x128xf32, #tpu.memory_space<vmem_shared>>
    tpu.wait_indirect_dma semaphore(%arg21 : memref<!tpu.dma_semaphore, #tpu.memory_space<semaphore_mem>>) src(%arg11 : memref<80x128xf32, #tpu.memory_space<vmem>>) dst(%dma_wait3A_91 : memref<10240x128xf32, #tpu.memory_space<vmem_shared>>)
    %barrier3A_92 = arith.constant 0 : index
    tpu.barrier barrier_id(%barrier3A_92)
    %mul3A_93 = arith.constant 640 : i32
    %mul3A_94 = arith.muli %arg1, %mul3A_93 : i32
    %mul3A_95 = arith.constant 640 : i32
    %mul3A_96 = arith.muli %arg1, %mul3A_95 : i32
    "tpu.region"() ({
      %run_scoped3A = tpu.sem_alloc : memref<!tpu.dma_semaphore, #tpu.memory_space<semaphore_mem>>
      %dma_start3A_97 = arith.constant 0 : i32
      %dma_start3A_98 = tpu.memref_slice %arg6[%arg0, %mul3A_96, %dma_start3A_97] : memref<2x10240x128xf32, #tpu.memory_space<hbm>> -> memref<1x640x128xf32, #tpu.memory_space<hbm>>
      %dma_start3A_99 = tpu.memref_squeeze %dma_start3A_98 : memref<1x640x128xf32, #tpu.memory_space<hbm>> -> memref<640x128xf32, #tpu.memory_space<hbm>>
      %dma_start3A_100 = arith.constant 0 : i32
      %dma_start3A_101 = tpu.memref_slice %arg14[%mul3A_94, %dma_start3A_100] : memref<10240x128xf32, #tpu.memory_space<vmem_shared>> -> memref<640x128xf32, #tpu.memory_space<vmem_shared>>
      tpu.enqueue_dma source(%dma_start3A_101 : memref<640x128xf32, #tpu.memory_space<vmem_shared>>) target(%dma_start3A_99 : memref<640x128xf32, #tpu.memory_space<hbm>>) target_semaphore(%run_scoped3A : memref<!tpu.dma_semaphore, #tpu.memory_space<semaphore_mem>>)
      %dma_wait3A_102 = arith.constant 0 : i32
      %dma_wait3A_103 = tpu.memref_slice %arg6[%arg0, %mul3A_96, %dma_wait3A_102] : memref<2x10240x128xf32, #tpu.memory_space<hbm>> -> memref<1x640x128xf32, #tpu.memory_space<hbm>>
      %dma_wait3A_104 = tpu.memref_squeeze %dma_wait3A_103 : memref<1x640x128xf32, #tpu.memory_space<hbm>> -> memref<640x128xf32, #tpu.memory_space<hbm>>
      %dma_wait3A_105 = arith.constant 0 : i32
      %dma_wait3A_106 = tpu.memref_slice %arg14[%mul3A_94, %dma_wait3A_105] : memref<10240x128xf32, #tpu.memory_space<vmem_shared>> -> memref<640x128xf32, #tpu.memory_space<vmem_shared>>
      tpu.wait_dma2 semaphore(%run_scoped3A : memref<!tpu.dma_semaphore, #tpu.memory_space<semaphore_mem>>) src(%dma_wait3A_106 : memref<640x128xf32, #tpu.memory_space<vmem_shared>>) dst(%dma_wait3A_104 : memref<640x128xf32, #tpu.memory_space<hbm>>)
      tpu.yield
    }) : () -> ()
    return
  }
}

module attributes {stable_mosaic.version = 14 : i64} {
  func.func @_tc_layer0_body(%arg0: memref<10000x128xf32, #tpu.memory_space<vmem>>, %arg1: memref<2x10240x128xf32, #tpu.memory_space<vmem>>, %arg2: memref<128x128xf32, #tpu.memory_space<vmem>>, %arg3: memref<1x128xf32, #tpu.memory_space<vmem>>, %arg4: memref<1x1xf32, #tpu.memory_space<vmem>>, %arg5: memref<1x128xf32, #tpu.memory_space<vmem>>, %arg6: memref<1x128xf32, #tpu.memory_space<vmem>>, %arg7: memref<128x10xf32, #tpu.memory_space<vmem>>, %arg8: memref<1x10xf32, #tpu.memory_space<vmem>>, %arg9: memref<128x10xf32, #tpu.memory_space<vmem>>, %arg10: memref<1x10xf32, #tpu.memory_space<vmem>>, %arg11: memref<10000x128xf32, #tpu.memory_space<vmem>>, %arg12: memref<10000x10xf32, #tpu.memory_space<vmem>>) attributes {dimension_semantics = [], scalar_prefetch = 0 : i64, scratch_operands = 0 : i64, tpu.core_type = #tpu.core_type<tc>} {
    %get3A = arith.constant 0 : index
    %get3A_0 = arith.constant 0 : index
    %get3A_1 = vector.load %arg0[%get3A, %get3A_0] : memref<10000x128xf32, #tpu.memory_space<vmem>>, vector<10000x128xf32>
    %get3A_2 = arith.constant 0 : index
    %get3A_3 = arith.constant 0 : index
    %get3A_4 = arith.constant 0 : index
    %get3A_5 = vector.load %arg1[%get3A_2, %get3A_3, %get3A_4] : memref<2x10240x128xf32, #tpu.memory_space<vmem>>, vector<1x10000x128xf32>
    %get3A_6 = vector.shape_cast %get3A_5 : vector<1x10000x128xf32> to vector<10000x128xf32>
    %get3A_7 = arith.constant 1 : index
    %get3A_8 = arith.constant 0 : index
    %get3A_9 = arith.constant 0 : index
    %get3A_10 = vector.load %arg1[%get3A_7, %get3A_8, %get3A_9] : memref<2x10240x128xf32, #tpu.memory_space<vmem>>, vector<1x10000x128xf32>
    %get3A_11 = vector.shape_cast %get3A_10 : vector<1x10000x128xf32> to vector<10000x128xf32>
    %add3A = arith.addf %get3A_6, %get3A_11 : vector<10000x128xf32>
    %get3A_12 = arith.constant 0 : index
    %get3A_13 = arith.constant 0 : index
    %get3A_14 = vector.load %arg4[%get3A_12, %get3A_13] : memref<1x1xf32, #tpu.memory_space<vmem>>, vector<1x1xf32>
    %get3A_15 = vector.extract %get3A_14[0, 0] : f32 from vector<1x1xf32>
    %get3A_16 = arith.constant 0 : index
    %get3A_17 = arith.constant 0 : index
    %get3A_18 = vector.load %arg2[%get3A_16, %get3A_17] : memref<128x128xf32, #tpu.memory_space<vmem>>, vector<128x128xf32>
    %get3A_19 = arith.constant 0 : index
    %get3A_20 = arith.constant 0 : index
    %get3A_21 = vector.load %arg3[%get3A_19, %get3A_20] : memref<1x128xf32, #tpu.memory_space<vmem>>, vector<1x128xf32>
    %get3A_22 = arith.constant 0 : index
    %get3A_23 = arith.constant 0 : index
    %get3A_24 = vector.load %arg5[%get3A_22, %get3A_23] : memref<1x128xf32, #tpu.memory_space<vmem>>, vector<1x128xf32>
    %get3A_25 = arith.constant 0 : index
    %get3A_26 = arith.constant 0 : index
    %get3A_27 = vector.load %arg6[%get3A_25, %get3A_26] : memref<1x128xf32, #tpu.memory_space<vmem>>, vector<1x128xf32>
    %add3A_28 = arith.constant 1.000000e+00 : f32
    %add3A_29 = arith.addf %add3A_28, %get3A_15 : f32
    %mul3A = vector.broadcast %add3A_29 : f32 to vector<10000x128xf32>
    %mul3A_30 = arith.mulf %mul3A, %get3A_1 : vector<10000x128xf32>
    %add3A_31 = arith.addf %mul3A_30, %add3A : vector<10000x128xf32>
    %dot_general3A = arith.constant dense<0.000000e+00> : vector<10000x128xf32>
    %dot_general3A_32 = tpu.matmul %add3A_31, %get3A_18, %dot_general3A {dimension_numbers = #tpu.dot_dimension_numbers<[1], [0], [0], [1], [0, 0, 1, 1], [], []>, transpose_lhs_hint = false} : vector<10000x128xf32>, vector<128x128xf32>, vector<10000x128xf32> -> vector<10000x128xf32>
    %add3A_33 = vector.broadcast %get3A_21 : vector<1x128xf32> to vector<10000x128xf32>
    %add3A_34 = arith.addf %dot_general3A_32, %add3A_33 : vector<10000x128xf32>
    %reduce_sum3A = arith.constant dense<0.000000e+00> : vector<128xf32>
    %reduce_sum3A_35 = vector.multi_reduction <add>, %add3A_34, %reduce_sum3A [0] : vector<10000x128xf32> to vector<128xf32>
    %broadcast_in_dim3A = vector.shape_cast %reduce_sum3A_35 : vector<128xf32> to vector<1x128xf32>
    %div3A = arith.constant 1.000000e+04 : f32
    %div3A_36 = vector.broadcast %div3A : f32 to vector<1x128xf32>
    %div3A_37 = arith.divf %broadcast_in_dim3A, %div3A_36 : vector<1x128xf32>
    %sub3A = vector.broadcast %div3A_37 : vector<1x128xf32> to vector<10000x128xf32>
    %sub3A_38 = arith.subf %add3A_34, %sub3A : vector<10000x128xf32>
    %integer_pow3A = arith.mulf %sub3A_38, %sub3A_38 : vector<10000x128xf32>
    %reduce_sum3A_39 = arith.constant dense<0.000000e+00> : vector<128xf32>
    %reduce_sum3A_40 = vector.multi_reduction <add>, %integer_pow3A, %reduce_sum3A_39 [0] : vector<10000x128xf32> to vector<128xf32>
    %broadcast_in_dim3A_41 = vector.shape_cast %reduce_sum3A_40 : vector<128xf32> to vector<1x128xf32>
    %div3A_42 = arith.constant 1.000000e+04 : f32
    %div3A_43 = vector.broadcast %div3A_42 : f32 to vector<1x128xf32>
    %div3A_44 = arith.divf %broadcast_in_dim3A_41, %div3A_43 : vector<1x128xf32>
    %sub3A_45 = vector.broadcast %div3A_37 : vector<1x128xf32> to vector<10000x128xf32>
    %sub3A_46 = arith.subf %add3A_34, %sub3A_45 : vector<10000x128xf32>
    %add3A_47 = arith.constant 9.99999974E-6 : f32
    %add3A_48 = vector.broadcast %add3A_47 : f32 to vector<1x128xf32>
    %add3A_49 = arith.addf %div3A_44, %add3A_48 : vector<1x128xf32>
    %rsqrt3A = math.rsqrt %add3A_49 : vector<1x128xf32>
    %mul3A_50 = vector.broadcast %rsqrt3A : vector<1x128xf32> to vector<10000x128xf32>
    %mul3A_51 = arith.mulf %sub3A_46, %mul3A_50 : vector<10000x128xf32>
    %mul3A_52 = vector.broadcast %get3A_24 : vector<1x128xf32> to vector<10000x128xf32>
    %mul3A_53 = arith.mulf %mul3A_52, %mul3A_51 : vector<10000x128xf32>
    %add3A_54 = vector.broadcast %get3A_27 : vector<1x128xf32> to vector<10000x128xf32>
    %add3A_55 = arith.addf %mul3A_53, %add3A_54 : vector<10000x128xf32>
    %max3A = arith.constant 0.000000e+00 : f32
    %max3A_56 = vector.broadcast %max3A : f32 to vector<10000x128xf32>
    %max3A_57 = arith.maximumf %add3A_55, %max3A_56 : vector<10000x128xf32>
    %swap3A = arith.constant 0 : index
    %swap3A_58 = arith.constant 0 : index
    %swap3A_59 = vector.load %arg11[%swap3A, %swap3A_58] : memref<10000x128xf32, #tpu.memory_space<vmem>>, vector<10000x128xf32>
    tpu.vector_store %arg11[%swap3A, %swap3A_58], %max3A_57 {strides = array<i32>} : memref<10000x128xf32, #tpu.memory_space<vmem>>, vector<10000x128xf32>,
    %get3A_60 = arith.constant 0 : index
    %get3A_61 = arith.constant 0 : index
    %get3A_62 = vector.load %arg7[%get3A_60, %get3A_61] : memref<128x10xf32, #tpu.memory_space<vmem>>, vector<128x10xf32>
    %dot_general3A_63 = arith.constant dense<0.000000e+00> : vector<10000x10xf32>
    %dot_general3A_64 = tpu.matmul %get3A_1, %get3A_62, %dot_general3A_63 {dimension_numbers = #tpu.dot_dimension_numbers<[1], [0], [0], [1], [0, 0, 1, 1], [], []>, transpose_lhs_hint = false} : vector<10000x128xf32>, vector<128x10xf32>, vector<10000x10xf32> -> vector<10000x10xf32>
    %get3A_65 = arith.constant 0 : index
    %get3A_66 = arith.constant 0 : index
    %get3A_67 = vector.load %arg8[%get3A_65, %get3A_66] : memref<1x10xf32, #tpu.memory_space<vmem>>, vector<1x10xf32>
    %add3A_68 = vector.broadcast %get3A_67 : vector<1x10xf32> to vector<10000x10xf32>
    %add3A_69 = arith.addf %dot_general3A_64, %add3A_68 : vector<10000x10xf32>
    %get3A_70 = arith.constant 0 : index
    %get3A_71 = arith.constant 0 : index
    %get3A_72 = vector.load %arg9[%get3A_70, %get3A_71] : memref<128x10xf32, #tpu.memory_space<vmem>>, vector<128x10xf32>
    %dot_general3A_73 = arith.constant dense<0.000000e+00> : vector<10000x10xf32>
    %dot_general3A_74 = tpu.matmul %max3A_57, %get3A_72, %dot_general3A_73 {dimension_numbers = #tpu.dot_dimension_numbers<[1], [0], [0], [1], [0, 0, 1, 1], [], []>, transpose_lhs_hint = false} : vector<10000x128xf32>, vector<128x10xf32>, vector<10000x10xf32> -> vector<10000x10xf32>
    %get3A_75 = arith.constant 0 : index
    %get3A_76 = arith.constant 0 : index
    %get3A_77 = vector.load %arg10[%get3A_75, %get3A_76] : memref<1x10xf32, #tpu.memory_space<vmem>>, vector<1x10xf32>
    %add3A_78 = vector.broadcast %get3A_77 : vector<1x10xf32> to vector<10000x10xf32>
    %add3A_79 = arith.addf %dot_general3A_74, %add3A_78 : vector<10000x10xf32>
    %add3A_80 = arith.addf %add3A_69, %add3A_79 : vector<10000x10xf32>
    %swap3A_81 = arith.constant 0 : index
    %swap3A_82 = arith.constant 0 : index
    %swap3A_83 = vector.load %arg12[%swap3A_81, %swap3A_82] : memref<10000x10xf32, #tpu.memory_space<vmem>>, vector<10000x10xf32>
    tpu.vector_store %arg12[%swap3A_81, %swap3A_82], %add3A_80 {strides = array<i32>} : memref<10000x10xf32, #tpu.memory_space<vmem>>, vector<10000x10xf32>,
    return
  }
}

module attributes {stable_mosaic.version = 14 : i64} {
  func.func @_tc_layer_body(%arg0: memref<10000x128xf32, #tpu.memory_space<vmem>>, %arg1: memref<2x10240x128xf32, #tpu.memory_space<vmem>>, %arg2: memref<128x128xf32, #tpu.memory_space<vmem>>, %arg3: memref<1x128xf32, #tpu.memory_space<vmem>>, %arg4: memref<1x1xf32, #tpu.memory_space<vmem>>, %arg5: memref<1x128xf32, #tpu.memory_space<vmem>>, %arg6: memref<1x128xf32, #tpu.memory_space<vmem>>, %arg7: memref<128x10xf32, #tpu.memory_space<vmem>>, %arg8: memref<1x10xf32, #tpu.memory_space<vmem>>, %arg9: memref<10000x10xf32, #tpu.memory_space<vmem>>, %arg10: memref<10000x128xf32, #tpu.memory_space<vmem>>, %arg11: memref<10000x10xf32, #tpu.memory_space<vmem>>) attributes {dimension_semantics = [], scalar_prefetch = 0 : i64, scratch_operands = 0 : i64, tpu.core_type = #tpu.core_type<tc>} {
    %get3A = arith.constant 0 : index
    %get3A_0 = arith.constant 0 : index
    %get3A_1 = vector.load %arg0[%get3A, %get3A_0] : memref<10000x128xf32, #tpu.memory_space<vmem>>, vector<10000x128xf32>
    %get3A_2 = arith.constant 0 : index
    %get3A_3 = arith.constant 0 : index
    %get3A_4 = arith.constant 0 : index
    %get3A_5 = vector.load %arg1[%get3A_2, %get3A_3, %get3A_4] : memref<2x10240x128xf32, #tpu.memory_space<vmem>>, vector<1x10000x128xf32>
    %get3A_6 = vector.shape_cast %get3A_5 : vector<1x10000x128xf32> to vector<10000x128xf32>
    %get3A_7 = arith.constant 1 : index
    %get3A_8 = arith.constant 0 : index
    %get3A_9 = arith.constant 0 : index
    %get3A_10 = vector.load %arg1[%get3A_7, %get3A_8, %get3A_9] : memref<2x10240x128xf32, #tpu.memory_space<vmem>>, vector<1x10000x128xf32>
    %get3A_11 = vector.shape_cast %get3A_10 : vector<1x10000x128xf32> to vector<10000x128xf32>
    %add3A = arith.addf %get3A_6, %get3A_11 : vector<10000x128xf32>
    %get3A_12 = arith.constant 0 : index
    %get3A_13 = arith.constant 0 : index
    %get3A_14 = vector.load %arg4[%get3A_12, %get3A_13] : memref<1x1xf32, #tpu.memory_space<vmem>>, vector<1x1xf32>
    %get3A_15 = vector.extract %get3A_14[0, 0] : f32 from vector<1x1xf32>
    %get3A_16 = arith.constant 0 : index
    %get3A_17 = arith.constant 0 : index
    %get3A_18 = vector.load %arg2[%get3A_16, %get3A_17] : memref<128x128xf32, #tpu.memory_space<vmem>>, vector<128x128xf32>
    %get3A_19 = arith.constant 0 : index
    %get3A_20 = arith.constant 0 : index
    %get3A_21 = vector.load %arg3[%get3A_19, %get3A_20] : memref<1x128xf32, #tpu.memory_space<vmem>>, vector<1x128xf32>
    %get3A_22 = arith.constant 0 : index
    %get3A_23 = arith.constant 0 : index
    %get3A_24 = vector.load %arg5[%get3A_22, %get3A_23] : memref<1x128xf32, #tpu.memory_space<vmem>>, vector<1x128xf32>
    %get3A_25 = arith.constant 0 : index
    %get3A_26 = arith.constant 0 : index
    %get3A_27 = vector.load %arg6[%get3A_25, %get3A_26] : memref<1x128xf32, #tpu.memory_space<vmem>>, vector<1x128xf32>
    %add3A_28 = arith.constant 1.000000e+00 : f32
    %add3A_29 = arith.addf %add3A_28, %get3A_15 : f32
    %mul3A = vector.broadcast %add3A_29 : f32 to vector<10000x128xf32>
    %mul3A_30 = arith.mulf %mul3A, %get3A_1 : vector<10000x128xf32>
    %add3A_31 = arith.addf %mul3A_30, %add3A : vector<10000x128xf32>
    %dot_general3A = arith.constant dense<0.000000e+00> : vector<10000x128xf32>
    %dot_general3A_32 = tpu.matmul %add3A_31, %get3A_18, %dot_general3A {dimension_numbers = #tpu.dot_dimension_numbers<[1], [0], [0], [1], [0, 0, 1, 1], [], []>, transpose_lhs_hint = false} : vector<10000x128xf32>, vector<128x128xf32>, vector<10000x128xf32> -> vector<10000x128xf32>
    %add3A_33 = vector.broadcast %get3A_21 : vector<1x128xf32> to vector<10000x128xf32>
    %add3A_34 = arith.addf %dot_general3A_32, %add3A_33 : vector<10000x128xf32>
    %reduce_sum3A = arith.constant dense<0.000000e+00> : vector<128xf32>
    %reduce_sum3A_35 = vector.multi_reduction <add>, %add3A_34, %reduce_sum3A [0] : vector<10000x128xf32> to vector<128xf32>
    %broadcast_in_dim3A = vector.shape_cast %reduce_sum3A_35 : vector<128xf32> to vector<1x128xf32>
    %div3A = arith.constant 1.000000e+04 : f32
    %div3A_36 = vector.broadcast %div3A : f32 to vector<1x128xf32>
    %div3A_37 = arith.divf %broadcast_in_dim3A, %div3A_36 : vector<1x128xf32>
    %sub3A = vector.broadcast %div3A_37 : vector<1x128xf32> to vector<10000x128xf32>
    %sub3A_38 = arith.subf %add3A_34, %sub3A : vector<10000x128xf32>
    %integer_pow3A = arith.mulf %sub3A_38, %sub3A_38 : vector<10000x128xf32>
    %reduce_sum3A_39 = arith.constant dense<0.000000e+00> : vector<128xf32>
    %reduce_sum3A_40 = vector.multi_reduction <add>, %integer_pow3A, %reduce_sum3A_39 [0] : vector<10000x128xf32> to vector<128xf32>
    %broadcast_in_dim3A_41 = vector.shape_cast %reduce_sum3A_40 : vector<128xf32> to vector<1x128xf32>
    %div3A_42 = arith.constant 1.000000e+04 : f32
    %div3A_43 = vector.broadcast %div3A_42 : f32 to vector<1x128xf32>
    %div3A_44 = arith.divf %broadcast_in_dim3A_41, %div3A_43 : vector<1x128xf32>
    %sub3A_45 = vector.broadcast %div3A_37 : vector<1x128xf32> to vector<10000x128xf32>
    %sub3A_46 = arith.subf %add3A_34, %sub3A_45 : vector<10000x128xf32>
    %add3A_47 = arith.constant 9.99999974E-6 : f32
    %add3A_48 = vector.broadcast %add3A_47 : f32 to vector<1x128xf32>
    %add3A_49 = arith.addf %div3A_44, %add3A_48 : vector<1x128xf32>
    %rsqrt3A = math.rsqrt %add3A_49 : vector<1x128xf32>
    %mul3A_50 = vector.broadcast %rsqrt3A : vector<1x128xf32> to vector<10000x128xf32>
    %mul3A_51 = arith.mulf %sub3A_46, %mul3A_50 : vector<10000x128xf32>
    %mul3A_52 = vector.broadcast %get3A_24 : vector<1x128xf32> to vector<10000x128xf32>
    %mul3A_53 = arith.mulf %mul3A_52, %mul3A_51 : vector<10000x128xf32>
    %add3A_54 = vector.broadcast %get3A_27 : vector<1x128xf32> to vector<10000x128xf32>
    %add3A_55 = arith.addf %mul3A_53, %add3A_54 : vector<10000x128xf32>
    %max3A = arith.constant 0.000000e+00 : f32
    %max3A_56 = vector.broadcast %max3A : f32 to vector<10000x128xf32>
    %max3A_57 = arith.maximumf %add3A_55, %max3A_56 : vector<10000x128xf32>
    %swap3A = arith.constant 0 : index
    %swap3A_58 = arith.constant 0 : index
    %swap3A_59 = vector.load %arg10[%swap3A, %swap3A_58] : memref<10000x128xf32, #tpu.memory_space<vmem>>, vector<10000x128xf32>
    tpu.vector_store %arg10[%swap3A, %swap3A_58], %max3A_57 {strides = array<i32>} : memref<10000x128xf32, #tpu.memory_space<vmem>>, vector<10000x128xf32>,
    %get3A_60 = arith.constant 0 : index
    %get3A_61 = arith.constant 0 : index
    %get3A_62 = vector.load %arg9[%get3A_60, %get3A_61] : memref<10000x10xf32, #tpu.memory_space<vmem>>, vector<10000x10xf32>
    %get3A_63 = arith.constant 0 : index
    %get3A_64 = arith.constant 0 : index
    %get3A_65 = vector.load %arg7[%get3A_63, %get3A_64] : memref<128x10xf32, #tpu.memory_space<vmem>>, vector<128x10xf32>
    %dot_general3A_66 = arith.constant dense<0.000000e+00> : vector<10000x10xf32>
    %dot_general3A_67 = tpu.matmul %max3A_57, %get3A_65, %dot_general3A_66 {dimension_numbers = #tpu.dot_dimension_numbers<[1], [0], [0], [1], [0, 0, 1, 1], [], []>, transpose_lhs_hint = false} : vector<10000x128xf32>, vector<128x10xf32>, vector<10000x10xf32> -> vector<10000x10xf32>
    %add3A_68 = arith.addf %get3A_62, %dot_general3A_67 : vector<10000x10xf32>
    %get3A_69 = arith.constant 0 : index
    %get3A_70 = arith.constant 0 : index
    %get3A_71 = vector.load %arg8[%get3A_69, %get3A_70] : memref<1x10xf32, #tpu.memory_space<vmem>>, vector<1x10xf32>
    %add3A_72 = vector.broadcast %get3A_71 : vector<1x10xf32> to vector<10000x10xf32>
    %add3A_73 = arith.addf %add3A_68, %add3A_72 : vector<10000x10xf32>
    %swap3A_74 = arith.constant 0 : index
    %swap3A_75 = arith.constant 0 : index
    %swap3A_76 = vector.load %arg11[%swap3A_74, %swap3A_75] : memref<10000x10xf32, #tpu.memory_space<vmem>>, vector<10000x10xf32>
    tpu.vector_store %arg11[%swap3A_74, %swap3A_75], %add3A_73 {strides = array<i32>} : memref<10000x10xf32, #tpu.memory_space<vmem>>, vector<10000x10xf32>,
    return
  }
}

</mosaic_0001>

<sc_bundles>
// kernel: kernel.10.cloned.1.call-start
scs
__scs_entry_jumppad:
0x0: {  	(pc) =	sbr.rel $0x88, $3  }
0x1: {  	(tag) =	ssettag $0x0;
	lr =	simm.s32 $0x1  }
0x2: {  	[smem:$0x3F98] =	sst lr;
	_ =	strace $0xD0000000  }
0x3: {  	_ = 	snop  }
0x4: {  	_ = 	snop  }
0x5: {  	_ = 	snop  }
0x6: {  	_ = 	snop  }
0x7: {  	_ = 	snop  }
__scs_overlays_trampoline_lowered:
0x8: {  	[smem:$0x3FA7] =	sst s0  }
0x9: {  	[smem:$0x3FA8] =	sst s1  }
0xa: {  	[smem:$0x3FA9] =	sst s2  }
0xb: {  	[smem:$0x3FAA] =	sst s3  }
0xc: {  	[smem:$0x3FAB] =	sst s4  }
0xd: {  	[smem:$0x3FAC] =	sst s5  }
0xe: {  	[smem:$0x3FAD] =	sst s6  }
0xf: {  	[smem:$0x3FAE] =	sst s7  }
0x10: {  	[smem:$0x3FAF] =	sst s8  }
0x11: {  	[smem:$0x3FB0] =	sst s9;
	s0 =	simm.s32 @!p0 $0x0  }
0x12: {  	s1 =	sld [smem:$0x3F96];
	s0 =	simm.s32 @p0 $0x1  }
0x13: {  	[smem:$0x3FB1] =	sst s0;
	s0 =	simm.s32 @!p1 $0x0  }
0x14: {  	s2 =	sld [smem:$0x3F95];
	s0 =	simm.s32 @p1 $0x1  }
0x15: {  	[smem:$0x3FB2] =	sst s0;
	s0 =	simm.s32 @!p2 $0x0  }
0x16: {  	s3 =	sld [smem:$0x3FDB];
	s0 =	simm.s32 @p2 $0x1  }
0x17: {  	s4 =	simm.s32 $0x1BF5;
	[smem:$0x3FB4] =	sst s0  }
0x18: {  	s0 =	sld [smem:$0x3F97];
	_ =	swait.ge [sflag:s4], $0x0  }
0x19: {  	s7 =	sld [smem:$0x3F98]  }
0x1a: {  	s8 =	sadd.s32 $0xFFFFE003, lr  }
0x1b: {  	s9 =	sadd.s32 $0xFFFFFEF7, lr;
	s5 =	simm.s32 $0xFFFFFFFF;
	p2 =	slt.u32 s8, $0xFFFFF086  }
0x1c: {  	p1 =	slt.u32 s9, $0xF7A;
	s5 =	simm.s32 @!p2 $0x0  }
0x1d: {  	s5 =	simm.s32 @p1 $0x1;
	p0 =	seq.s32 s7, s2  }
0x1e: {  	s7 =	smul.u32 @!p0 $0xF7A, s2;
	p2 =	seq.s32 @!p0 s5, $0x0  }
0x1f: {  	s9 =	smul.u32 $0xF7A, s1;
	s8 =	simm.s32 @!p0 $0x1BF5;
	p2 =	por !p2, p0  }
0x20: {  	[sflag:s8] =	ssyncset.s32 @!p0 $0xFFFFF086;
	s6 =	sadd.s32 @!p0 s3, s7;
	s7 =	simm.s32 @!p0 $0x108  }
0x21: {  	s3 =	sadd.s32 s3, s9;
	s6 =	sadd.s32 @!p0 $0x88, s6;
	s7 =	simm.s32 @p2 $0x1082  }
0x22: {  	[simem:s7], [sflag:s8] =	dma.local @!p0 [hbm:s6], $0xF7A  }
0x23: {  	s9 =	sor.u32 $0xD0000000, s2;
	s6 =	simm.s32 $0x108;
	_ =	swait.ge @!p0 [sflag:s8], $0x0  }
0x24: {  	s3 =	sadd.s32 $0x88, s3;
	s6 =	simm.s32 @!p1 $0x1082;
	[sflag:s4] =	ssyncset.s32 $0xFFFFF086  }
0x25: {  	[simem:s6], [sflag:s4] =	dma.local [hbm:s3], $0xF7A  }
0x26: {  	[smem:$0x3F98] =	sst s1;
	(tag) =	ssettag s2;
	_ =	strace s9  }
0x27: {  	s1 =	sld [smem:$0x3FA8]  }
0x28: {  	s2 =	sld [smem:$0x3FA9]  }
0x29: {  	s4 =	sld [smem:$0x3FAB]  }
0x2a: {  	p0 =	seq.s32 s5, $0x0;
	s5 =	sld [smem:$0x3FAC]  }
0x2b: {  	s6 =	sld [smem:$0x3FAD]  }
0x2c: {  	s7 =	sld [smem:$0x3FAE]  }
0x2d: {  	s3 =	simm.s32 $0x108;
	s8 =	sld [smem:$0x3FAF]  }
0x2e: {  	s3 =	simm.s32 @!p0 $0x1082;
	s9 =	sld [smem:$0x3FB0]  }
0x2f: {  	lr =	sadd.s32 s0, s3;
	s0 =	sld [smem:$0x3FA7]  }
0x30: {  	s3 =	sld [smem:$0x3FAA]  }
0x31: {  	[smem:$0x3FB3] =	sst s10  }
0x32: {  	s10 =	sld [smem:$0x3FB1];
	_ =	sdelay $0x3  }
0x33: {  	p0 =	seq.s32 s10, $0x1;
	s10 =	sld [smem:$0x3FB3];
	_ =	sdelay $0x3  }
0x34: {  	[smem:$0x3FB3] =	sst s10  }
0x35: {  	s10 =	sld [smem:$0x3FB2];
	_ =	sdelay $0x3  }
0x36: {  	p1 =	seq.s32 s10, $0x1;
	s10 =	sld [smem:$0x3FB3];
	_ =	sdelay $0x3  }
0x37: {  	[smem:$0x3FB3] =	sst s10  }
0x38: {  	s10 =	sld [smem:$0x3FB4]  }
0x39: {  	_ = 	snop;
	(pc) =	sbr.ind lr, $3  }
0x3a: {  	_ = 	snop  }
0x3b: {  	_ = 	snop  }
0x3c: {  	p2 =	seq.s32 s10, $0x1;
	s10 =	sld [smem:$0x3FB3]  }
0x3d: {  	_ =	shalt  }
0x3e: {  	_ =	shalt  }
0x3f: {  	_ =	shalt  }
0x40: {  	_ =	shalt  }
0x41: {  	_ =	shalt  }
0x42: {  	_ =	shalt  }
0x43: {  	_ =	shalt  }
0x44: {  	_ =	shalt  }
0x45: {  	_ =	shalt  }
0x46: {  	_ =	shalt  }
0x47: {  	_ =	shalt  }
0x48: {  	_ =	shalt  }
0x49: {  	_ =	shalt  }
0x4a: {  	_ =	shalt  }
0x4b: {  	_ =	shalt  }
0x4c: {  	_ =	shalt  }
0x4d: {  	_ =	shalt  }
0x4e: {  	_ =	shalt  }
0x4f: {  	_ =	shalt  }
0x50: {  	_ =	shalt  }
0x51: {  	_ =	shalt  }
0x52: {  	_ =	shalt  }
0x53: {  	_ =	shalt  }
0x54: {  	_ =	shalt  }
0x55: {  	_ =	shalt  }
0x56: {  	_ =	shalt  }
0x57: {  	_ =	shalt  }
0x58: {  	_ =	shalt  }
0x59: {  	_ =	shalt  }
0x5a: {  	_ =	shalt  }
0x5b: {  	_ =	shalt  }
0x5c: {  	_ =	shalt  }
0x5d: {  	_ =	shalt  }
0x5e: {  	_ =	shalt  }
0x5f: {  	_ =	shalt  }
0x60: {  	_ =	shalt  }
0x61: {  	_ =	shalt  }
0x62: {  	_ =	shalt  }
0x63: {  	_ =	shalt  }
0x64: {  	_ =	shalt  }
0x65: {  	_ =	shalt  }
0x66: {  	_ =	shalt  }
0x67: {  	_ =	shalt  }
0x68: {  	_ =	shalt  }
0x69: {  	_ =	shalt  }
0x6a: {  	_ =	shalt  }
0x6b: {  	_ =	shalt  }
0x6c: {  	_ =	shalt  }
0x6d: {  	_ =	shalt  }
0x6e: {  	_ =	shalt  }
0x6f: {  	_ =	shalt  }
0x70: {  	_ =	shalt  }
0x71: {  	_ =	shalt  }
0x72: {  	_ =	shalt  }
0x73: {  	_ =	shalt  }
0x74: {  	_ =	shalt  }
0x75: {  	_ =	shalt  }
0x76: {  	_ =	shalt  }
0x77: {  	_ =	shalt  }
0x78: {  	_ =	shalt  }
0x79: {  	_ =	shalt  }
0x7a: {  	_ =	shalt  }
0x7b: {  	_ =	shalt  }
0x7c: {  	_ =	shalt  }
0x7d: {  	_ =	shalt  }
0x7e: {  	_ =	shalt  }
0x7f: {  	_ =	shalt  }
0x80: {  	_ =	shalt  }
0x81: {  	_ =	shalt  }
0x82: {  	_ =	shalt  }
0x83: {  	_ =	shalt  }
0x84: {  	_ =	shalt  }
0x85: {  	_ =	shalt  }
0x86: {  	_ =	shalt  }
0x87: {  	_ =	shalt  }
.Lfunc_end0:
.L_simem_size_0:
called_computation_lowered:
.L_overlay_start_0:
0x88: {  	s2 =	sld [smem:$0x3FD9]  }
0x89: {  	s3 =	sld [smem:$0x3FFE];
	_ =	sdelay $0x1  }
0x8a: {  	s1 =	srdreg.scid  }
0x8b: {  	s0 =	sand.u32 $0x1, s1  }
0x8c: {  	s17 =	sshll.u32 s0, $0xA;
	s2 =	sadd.s32 s3, s2  }
0x8d: {  	s2 =	sadd.s32 s2, s17  }
0x8e: {  	[smem:$0x3FBF] =	sst s2  }
0x8f: {  	_ = 	snop  }
0x90: {  	s2 =	sld [smem:$0x3FC9]  }
0x91: {  	s18 =	sld [smem:$0x3FD0];
	(tm) =	ssettm $0x1  }
0x92: {  	s4 =	sld [smem:$0x3FFB];
	_ =	sdelay $0x3  }
0x93: {  	_ =	strace s4  }
0x94: {  	s4 =	sld [smem:$0x3FFC];
	_ =	sdelay $0x3  }
0x95: {  	_ =	strace s4  }
0x96: {  	s4 =	sld [smem:$0x3FFD];
	_ =	sdelay $0x3  }
0x97: {  	_ =	strace s4  }
0x98: {  	_ =	strace $0x8FFFFFFF  }
0x99: {  	s19 =	sld [smem:$0x3FDB];
	_ =	sdelay $0x1  }
0x9a: {  	s5 =	simm.s32 $_scs_section_size  }
0x9b: {  	s6 =	simm.s32 $_size__tile_overlayer_lowered;
	s7 =	simm.s32 $_tile_overlayer_lowered  }
0x9c: {  	s22 =	simm.s32 $0x1BFF;
	s21 =	sshll.u32 s7, $0x1;
	s4 =	sadd.s32 s5, s19  }
0x9d: {  	s8 =	simm.s32 $0x0;
	s20 =	sshll.u32 s6, $0x1;
	s6 =	sadd.s32 s21, s4  }
0x9e: {  	[timem:s8], [sflag:s22] =	dma.local [hbm:s6], s20  }
0x9f: {  	_ =	swait.ge [sflag:s22], s20  }
0xa0: {  	s5 =	ssub.s32 $0x0, s20;
	[sflag:s22] =	ssyncset.done $0x0  }
0xa1: {  	[sflag:s22] =	ssyncadd.s32 s5;
	_ =	sdelay $0x1  }
0xa2: {  	s23 =	simm.s32 $0x1B8B  }
0xa3: {  	_ =	swait.ge [sflag:s23], $0x1  }
0xa4: {  	[sflag:s23] =	ssyncset.done $0x0  }
0xa5: {  	s25 =	simm.s32 $0x1B8E;
	s24 =	sld [smem:$0x3FFE];
	[sflag:s23] =	ssyncadd.s32 $0xFFFFFFFF  }
0xa6: {  	s26 =	simm.s32 $execute0_lowered;
	[smem:$0x3FD2] =	sst s25  }
0xa7: {  	s6 =	sshll.u32 s26, $0x1;
	_ =	strace $0x80000046;
	[dreg:$0x1] =	wrdreg $0xFFFFFFFF  }
0xa8: {  	s28 =	simm.s32 $_size_execute0_lowered;
	s4 =	sadd.s32 s4, s6;
	[dreg:$0x0] =	wrdreg $0x0  }
0xa9: {  	s6 =	sshll.u32 s28, $0x1;
	[dreg:$0x2] =	wrdreg s4  }
0xaa: {  	[dreg:$0x3] =	wrdreg s6  }
0xab: {  	[dreg:$0x4] =	wrdreg $0xC0  }
0xac: {  	_ =	task [dreg:s8], $0x5FFFF  }
0xad: {  	[dreg:$0x1] =	wrdreg $0xFFFFFFFF  }
0xae: {  	[dreg:$0x0] =	wrdreg $0x60  }
0xaf: {  	[dreg:$0x2] =	wrdreg s2  }
0xb0: {  	[dreg:$0x3] =	wrdreg s24  }
0xb1: {  	[dreg:$0x4] =	wrdreg s18  }
0xb2: {  	[dreg:$0x5] =	wrdreg $0xA1000  }
0xb3: {  	[dreg:$0x6] =	wrdreg $0x9  }
0xb4: {  	_ =	task.clear_ibuf [dreg:s8], $0x7FFFF;
	_ =	strace $0x90000046  }
0xb5: {  	s29 =	simm.s32 $0x9;
	_ =	strace $0x80000048  }
0xb6: {  	_ =	swait.ge [sflag:s29], $0x1  }
0xb7: {  	[sflag:s29] =	ssyncadd.s32 $0xFFFFFFFF  }
0xb8: {  	_ =	strace $0x90000048  }
0xb9: {  	_ =	sfence  }
0xba: {  	s30 =	sld [smem:$0x0];
	_ =	sdelay $0x2  }
0xbb: {  	s31 =	sshll.u32 s1, $0xD;
	s1 =	sshrl.u32 s1, $0x2  }
0xbc: {  	s3 =	sand.u32 $0x4000, s31;
	s1 =	sadd.s32 s1, s30  }
0xbd: {  	s0 =	sor.u32 s3, s0;
	s1 =	sshll.u32 s1, $0x11  }
0xbe: {  	s0 =	sor.u32 s1, s0  }
0xbf: {  	s0 =	sadd.s32 $0x8F2B, s0  }
0xc0: {  	[sflag:s0] =	ssyncadd.remote.s32 $0x1  }
0xc1: {  	_ =	sfence.sel $0xFFFF  }
0xc2: {  	[dreg:$0x0] =	wrdreg $0xFFFFFFFF;
	(pc) =	sbr.abs _section_cstart, $3  }
0xc3: {  	[dreg:$0x1] =	wrdreg $0xFFFFFFFF  }
0xc4: {  	_ =	task.clear_ibuf [dreg:s8], $0x2FFFF;
	_ =	strace $0x9FFFFFFF  }
0xc5: {  	(tm) =	ssettm $0x7FFFFFFF  }
tec
execute0_lowered:
.L_overlay_start_1:
0x0: {  	(tag) =	ssettag $0x1  }
0x1: {  	s0 =	srdreg.scid;
	s1 =	rddreg [dreg:$0x0]  }
0x2: {  	s11 =	stileid.u32;
	s3 =	rddreg [dreg:$0x1]  }
0x3: {  	s4 =	rddreg [dreg:$0x3];
	s5 =	simm.s32 $0x0;
	s7 =	smul.u32 $0x14000, s11  }
0x4: {  	s28 =	simm.s32 $0x7900;
	s29 =	simm.s32 $0x4;
	s10 =	smul.u32 $0x50000, s11  }
0x5: {  	s30 =	simm.s32 $0x1;
	s0 =	sand.u32 $0x1, s0;
	s16 =	smul.u32 $0x4E20, s11  }
0x6: {  	s2 =	sshll.u32 s11, $0x1;
	[smem:$0x7FF] =	sst s5;
	s6 =	smul.u32 $0x140000, s0  }
0x7: {  	s2 =	sor.u32 s0, s2;
	s9 =	ssub.s32 $0x2, s0;
	s0 =	smul.u32 $0x2710, s0  }
0x8: {  	s31 =	simm.s32 $0x5;
	_ =	strace $0x80000047;
	s2 =	smul.u32 $0x2710, s2  }
0x9: {  	s15 =	sshrl.u32 s9, $0x1;
	s18 =	sshrl.u32 s10, $0x2;
	s10 =	simm.s32 $0x0  }
0xa: {  	s7 =	sadd.s32 s7, s6;
	s6 =	sadd.s32 $0x3000, s3;
	s0 =	sadd.s32 s0, s16  }
0xb: {  	s2 =	sshrl.u32 s2, $0x3;
	s7 =	sshrl.u32 s7, $0x3;
	s24 =	sadd.s32 $0x190, s0  }
0xc: {  	s8 =	sadd.s32 s2, s3;
	s17 =	sadd.s32 s6, s2;
	s2 =	sadd.s32 s18, s4  }
0xd: {  	s25 =	sadd.s32 $0x140, s0;
	s3 =	sadd.s32 s7, s3;
	[dreg:$0x9] =	wrdreg s2  }
0xe: {  	s7 =	ssub.s32 s9, s15;
	s8 =	sadd.s32 $0xCE00, s8;
	[dreg:$0x6] =	wrdreg s17  }
0xf: {  	s18 =	sadd.s32 $0xF0, s0;
	s19 =	sadd.s32 $0xA, s17;
	[dreg:$0x5] =	wrdreg s8  }
0x10: {  	s0 =	simm.s32 $0x3;
	s20 =	sadd.s32 $0x14, s17;
	[dreg:$0x7] =	wrdreg s19  }
0x11: {  	s9 =	simm.s32 $0x9;
	s21 =	sadd.s32 $0x4CE, s17;
	[dreg:$0x8] =	wrdreg s20  }
0x12: {  	s22 =	sadd.s32 $0x4D8, s17;
	s23 =	sadd.s32 $0x16C00, s3;
	[dreg:$0xa] =	wrdreg s21  }
0x13: {  	s7 =	smax.u32 s7, $0x1;
	s2 =	sshrl.u32 s24, $0x3;
	[dreg:$0xb] =	wrdreg s22  }
0x14: {  	s3 =	sshrl.u32 s25, $0x3;
	s24 =	simm.s32 $0x5100;
	[dreg:$0xc] =	wrdreg s23  }
0x15: {  	s25 =	simm.s32 $0x2880;
	[dreg:$0xd] =	wrdreg s7;
	s2 =	sadd.s32 s2, s6  }
0x16: {  	s26 =	sadd.s32 s3, s6;
	s19 =	simm.s32 $0xA;
	s20 =	simm.s32 $0x2780  }
0x17: {  	s21 =	simm.s32 $0x50;
	s22 =	simm.s32 $0x2900;
	s23 =	simm.s32 $0x2800  }
0x18: {  	s3 =	simm.s32 $0x6;
	s7 =	simm.s32 $0x8;
	[dreg:$0xe] =	wrdreg s2  }
0x19: {  	[dreg:$0xf] =	wrdreg s26;
	s2 =	simm.s32 $0x2;
	s26 =	simm.s32 $0x7  }
.LBB2_1:
0x1a: {  	s8 =	rddreg [dreg:$0x5]  }
0x1b: {  	[tilespmem:s5], [sflag:$0xA] =	stream.linear.gather [hbm4b:s8+s5], $0x2710, $0x38;
	[tilespmem:$0x1E100] =	vst v63  }
0x1c: {  	_ =	swait.ge [sflag:s19], $0x2710  }
0x1d: {  	[sflag:s19] =	ssyncset.done $0x0  }
0x1e: {  	s17 =	rddreg [dreg:$0x6];
	[sflag:s19] =	ssyncadd.s32 $0xFFFFD8F0  }
0x1f: {  	[tilespmem:s20], [sflag:$0x1] =	stream.linear.gather [hbm4b:s17+s5], $0x50, $0x38;
	[tilespmem:$0x1E100] =	vst v63  }
0x20: {  	_ = 	snop  }
0x21: {  	[tilespmem:s22], [sflag:$0x4] =	stream.indirect.gather [hbm4b:s1+s21], $0x80, s5, s21, $0xb8;
	[tilespmem:$0x1E100] =	vst v63  }
0x22: {  	s11 =	rddreg [dreg:$0x7]  }
0x23: {  	[tilespmem:s23], [sflag:$0x2] =	stream.linear.gather [hbm4b:s11+s5], $0x50, $0x38;
	[tilespmem:$0x1E100] =	vst v63  }
0x24: {  	s14 =	stileid.u32;
	s12 =	rddreg [dreg:$0x8]  }
0x25: {  	[tilespmem:s24], [sflag:$0x5] =	stream.indirect.gather [hbm4b:s1+s21], $0x80, s21, s21, $0xb8;
	[tilespmem:$0x1E100] =	vst v63  }
0x26: {  	s13 =	simm.s32 $0xA0;
	s8 =	sshll.u32 s14, $0x6;
	s15 =	rddreg [dreg:$0x9]  }
0x27: {  	[tilespmem:s25], [sflag:$0x3] =	stream.linear.gather [hbm4b:s12+s5], $0x50, $0x38;
	[tilespmem:$0x1E100] =	vst v63  }
0x28: {  	s16 =	rddreg [dreg:$0x2];
	s11 =	sor.u32 $0x1C0A, s8;
	s12 =	sshrl.u32 s15, $0x3  }
0x29: {  	[tilespmem:s28], [sflag:$0x6] =	stream.indirect.gather [hbm4b:s1+s21], $0x80, s13, s21, $0xb8;
	[tilespmem:$0x1E100] =	vst v63  }
0x2a: {  	[spmem:s12], [sflag:s11] =	dma.local [hbm:s16], $0x2800  }
0x2b: {  	_ =	swait.ge [sflag:s19], $0x2800  }
0x2c: {  	[sflag:s19] =	ssyncset.done $0x0  }
0x2d: {  	[sflag:s19] =	ssyncadd.s32 $0xFFFFD800  }
0x2e: {  	[bflag:$0x0] =	sbarrier.arrive $0xFFFF  }
0x2f: {  	_ =	swait.ge [sflag:s29], $0x2800  }
0x30: {  	[sflag:s29] =	ssyncset.done $0x0  }
0x31: {  	[sflag:s29] =	ssyncadd.s32 $0xFFFFD800  }
0x32: {  	_ =	swait.ge [sflag:s30], $0x50  }
0x33: {  	[sflag:s30] =	ssyncset.done $0x0  }
0x34: {  	[sflag:s30] =	ssyncadd.s32 $0xFFFFFFB0  }
0x35: {  	[spmem:s4] =	stream.indirect.scatter.add.f32 [tilespmem:s22], [sflag:$0x7], $0x80, s20, s21, $0xb8;
	[tilespmem:$0x1E100] =	vst v63  }
0x36: {  	_ =	swait.ge [sflag:s31], $0x2800  }
0x37: {  	[sflag:s31] =	ssyncset.done $0x0  }
0x38: {  	[sflag:s31] =	ssyncadd.s32 $0xFFFFD800  }
0x39: {  	_ =	swait.ge [sflag:s2], $0x50  }
0x3a: {  	[sflag:s2] =	ssyncset.done $0x0  }
0x3b: {  	[sflag:s2] =	ssyncadd.s32 $0xFFFFFFB0  }
0x3c: {  	[spmem:s4] =	stream.indirect.scatter.add.f32 [tilespmem:s24], [sflag:$0x8], $0x80, s23, s21, $0xb8;
	[tilespmem:$0x1E100] =	vst v63  }
0x3d: {  	_ =	swait.ge [sflag:s3], $0x2800  }
0x3e: {  	[sflag:s3] =	ssyncset.done $0x0  }
0x3f: {  	[sflag:s3] =	ssyncadd.s32 $0xFFFFD800  }
0x40: {  	_ =	swait.ge [sflag:s0], $0x50  }
0x41: {  	[sflag:s0] =	ssyncset.done $0x0  }
0x42: {  	[sflag:s0] =	ssyncadd.s32 $0xFFFFFFB0  }
0x43: {  	[spmem:s4] =	stream.indirect.scatter.add.f32 [tilespmem:s28], [sflag:$0x9], $0x80, s25, s21, $0xb8;
	[tilespmem:$0x1E100] =	vst v63  }
0x44: {  	_ =	swait.ge [sflag:s26], $0x2800  }
0x45: {  	s17 =	sshrl.u32 s18, $0x3;
	[sflag:s26] =	ssyncset.done $0x0  }
0x46: {  	s8 =	sadd.s32 s6, s17;
	[sflag:s26] =	ssyncadd.s32 $0xFFFFD800  }
0x47: {  	[tilespmem:s20], [sflag:$0x1] =	stream.linear.gather [hbm4b:s8+s5], $0x50, $0x38;
	[tilespmem:$0x1E100] =	vst v63  }
0x48: {  	s13 =	simm.s32 $0xF0  }
0x49: {  	[tilespmem:s22], [sflag:$0x4] =	stream.indirect.gather [hbm4b:s1+s21], $0x80, s13, s21, $0xb8;
	[tilespmem:$0x1E100] =	vst v63  }
0x4a: {  	_ =	swait.ge [sflag:s7], $0x2800  }
0x4b: {  	[sflag:s7] =	ssyncset.done $0x0  }
0x4c: {  	s17 =	rddreg [dreg:$0xf];
	[sflag:s7] =	ssyncadd.s32 $0xFFFFD800  }
0x4d: {  	[tilespmem:s23], [sflag:$0x2] =	stream.linear.gather [hbm4b:s17+s5], $0x50, $0x38;
	[tilespmem:$0x1E100] =	vst v63  }
0x4e: {  	s14 =	simm.s32 $0x140  }
0x4f: {  	[tilespmem:s24], [sflag:$0x5] =	stream.indirect.gather [hbm4b:s1+s21], $0x80, s14, s21, $0xb8;
	[tilespmem:$0x1E100] =	vst v63  }
0x50: {  	_ =	swait.ge [sflag:s9], $0x2800  }
0x51: {  	s16 =	simm.s32 $0x190;
	[sflag:s9] =	ssyncset.done $0x0  }
0x52: {  	s13 =	simm.s32 $0x3C0;
	s15 =	rddreg [dreg:$0xe];
	[sflag:s9] =	ssyncadd.s32 $0xFFFFD800  }
0x53: {  	[tilespmem:s25], [sflag:$0x3] =	stream.linear.gather [hbm4b:s15+s5], $0x50, $0x38;
	[tilespmem:$0x1E100] =	vst v63  }
0x54: {  	s8 =	sadd.s32 $0x1E, s17;
	s14 =	sadd.s32 $0xF0, s18;
	s15 =	sadd.s32 $0x1E, s15  }
.LBB2_2:
0x55: {  	[tilespmem:s28], [sflag:$0x6] =	stream.indirect.gather [hbm4b:s1+s21], $0x80, s16, s21, $0xb8;
	[tilespmem:$0x1E100] =	vst v63  }
0x56: {  	s16 =	smov.u32 s13  }
0x57: {  	p0 =	sne.s32 s13, $0x9240;
	s13 =	sadd.s32 $0x3C0, s13;
	_ =	swait.ge [sflag:s29], $0x2800  }
0x58: {  	[sflag:s29] =	ssyncset.done $0x0  }
0x59: {  	[sflag:s29] =	ssyncadd.s32 $0xFFFFD800  }
0x5a: {  	_ =	swait.ge [sflag:s30], $0x50  }
0x5b: {  	[sflag:s30] =	ssyncset.done $0x0  }
0x5c: {  	[sflag:s30] =	ssyncadd.s32 $0xFFFFFFB0  }
0x5d: {  	[spmem:s4] =	stream.indirect.scatter.add.f32 [tilespmem:s22], [sflag:$0x7], $0x80, s20, s21, $0xb8;
	[tilespmem:$0x1E100] =	vst v63  }
0x5e: {  	_ =	swait.ge [sflag:s31], $0x2800  }
0x5f: {  	[sflag:s31] =	ssyncset.done $0x0  }
0x60: {  	[sflag:s31] =	ssyncadd.s32 $0xFFFFD800  }
0x61: {  	_ =	swait.ge [sflag:s2], $0x50  }
0x62: {  	[sflag:s2] =	ssyncset.done $0x0  }
0x63: {  	[sflag:s2] =	ssyncadd.s32 $0xFFFFFFB0  }
0x64: {  	[spmem:s4] =	stream.indirect.scatter.add.f32 [tilespmem:s24], [sflag:$0x8], $0x80, s23, s21, $0xb8;
	[tilespmem:$0x1E100] =	vst v63  }
0x65: {  	_ =	swait.ge [sflag:s3], $0x2800  }
0x66: {  	[sflag:s3] =	ssyncset.done $0x0  }
0x67: {  	[sflag:s3] =	ssyncadd.s32 $0xFFFFD800  }
0x68: {  	_ =	swait.ge [sflag:s0], $0x50  }
0x69: {  	[sflag:s0] =	ssyncset.done $0x0  }
0x6a: {  	[sflag:s0] =	ssyncadd.s32 $0xFFFFFFB0  }
0x6b: {  	[spmem:s4] =	stream.indirect.scatter.add.f32 [tilespmem:s28], [sflag:$0x9], $0x80, s25, s21, $0xb8;
	[tilespmem:$0x1E100] =	vst v63  }
0x6c: {  	_ =	swait.ge [sflag:s26], $0x2800  }
0x6d: {  	s17 =	sshrl.u32 s14, $0x3;
	[sflag:s26] =	ssyncset.done $0x0  }
0x6e: {  	s17 =	sadd.s32 s6, s17;
	s16 =	sshra.s32 s16, $0x2;
	[sflag:s26] =	ssyncadd.s32 $0xFFFFD800  }
0x6f: {  	[tilespmem:s20], [sflag:$0x1] =	stream.linear.gather [hbm4b:s17+s5], $0x50, $0x38;
	[tilespmem:$0x1E100] =	vst v63  }
0x70: {  	s17 =	sadd.s32 $0xF0, s16  }
0x71: {  	[tilespmem:s22], [sflag:$0x4] =	stream.indirect.gather [hbm4b:s1+s21], $0x80, s17, s21, $0xb8;
	[tilespmem:$0x1E100] =	vst v63  }
0x72: {  	_ =	swait.ge [sflag:s7], $0x2800  }
0x73: {  	[sflag:s7] =	ssyncset.done $0x0  }
0x74: {  	[sflag:s7] =	ssyncadd.s32 $0xFFFFD800  }
0x75: {  	[tilespmem:s23], [sflag:$0x2] =	stream.linear.gather [hbm4b:s8+s5], $0x50, $0x38;
	[tilespmem:$0x1E100] =	vst v63  }
0x76: {  	s17 =	sadd.s32 $0x140, s16  }
0x77: {  	[tilespmem:s24], [sflag:$0x5] =	stream.indirect.gather [hbm4b:s1+s21], $0x80, s17, s21, $0xb8;
	[tilespmem:$0x1E100] =	vst v63  }
.Ltmp0:
0x78: {  	_ =	swait.ge [sflag:s9], $0x2800;
	(pc) =	sbr.rel @p0 .LBB2_2-.Ltmp0, $4  }
0x79: {  	[sflag:s9] =	ssyncset.done $0x0  }
0x7a: {  	s14 =	sadd.s32 $0xF0, s14;
	[sflag:s9] =	ssyncadd.s32 $0xFFFFD800  }
0x7b: {  	[tilespmem:s25], [sflag:$0x3] =	stream.linear.gather [hbm4b:s15+s5], $0x50, $0x38;
	[tilespmem:$0x1E100] =	vst v63  }
0x7c: {  	s16 =	sadd.s32 $0x190, s16;
	s8 =	sadd.s32 $0x1E, s8;
	s15 =	sadd.s32 $0x1E, s15  }
0x7d: {  	[tilespmem:s28], [sflag:$0x6] =	stream.indirect.gather [hbm4b:s1+s21], $0x80, s16, s21, $0xb8;
	[tilespmem:$0x1E100] =	vst v63  }
0x7e: {  	_ =	swait.ge [sflag:s29], $0x2800  }
0x7f: {  	[sflag:s29] =	ssyncset.done $0x0  }
0x80: {  	[sflag:s29] =	ssyncadd.s32 $0xFFFFD800  }
0x81: {  	_ =	swait.ge [sflag:s30], $0x50  }
0x82: {  	[sflag:s30] =	ssyncset.done $0x0  }
0x83: {  	[sflag:s30] =	ssyncadd.s32 $0xFFFFFFB0  }
0x84: {  	[spmem:s4] =	stream.indirect.scatter.add.f32 [tilespmem:s22], [sflag:$0x7], $0x80, s20, s21, $0xb8;
	[tilespmem:$0x1E100] =	vst v63  }
0x85: {  	_ =	swait.ge [sflag:s31], $0x2800  }
0x86: {  	[sflag:s31] =	ssyncset.done $0x0  }
0x87: {  	[sflag:s31] =	ssyncadd.s32 $0xFFFFD800  }
0x88: {  	_ =	swait.ge [sflag:s2], $0x50  }
0x89: {  	[sflag:s2] =	ssyncset.done $0x0  }
0x8a: {  	[sflag:s2] =	ssyncadd.s32 $0xFFFFFFB0  }
0x8b: {  	[spmem:s4] =	stream.indirect.scatter.add.f32 [tilespmem:s24], [sflag:$0x8], $0x80, s23, s21, $0xb8;
	[tilespmem:$0x1E100] =	vst v63  }
0x8c: {  	_ =	swait.ge [sflag:s3], $0x2800  }
0x8d: {  	[sflag:s3] =	ssyncset.done $0x0  }
0x8e: {  	[sflag:s3] =	ssyncadd.s32 $0xFFFFD800  }
0x8f: {  	_ =	swait.ge [sflag:s0], $0x50  }
0x90: {  	[sflag:s0] =	ssyncset.done $0x0  }
0x91: {  	[sflag:s0] =	ssyncadd.s32 $0xFFFFFFB0  }
0x92: {  	[spmem:s4] =	stream.indirect.scatter.add.f32 [tilespmem:s28], [sflag:$0x9], $0x80, s25, s21, $0xb8;
	[tilespmem:$0x1E100] =	vst v63  }
0x93: {  	_ =	swait.ge [sflag:s26], $0x2800  }
0x94: {  	[sflag:s26] =	ssyncset.done $0x0  }
0x95: {  	[sflag:s26] =	ssyncadd.s32 $0xFFFFD800  }
0x96: {  	_ =	swait.ge [sflag:s7], $0x2800  }
0x97: {  	[sflag:s7] =	ssyncset.done $0x0  }
0x98: {  	[sflag:s7] =	ssyncadd.s32 $0xFFFFD800  }
0x99: {  	_ =	swait.ge [sflag:s9], $0x2800  }
0x9a: {  	[sflag:s9] =	ssyncset.done $0x0  }
0x9b: {  	s8 =	rddreg [dreg:$0xa];
	[sflag:s9] =	ssyncadd.s32 $0xFFFFD800  }
0x9c: {  	[tilespmem:s20], [sflag:$0x1] =	stream.linear.gather [hbm4b:s8+s5], $0x50, $0x38;
	[tilespmem:$0x1E100] =	vst v63  }
0x9d: {  	s13 =	simm.s32 $0x2670  }
0x9e: {  	[tilespmem:s22], [sflag:$0x4] =	stream.indirect.gather [hbm4b:s1+s21], $0x80, s13, s21, $0xb8;
	[tilespmem:$0x1E100] =	vst v63  }
0x9f: {  	_ =	swait.ge [sflag:s30], $0x50  }
0xa0: {  	[sflag:s30] =	ssyncset.done $0x0  }
0xa1: {  	[sflag:s30] =	ssyncadd.s32 $0xFFFFFFB0  }
0xa2: {  	_ =	swait.ge [sflag:s29], $0x2800  }
0xa3: {  	[sflag:s29] =	ssyncset.done $0x0  }
0xa4: {  	[sflag:s29] =	ssyncadd.s32 $0xFFFFD800  }
0xa5: {  	[spmem:s4] =	stream.indirect.scatter.add.f32 [tilespmem:s22], [sflag:$0x7], $0x80, s20, s21, $0xb8;
	[tilespmem:$0x1E100] =	vst v63  }
0xa6: {  	_ =	swait.ge [sflag:s26], $0x2800  }
0xa7: {  	[sflag:s26] =	ssyncset.done $0x0  }
0xa8: {  	s14 =	rddreg [dreg:$0xb];
	[sflag:s26] =	ssyncadd.s32 $0xFFFFD800  }
0xa9: {  	[tilespmem:s20], [sflag:$0x1] =	stream.linear.gather [hbm4b:s14+s5], $0x50, $0x38;
	[tilespmem:$0x1E100] =	vst v63  }
0xaa: {  	s15 =	simm.s32 $0x26C0  }
0xab: {  	[tilespmem:s22], [sflag:$0x4] =	stream.indirect.gather [hbm4b:s1+s21], $0x80, s15, s21, $0xb8;
	[tilespmem:$0x1E100] =	vst v63  }
0xac: {  	_ =	swait.ge [sflag:s30], $0x50  }
0xad: {  	[sflag:s30] =	ssyncset.done $0x0  }
0xae: {  	[sflag:s30] =	ssyncadd.s32 $0xFFFFFFB0  }
0xaf: {  	_ =	swait.ge [sflag:s29], $0x2800  }
0xb0: {  	[sflag:s29] =	ssyncset.done $0x0  }
0xb1: {  	[sflag:s29] =	ssyncadd.s32 $0xFFFFD800  }
0xb2: {  	[spmem:s4] =	stream.indirect.scatter.add.f32 [tilespmem:s22], [sflag:$0x7], $0x80, s20, s21, $0xb8;
	[tilespmem:$0x1E100] =	vst v63  }
0xb3: {  	_ =	swait.ge [sflag:s26], $0x2800  }
0xb4: {  	[sflag:s26] =	ssyncset.done $0x0  }
0xb5: {  	[sflag:s26] =	ssyncadd.s32 $0xFFFFD800  }
0xb6: {  	[bflag:$0x0] =	sbarrier.arrive $0xFFFF  }
0xb7: {  	s16 =	rddreg [dreg:$0xc]  }
0xb8: {  	[hbm:s16], [sflag:s11] =	dma.local [spmem:s12], $0x2800  }
0xb9: {  	_ =	swait.ge [sflag:s19], $0x2800  }
0xba: {  	s10 =	sadd.s32 $0x1, s10;
	s17 =	rddreg [dreg:$0xd]  }
0xbb: {  	p0 =	sne.s32 s10, s17  }
.Ltmp1:
0xbc: {  	_ = 	snop;
	(pc) =	sbr.rel @p0 .LBB2_1-.Ltmp1, $3  }
0xbd: {  	_ =	sdelay $0x1  }
0xbe: {  	[sflag:s19] =	ssyncset.done $0x0  }
0xbf: {  	[sflag:s19] =	ssyncadd.s32 $0xFFFFD800  }
0xc0: {  	_ =	sfence.sel $0x180000  }
0xc1: {  	[bflag:$0x0] =	sbarrier.arrive $0xFFFF  }
0xc2: {  	_ =	strace $0x90000047  }
0xc3: {  	s0 =	stileid.u32;
	[bflag:$0x2] =	sbarrier.arrive $0xFFFF  }
0xc4: {  	p0 =	sne.s32 s0, $0x0;
	s0 =	rddreg [dreg:$0x4]  }
0xc5: {  	s0 =	sadd.s32 @!p0 $0x100000, s0  }
0xc6: {  	[sflag:s0] =	ssyncadd.tile.s32 @!p0 $0x1;
	_ =	shalt  }
.Lfunc_end2:
_tile_overlayer_lowered:
.L_overlay_start_2:
0xc7: {  	(tag) =	ssettag $0x2  }
0xc8: {  	s0 =	rddreg [dreg:$0x0];
	s2 =	stileid.u32  }
0xc9: {  	s1 =	rddreg [dreg:$0x1];
	p0 =	sne.s32 s2, $0x0  }
0xca: {  	s3 =	rddreg [dreg:$0x2];
	[bflag:$0x3] =	sbarrier.arrive $0xFFFF;
	s2 =	simm.s32 @!p0 $0x1C0A  }
0xcb: {  	[timem:s3], [sflag:s2] =	dma.local @!p0 [hbm:s0], s1  }
0xcc: {  	s0 =	simm.s32 @!p0 $0xA  }
0xcd: {  	_ =	swait.ge @!p0 [sflag:s0], s1  }
0xce: {  	s1 =	ssub.s32 @!p0 $0x0, s1;
	[sflag:s0] =	ssyncset.done @!p0 $0x0  }
0xcf: {  	[sflag:s0] =	ssyncadd.s32 @!p0 s1  }
0xd0: {  	[bflag:$0x3] =	sbarrier.arrive $0xFFFF  }
0xd1: {  	_ =	shalt  }

// kernel: kernel.13.cloned.1.call-start
scs
__scs_entry_jumppad:
0x0: {  	(pc) =	sbr.rel $0x88, $3  }
0x1: {  	(tag) =	ssettag $0x0;
	lr =	simm.s32 $0x1  }
0x2: {  	[smem:$0x3F98] =	sst lr;
	_ =	strace $0xD0000000  }
0x3: {  	_ = 	snop  }
0x4: {  	_ = 	snop  }
0x5: {  	_ = 	snop  }
0x6: {  	_ = 	snop  }
0x7: {  	_ = 	snop  }
__scs_overlays_trampoline_lowered:
0x8: {  	[smem:$0x3FA7] =	sst s0  }
0x9: {  	[smem:$0x3FA8] =	sst s1  }
0xa: {  	[smem:$0x3FA9] =	sst s2  }
0xb: {  	[smem:$0x3FAA] =	sst s3  }
0xc: {  	[smem:$0x3FAB] =	sst s4  }
0xd: {  	[smem:$0x3FAC] =	sst s5  }
0xe: {  	[smem:$0x3FAD] =	sst s6  }
0xf: {  	[smem:$0x3FAE] =	sst s7  }
0x10: {  	[smem:$0x3FAF] =	sst s8  }
0x11: {  	[smem:$0x3FB0] =	sst s9;
	s0 =	simm.s32 @!p0 $0x0  }
0x12: {  	s1 =	sld [smem:$0x3F96];
	s0 =	simm.s32 @p0 $0x1  }
0x13: {  	[smem:$0x3FB1] =	sst s0;
	s0 =	simm.s32 @!p1 $0x0  }
0x14: {  	s2 =	sld [smem:$0x3F95];
	s0 =	simm.s32 @p1 $0x1  }
0x15: {  	[smem:$0x3FB2] =	sst s0;
	s0 =	simm.s32 @!p2 $0x0  }
0x16: {  	s3 =	sld [smem:$0x3FDB];
	s0 =	simm.s32 @p2 $0x1  }
0x17: {  	s4 =	simm.s32 $0x1BF5;
	[smem:$0x3FB4] =	sst s0  }
0x18: {  	s0 =	sld [smem:$0x3F97];
	_ =	swait.ge [sflag:s4], $0x0  }
0x19: {  	s7 =	sld [smem:$0x3F98]  }
0x1a: {  	s8 =	sadd.s32 $0xFFFFE003, lr  }
0x1b: {  	s9 =	sadd.s32 $0xFFFFFEF7, lr;
	s5 =	simm.s32 $0xFFFFFFFF;
	p2 =	slt.u32 s8, $0xFFFFF086  }
0x1c: {  	p1 =	slt.u32 s9, $0xF7A;
	s5 =	simm.s32 @!p2 $0x0  }
0x1d: {  	s5 =	simm.s32 @p1 $0x1;
	p0 =	seq.s32 s7, s2  }
0x1e: {  	s7 =	smul.u32 @!p0 $0xF7A, s2;
	p2 =	seq.s32 @!p0 s5, $0x0  }
0x1f: {  	s9 =	smul.u32 $0xF7A, s1;
	s8 =	simm.s32 @!p0 $0x1BF5;
	p2 =	por !p2, p0  }
0x20: {  	[sflag:s8] =	ssyncset.s32 @!p0 $0xFFFFF086;
	s6 =	sadd.s32 @!p0 s3, s7;
	s7 =	simm.s32 @!p0 $0x108  }
0x21: {  	s3 =	sadd.s32 s3, s9;
	s6 =	sadd.s32 @!p0 $0x88, s6;
	s7 =	simm.s32 @p2 $0x1082  }
0x22: {  	[simem:s7], [sflag:s8] =	dma.local @!p0 [hbm:s6], $0xF7A  }
0x23: {  	s9 =	sor.u32 $0xD0000000, s2;
	s6 =	simm.s32 $0x108;
	_ =	swait.ge @!p0 [sflag:s8], $0x0  }
0x24: {  	s3 =	sadd.s32 $0x88, s3;
	s6 =	simm.s32 @!p1 $0x1082;
	[sflag:s4] =	ssyncset.s32 $0xFFFFF086  }
0x25: {  	[simem:s6], [sflag:s4] =	dma.local [hbm:s3], $0xF7A  }
0x26: {  	[smem:$0x3F98] =	sst s1;
	(tag) =	ssettag s2;
	_ =	strace s9  }
0x27: {  	s1 =	sld [smem:$0x3FA8]  }
0x28: {  	s2 =	sld [smem:$0x3FA9]  }
0x29: {  	s4 =	sld [smem:$0x3FAB]  }
0x2a: {  	p0 =	seq.s32 s5, $0x0;
	s5 =	sld [smem:$0x3FAC]  }
0x2b: {  	s6 =	sld [smem:$0x3FAD]  }
0x2c: {  	s7 =	sld [smem:$0x3FAE]  }
0x2d: {  	s3 =	simm.s32 $0x108;
	s8 =	sld [smem:$0x3FAF]  }
0x2e: {  	s3 =	simm.s32 @!p0 $0x1082;
	s9 =	sld [smem:$0x3FB0]  }
0x2f: {  	lr =	sadd.s32 s0, s3;
	s0 =	sld [smem:$0x3FA7]  }
0x30: {  	s3 =	sld [smem:$0x3FAA]  }
0x31: {  	[smem:$0x3FB3] =	sst s10  }
0x32: {  	s10 =	sld [smem:$0x3FB1];
	_ =	sdelay $0x3  }
0x33: {  	p0 =	seq.s32 s10, $0x1;
	s10 =	sld [smem:$0x3FB3];
	_ =	sdelay $0x3  }
0x34: {  	[smem:$0x3FB3] =	sst s10  }
0x35: {  	s10 =	sld [smem:$0x3FB2];
	_ =	sdelay $0x3  }
0x36: {  	p1 =	seq.s32 s10, $0x1;
	s10 =	sld [smem:$0x3FB3];
	_ =	sdelay $0x3  }
0x37: {  	[smem:$0x3FB3] =	sst s10  }
0x38: {  	s10 =	sld [smem:$0x3FB4]  }
0x39: {  	_ = 	snop;
	(pc) =	sbr.ind lr, $3  }
0x3a: {  	_ = 	snop  }
0x3b: {  	_ = 	snop  }
0x3c: {  	p2 =	seq.s32 s10, $0x1;
	s10 =	sld [smem:$0x3FB3]  }
0x3d: {  	_ =	shalt  }
0x3e: {  	_ =	shalt  }
0x3f: {  	_ =	shalt  }
0x40: {  	_ =	shalt  }
0x41: {  	_ =	shalt  }
0x42: {  	_ =	shalt  }
0x43: {  	_ =	shalt  }
0x44: {  	_ =	shalt  }
0x45: {  	_ =	shalt  }
0x46: {  	_ =	shalt  }
0x47: {  	_ =	shalt  }
0x48: {  	_ =	shalt  }
0x49: {  	_ =	shalt  }
0x4a: {  	_ =	shalt  }
0x4b: {  	_ =	shalt  }
0x4c: {  	_ =	shalt  }
0x4d: {  	_ =	shalt  }
0x4e: {  	_ =	shalt  }
0x4f: {  	_ =	shalt  }
0x50: {  	_ =	shalt  }
0x51: {  	_ =	shalt  }
0x52: {  	_ =	shalt  }
0x53: {  	_ =	shalt  }
0x54: {  	_ =	shalt  }
0x55: {  	_ =	shalt  }
0x56: {  	_ =	shalt  }
0x57: {  	_ =	shalt  }
0x58: {  	_ =	shalt  }
0x59: {  	_ =	shalt  }
0x5a: {  	_ =	shalt  }
0x5b: {  	_ =	shalt  }
0x5c: {  	_ =	shalt  }
0x5d: {  	_ =	shalt  }
0x5e: {  	_ =	shalt  }
0x5f: {  	_ =	shalt  }
0x60: {  	_ =	shalt  }
0x61: {  	_ =	shalt  }
0x62: {  	_ =	shalt  }
0x63: {  	_ =	shalt  }
0x64: {  	_ =	shalt  }
0x65: {  	_ =	shalt  }
0x66: {  	_ =	shalt  }
0x67: {  	_ =	shalt  }
0x68: {  	_ =	shalt  }
0x69: {  	_ =	shalt  }
0x6a: {  	_ =	shalt  }
0x6b: {  	_ =	shalt  }
0x6c: {  	_ =	shalt  }
0x6d: {  	_ =	shalt  }
0x6e: {  	_ =	shalt  }
0x6f: {  	_ =	shalt  }
0x70: {  	_ =	shalt  }
0x71: {  	_ =	shalt  }
0x72: {  	_ =	shalt  }
0x73: {  	_ =	shalt  }
0x74: {  	_ =	shalt  }
0x75: {  	_ =	shalt  }
0x76: {  	_ =	shalt  }
0x77: {  	_ =	shalt  }
0x78: {  	_ =	shalt  }
0x79: {  	_ =	shalt  }
0x7a: {  	_ =	shalt  }
0x7b: {  	_ =	shalt  }
0x7c: {  	_ =	shalt  }
0x7d: {  	_ =	shalt  }
0x7e: {  	_ =	shalt  }
0x7f: {  	_ =	shalt  }
0x80: {  	_ =	shalt  }
0x81: {  	_ =	shalt  }
0x82: {  	_ =	shalt  }
0x83: {  	_ =	shalt  }
0x84: {  	_ =	shalt  }
0x85: {  	_ =	shalt  }
0x86: {  	_ =	shalt  }
0x87: {  	_ =	shalt  }
.Lfunc_end0:
.L_simem_size_0:
called_computation.1_lowered:
.L_overlay_start_0:
0x88: {  	s2 =	sld [smem:$0x3FD9]  }
0x89: {  	s3 =	sld [smem:$0x3FFE];
	_ =	sdelay $0x1  }
0x8a: {  	s1 =	srdreg.scid  }
0x8b: {  	s0 =	sand.u32 $0x1, s1  }
0x8c: {  	s17 =	sshll.u32 s0, $0xA;
	s2 =	sadd.s32 s3, s2  }
0x8d: {  	s2 =	sadd.s32 s2, s17  }
0x8e: {  	[smem:$0x3FBF] =	sst s2  }
0x8f: {  	_ = 	snop  }
0x90: {  	s2 =	sld [smem:$0x3FD0];
	(tm) =	ssettm $0x1  }
0x91: {  	s18 =	sld [smem:$0x3FFB];
	_ =	sdelay $0x3  }
0x92: {  	_ =	strace s18  }
0x93: {  	s3 =	sld [smem:$0x3FFC];
	_ =	sdelay $0x3  }
0x94: {  	_ =	strace s3  }
0x95: {  	s3 =	sld [smem:$0x3FFD];
	_ =	sdelay $0x3  }
0x96: {  	_ =	strace s3  }
0x97: {  	_ =	strace $0x8FFFFFFF  }
0x98: {  	s19 =	sld [smem:$0x3FDB];
	_ =	sdelay $0x1  }
0x99: {  	s4 =	simm.s32 $_scs_section_size  }
0x9a: {  	s5 =	simm.s32 $_size__tile_overlayer_lowered;
	s6 =	simm.s32 $_tile_overlayer_lowered  }
0x9b: {  	s22 =	simm.s32 $0x1BFF;
	s21 =	sshll.u32 s6, $0x1;
	s3 =	sadd.s32 s4, s19  }
0x9c: {  	s7 =	simm.s32 $0x0;
	s20 =	sshll.u32 s5, $0x1;
	s5 =	sadd.s32 s21, s3  }
0x9d: {  	[timem:s7], [sflag:s22] =	dma.local [hbm:s5], s20  }
0x9e: {  	_ =	swait.ge [sflag:s22], s20  }
0x9f: {  	s4 =	ssub.s32 $0x0, s20;
	[sflag:s22] =	ssyncset.done $0x0  }
0xa0: {  	[sflag:s22] =	ssyncadd.s32 s4;
	_ =	sdelay $0x1  }
0xa1: {  	s23 =	simm.s32 $0x1B8B  }
0xa2: {  	_ =	swait.ge [sflag:s23], $0x1  }
0xa3: {  	[sflag:s23] =	ssyncset.done $0x0  }
0xa4: {  	s25 =	simm.s32 $0x1B8E;
	s24 =	sld [smem:$0x3FFE];
	[sflag:s23] =	ssyncadd.s32 $0xFFFFFFFF  }
0xa5: {  	s26 =	simm.s32 $execute0_lowered;
	[smem:$0x3FD2] =	sst s25  }
0xa6: {  	s5 =	sshll.u32 s26, $0x1;
	_ =	strace $0x80000049;
	[dreg:$0x1] =	wrdreg $0xFFFFFFFF  }
0xa7: {  	s28 =	simm.s32 $_size_execute0_lowered;
	s3 =	sadd.s32 s3, s5;
	[dreg:$0x0] =	wrdreg $0x0  }
0xa8: {  	s5 =	sshll.u32 s28, $0x1;
	[dreg:$0x2] =	wrdreg s3  }
0xa9: {  	[dreg:$0x3] =	wrdreg s5  }
0xaa: {  	[dreg:$0x4] =	wrdreg $0xC0  }
0xab: {  	_ =	task [dreg:s7], $0x5FFFF  }
0xac: {  	[dreg:$0x1] =	wrdreg $0xFFFFFFFF  }
0xad: {  	[dreg:$0x0] =	wrdreg $0x60  }
0xae: {  	[dreg:$0x2] =	wrdreg s24  }
0xaf: {  	[dreg:$0x3] =	wrdreg s2  }
0xb0: {  	[dreg:$0x4] =	wrdreg $0xA1000  }
0xb1: {  	[dreg:$0x5] =	wrdreg $0x9  }
0xb2: {  	_ =	task.clear_ibuf [dreg:s7], $0x6FFFF;
	_ =	strace $0x90000049  }
0xb3: {  	s29 =	simm.s32 $0x9;
	_ =	strace $0x8000004B  }
0xb4: {  	_ =	swait.ge [sflag:s29], $0x1  }
0xb5: {  	[sflag:s29] =	ssyncadd.s32 $0xFFFFFFFF  }
0xb6: {  	_ =	strace $0x9000004B  }
0xb7: {  	_ =	sfence  }
0xb8: {  	s30 =	sld [smem:$0x0];
	_ =	sdelay $0x2  }
0xb9: {  	s31 =	sshll.u32 s1, $0xD;
	s1 =	sshrl.u32 s1, $0x2  }
0xba: {  	s3 =	sand.u32 $0x4000, s31;
	s1 =	sadd.s32 s1, s30  }
0xbb: {  	s0 =	sor.u32 s3, s0;
	s1 =	sshll.u32 s1, $0x11  }
0xbc: {  	s0 =	sor.u32 s1, s0  }
0xbd: {  	s0 =	sadd.s32 $0x8F2B, s0  }
0xbe: {  	[sflag:s0] =	ssyncadd.remote.s32 $0x1  }
0xbf: {  	_ =	sfence.sel $0xFFFF  }
0xc0: {  	[dreg:$0x0] =	wrdreg $0xFFFFFFFF;
	(pc) =	sbr.abs _section_cstart, $3  }
0xc1: {  	[dreg:$0x1] =	wrdreg $0xFFFFFFFF  }
0xc2: {  	_ =	task.clear_ibuf [dreg:s7], $0x2FFFF;
	_ =	strace $0x9FFFFFFF  }
0xc3: {  	(tm) =	ssettm $0x7FFFFFFF  }
tec
execute0_lowered:
.L_overlay_start_1:
0x0: {  	(tag) =	ssettag $0x1  }
0x1: {  	s0 =	srdreg.scid;
	s1 =	rddreg [dreg:$0x0]  }
0x2: {  	s11 =	stileid.u32;
	s3 =	rddreg [dreg:$0x2]  }
0x3: {  	s4 =	simm.s32 $0x0;
	s28 =	simm.s32 $0x7900;
	s7 =	smul.u32 $0x14000, s11  }
0x4: {  	s29 =	simm.s32 $0x4;
	s30 =	simm.s32 $0x1;
	s10 =	smul.u32 $0x50000, s11  }
0x5: {  	s31 =	simm.s32 $0x5;
	s0 =	sand.u32 $0x1, s0;
	s17 =	smul.u32 $0x4E20, s11  }
0x6: {  	s2 =	sshll.u32 s11, $0x1;
	[smem:$0x7FF] =	sst s4;
	s6 =	smul.u32 $0x140000, s0  }
0x7: {  	s2 =	sor.u32 s0, s2;
	s9 =	ssub.s32 $0x2, s0;
	s0 =	smul.u32 $0x2710, s0  }
0x8: {  	s5 =	sadd.s32 $0x6B200, s1;
	_ =	strace $0x8000004A;
	s2 =	smul.u32 $0x2710, s2  }
0x9: {  	s16 =	sshrl.u32 s9, $0x1;
	s19 =	sshrl.u32 s10, $0x2;
	s10 =	simm.s32 $0x0  }
0xa: {  	s7 =	sadd.s32 s7, s6;
	s6 =	sadd.s32 $0x3000, s1;
	s0 =	sadd.s32 s0, s17  }
0xb: {  	s2 =	sshrl.u32 s2, $0x3;
	s7 =	sshrl.u32 s7, $0x3;
	s24 =	sadd.s32 $0x190, s0  }
0xc: {  	s8 =	sadd.s32 s2, s1;
	s18 =	sadd.s32 s6, s2;
	s2 =	sadd.s32 s19, s3  }
0xd: {  	s25 =	sadd.s32 $0x140, s0;
	s1 =	sadd.s32 s7, s1;
	[dreg:$0x8] =	wrdreg s2  }
0xe: {  	s7 =	ssub.s32 s9, s16;
	s8 =	sadd.s32 $0xCE00, s8;
	[dreg:$0x5] =	wrdreg s18  }
0xf: {  	s19 =	simm.s32 $0xA;
	s20 =	sadd.s32 $0xA, s18;
	[dreg:$0x4] =	wrdreg s8  }
0x10: {  	s9 =	simm.s32 $0x9;
	s21 =	sadd.s32 $0x14, s18;
	[dreg:$0x6] =	wrdreg s20  }
0x11: {  	s22 =	sadd.s32 $0x4CE, s18;
	s23 =	sadd.s32 $0x4D8, s18;
	[dreg:$0x7] =	wrdreg s21  }
0x12: {  	s1 =	sadd.s32 $0x16C00, s1;
	s7 =	smax.u32 s7, $0x1;
	[dreg:$0x9] =	wrdreg s22  }
0x13: {  	s2 =	sshrl.u32 s25, $0x3;
	s18 =	sadd.s32 $0xF0, s0;
	[dreg:$0xa] =	wrdreg s23  }
0x14: {  	s25 =	simm.s32 $0x2880;
	s0 =	simm.s32 $0x3;
	[dreg:$0xb] =	wrdreg s1  }
0x15: {  	[dreg:$0xc] =	wrdreg s7;
	s1 =	sshrl.u32 s24, $0x3;
	s26 =	sadd.s32 s2, s6  }
0x16: {  	s20 =	simm.s32 $0x2780;
	s21 =	simm.s32 $0x50;
	s22 =	simm.s32 $0x2900  }
0x17: {  	s23 =	simm.s32 $0x2800;
	s24 =	simm.s32 $0x5100;
	s2 =	simm.s32 $0x6  }
0x18: {  	s7 =	simm.s32 $0x8;
	s1 =	sadd.s32 s1, s6;
	[dreg:$0xe] =	wrdreg s26  }
0x19: {  	s26 =	simm.s32 $0x7;
	[dreg:$0xd] =	wrdreg s1;
	s1 =	simm.s32 $0x2  }
.LBB2_1:
0x1a: {  	s8 =	rddreg [dreg:$0x4]  }
0x1b: {  	[tilespmem:s4], [sflag:$0xA] =	stream.linear.gather [hbm4b:s8+s4], $0x2710, $0x38;
	[tilespmem:$0x1E100] =	vst v63  }
0x1c: {  	_ =	swait.ge [sflag:s19], $0x2710  }
0x1d: {  	[sflag:s19] =	ssyncset.done $0x0  }
0x1e: {  	s17 =	rddreg [dreg:$0x5];
	[sflag:s19] =	ssyncadd.s32 $0xFFFFD8F0  }
0x1f: {  	[tilespmem:s20], [sflag:$0x1] =	stream.linear.gather [hbm4b:s17+s4], $0x50, $0x38;
	[tilespmem:$0x1E100] =	vst v63  }
0x20: {  	_ = 	snop  }
0x21: {  	[tilespmem:s22], [sflag:$0x4] =	stream.indirect.gather [hbm4b:s5+s21], $0x80, s4, s21, $0xb8;
	[tilespmem:$0x1E100] =	vst v63  }
0x22: {  	s11 =	rddreg [dreg:$0x6]  }
0x23: {  	[tilespmem:s23], [sflag:$0x2] =	stream.linear.gather [hbm4b:s11+s4], $0x50, $0x38;
	[tilespmem:$0x1E100] =	vst v63  }
0x24: {  	s14 =	stileid.u32;
	s12 =	rddreg [dreg:$0x7]  }
0x25: {  	[tilespmem:s24], [sflag:$0x5] =	stream.indirect.gather [hbm4b:s5+s21], $0x80, s21, s21, $0xb8;
	[tilespmem:$0x1E100] =	vst v63  }
0x26: {  	s13 =	simm.s32 $0xA0;
	s8 =	sshll.u32 s14, $0x6;
	s15 =	rddreg [dreg:$0x8]  }
0x27: {  	[tilespmem:s25], [sflag:$0x3] =	stream.linear.gather [hbm4b:s12+s4], $0x50, $0x38;
	[tilespmem:$0x1E100] =	vst v63  }
0x28: {  	s16 =	rddreg [dreg:$0x1];
	s11 =	sor.u32 $0x1C0A, s8;
	s12 =	sshrl.u32 s15, $0x3  }
0x29: {  	[tilespmem:s28], [sflag:$0x6] =	stream.indirect.gather [hbm4b:s5+s21], $0x80, s13, s21, $0xb8;
	[tilespmem:$0x1E100] =	vst v63  }
0x2a: {  	[spmem:s12], [sflag:s11] =	dma.local [hbm:s16], $0x2800  }
0x2b: {  	_ =	swait.ge [sflag:s19], $0x2800  }
0x2c: {  	[sflag:s19] =	ssyncset.done $0x0  }
0x2d: {  	[sflag:s19] =	ssyncadd.s32 $0xFFFFD800  }
0x2e: {  	[bflag:$0x0] =	sbarrier.arrive $0xFFFF  }
0x2f: {  	_ =	swait.ge [sflag:s29], $0x2800  }
0x30: {  	[sflag:s29] =	ssyncset.done $0x0  }
0x31: {  	[sflag:s29] =	ssyncadd.s32 $0xFFFFD800  }
0x32: {  	_ =	swait.ge [sflag:s30], $0x50  }
0x33: {  	[sflag:s30] =	ssyncset.done $0x0  }
0x34: {  	[sflag:s30] =	ssyncadd.s32 $0xFFFFFFB0  }
0x35: {  	[spmem:s3] =	stream.indirect.scatter.add.f32 [tilespmem:s22], [sflag:$0x7], $0x80, s20, s21, $0xb8;
	[tilespmem:$0x1E100] =	vst v63  }
0x36: {  	_ =	swait.ge [sflag:s31], $0x2800  }
0x37: {  	[sflag:s31] =	ssyncset.done $0x0  }
0x38: {  	[sflag:s31] =	ssyncadd.s32 $0xFFFFD800  }
0x39: {  	_ =	swait.ge [sflag:s1], $0x50  }
0x3a: {  	[sflag:s1] =	ssyncset.done $0x0  }
0x3b: {  	[sflag:s1] =	ssyncadd.s32 $0xFFFFFFB0  }
0x3c: {  	[spmem:s3] =	stream.indirect.scatter.add.f32 [tilespmem:s24], [sflag:$0x8], $0x80, s23, s21, $0xb8;
	[tilespmem:$0x1E100] =	vst v63  }
0x3d: {  	_ =	swait.ge [sflag:s2], $0x2800  }
0x3e: {  	[sflag:s2] =	ssyncset.done $0x0  }
0x3f: {  	[sflag:s2] =	ssyncadd.s32 $0xFFFFD800  }
0x40: {  	_ =	swait.ge [sflag:s0], $0x50  }
0x41: {  	[sflag:s0] =	ssyncset.done $0x0  }
0x42: {  	[sflag:s0] =	ssyncadd.s32 $0xFFFFFFB0  }
0x43: {  	[spmem:s3] =	stream.indirect.scatter.add.f32 [tilespmem:s28], [sflag:$0x9], $0x80, s25, s21, $0xb8;
	[tilespmem:$0x1E100] =	vst v63  }
0x44: {  	_ =	swait.ge [sflag:s26], $0x2800  }
0x45: {  	s17 =	sshrl.u32 s18, $0x3;
	[sflag:s26] =	ssyncset.done $0x0  }
0x46: {  	s8 =	sadd.s32 s6, s17;
	[sflag:s26] =	ssyncadd.s32 $0xFFFFD800  }
0x47: {  	[tilespmem:s20], [sflag:$0x1] =	stream.linear.gather [hbm4b:s8+s4], $0x50, $0x38;
	[tilespmem:$0x1E100] =	vst v63  }
0x48: {  	s13 =	simm.s32 $0xF0  }
0x49: {  	[tilespmem:s22], [sflag:$0x4] =	stream.indirect.gather [hbm4b:s5+s21], $0x80, s13, s21, $0xb8;
	[tilespmem:$0x1E100] =	vst v63  }
0x4a: {  	_ =	swait.ge [sflag:s7], $0x2800  }
0x4b: {  	[sflag:s7] =	ssyncset.done $0x0  }
0x4c: {  	s17 =	rddreg [dreg:$0xe];
	[sflag:s7] =	ssyncadd.s32 $0xFFFFD800  }
0x4d: {  	[tilespmem:s23], [sflag:$0x2] =	stream.linear.gather [hbm4b:s17+s4], $0x50, $0x38;
	[tilespmem:$0x1E100] =	vst v63  }
0x4e: {  	s14 =	simm.s32 $0x140  }
0x4f: {  	[tilespmem:s24], [sflag:$0x5] =	stream.indirect.gather [hbm4b:s5+s21], $0x80, s14, s21, $0xb8;
	[tilespmem:$0x1E100] =	vst v63  }
0x50: {  	_ =	swait.ge [sflag:s9], $0x2800  }
0x51: {  	s16 =	simm.s32 $0x190;
	[sflag:s9] =	ssyncset.done $0x0  }
0x52: {  	s13 =	simm.s32 $0x3C0;
	s15 =	rddreg [dreg:$0xd];
	[sflag:s9] =	ssyncadd.s32 $0xFFFFD800  }
0x53: {  	[tilespmem:s25], [sflag:$0x3] =	stream.linear.gather [hbm4b:s15+s4], $0x50, $0x38;
	[tilespmem:$0x1E100] =	vst v63  }
0x54: {  	s8 =	sadd.s32 $0x1E, s17;
	s14 =	sadd.s32 $0xF0, s18;
	s15 =	sadd.s32 $0x1E, s15  }
.LBB2_2:
0x55: {  	[tilespmem:s28], [sflag:$0x6] =	stream.indirect.gather [hbm4b:s5+s21], $0x80, s16, s21, $0xb8;
	[tilespmem:$0x1E100] =	vst v63  }
0x56: {  	s16 =	smov.u32 s13  }
0x57: {  	p0 =	sne.s32 s13, $0x9240;
	s13 =	sadd.s32 $0x3C0, s13;
	_ =	swait.ge [sflag:s29], $0x2800  }
0x58: {  	[sflag:s29] =	ssyncset.done $0x0  }
0x59: {  	[sflag:s29] =	ssyncadd.s32 $0xFFFFD800  }
0x5a: {  	_ =	swait.ge [sflag:s30], $0x50  }
0x5b: {  	[sflag:s30] =	ssyncset.done $0x0  }
0x5c: {  	[sflag:s30] =	ssyncadd.s32 $0xFFFFFFB0  }
0x5d: {  	[spmem:s3] =	stream.indirect.scatter.add.f32 [tilespmem:s22], [sflag:$0x7], $0x80, s20, s21, $0xb8;
	[tilespmem:$0x1E100] =	vst v63  }
0x5e: {  	_ =	swait.ge [sflag:s31], $0x2800  }
0x5f: {  	[sflag:s31] =	ssyncset.done $0x0  }
0x60: {  	[sflag:s31] =	ssyncadd.s32 $0xFFFFD800  }
0x61: {  	_ =	swait.ge [sflag:s1], $0x50  }
0x62: {  	[sflag:s1] =	ssyncset.done $0x0  }
0x63: {  	[sflag:s1] =	ssyncadd.s32 $0xFFFFFFB0  }
0x64: {  	[spmem:s3] =	stream.indirect.scatter.add.f32 [tilespmem:s24], [sflag:$0x8], $0x80, s23, s21, $0xb8;
	[tilespmem:$0x1E100] =	vst v63  }
0x65: {  	_ =	swait.ge [sflag:s2], $0x2800  }
0x66: {  	[sflag:s2] =	ssyncset.done $0x0  }
0x67: {  	[sflag:s2] =	ssyncadd.s32 $0xFFFFD800  }
0x68: {  	_ =	swait.ge [sflag:s0], $0x50  }
0x69: {  	[sflag:s0] =	ssyncset.done $0x0  }
0x6a: {  	[sflag:s0] =	ssyncadd.s32 $0xFFFFFFB0  }
0x6b: {  	[spmem:s3] =	stream.indirect.scatter.add.f32 [tilespmem:s28], [sflag:$0x9], $0x80, s25, s21, $0xb8;
	[tilespmem:$0x1E100] =	vst v63  }
0x6c: {  	_ =	swait.ge [sflag:s26], $0x2800  }
0x6d: {  	s17 =	sshrl.u32 s14, $0x3;
	[sflag:s26] =	ssyncset.done $0x0  }
0x6e: {  	s17 =	sadd.s32 s6, s17;
	s16 =	sshra.s32 s16, $0x2;
	[sflag:s26] =	ssyncadd.s32 $0xFFFFD800  }
0x6f: {  	[tilespmem:s20], [sflag:$0x1] =	stream.linear.gather [hbm4b:s17+s4], $0x50, $0x38;
	[tilespmem:$0x1E100] =	vst v63  }
0x70: {  	s17 =	sadd.s32 $0xF0, s16  }
0x71: {  	[tilespmem:s22], [sflag:$0x4] =	stream.indirect.gather [hbm4b:s5+s21], $0x80, s17, s21, $0xb8;
	[tilespmem:$0x1E100] =	vst v63  }
0x72: {  	_ =	swait.ge [sflag:s7], $0x2800  }
0x73: {  	[sflag:s7] =	ssyncset.done $0x0  }
0x74: {  	[sflag:s7] =	ssyncadd.s32 $0xFFFFD800  }
0x75: {  	[tilespmem:s23], [sflag:$0x2] =	stream.linear.gather [hbm4b:s8+s4], $0x50, $0x38;
	[tilespmem:$0x1E100] =	vst v63  }
0x76: {  	s17 =	sadd.s32 $0x140, s16  }
0x77: {  	[tilespmem:s24], [sflag:$0x5] =	stream.indirect.gather [hbm4b:s5+s21], $0x80, s17, s21, $0xb8;
	[tilespmem:$0x1E100] =	vst v63  }
.Ltmp0:
0x78: {  	_ =	swait.ge [sflag:s9], $0x2800;
	(pc) =	sbr.rel @p0 .LBB2_2-.Ltmp0, $4  }
0x79: {  	[sflag:s9] =	ssyncset.done $0x0  }
0x7a: {  	s14 =	sadd.s32 $0xF0, s14;
	[sflag:s9] =	ssyncadd.s32 $0xFFFFD800  }
0x7b: {  	[tilespmem:s25], [sflag:$0x3] =	stream.linear.gather [hbm4b:s15+s4], $0x50, $0x38;
	[tilespmem:$0x1E100] =	vst v63  }
0x7c: {  	s16 =	sadd.s32 $0x190, s16;
	s8 =	sadd.s32 $0x1E, s8;
	s15 =	sadd.s32 $0x1E, s15  }
0x7d: {  	[tilespmem:s28], [sflag:$0x6] =	stream.indirect.gather [hbm4b:s5+s21], $0x80, s16, s21, $0xb8;
	[tilespmem:$0x1E100] =	vst v63  }
0x7e: {  	_ =	swait.ge [sflag:s29], $0x2800  }
0x7f: {  	[sflag:s29] =	ssyncset.done $0x0  }
0x80: {  	[sflag:s29] =	ssyncadd.s32 $0xFFFFD800  }
0x81: {  	_ =	swait.ge [sflag:s30], $0x50  }
0x82: {  	[sflag:s30] =	ssyncset.done $0x0  }
0x83: {  	[sflag:s30] =	ssyncadd.s32 $0xFFFFFFB0  }
0x84: {  	[spmem:s3] =	stream.indirect.scatter.add.f32 [tilespmem:s22], [sflag:$0x7], $0x80, s20, s21, $0xb8;
	[tilespmem:$0x1E100] =	vst v63  }
0x85: {  	_ =	swait.ge [sflag:s31], $0x2800  }
0x86: {  	[sflag:s31] =	ssyncset.done $0x0  }
0x87: {  	[sflag:s31] =	ssyncadd.s32 $0xFFFFD800  }
0x88: {  	_ =	swait.ge [sflag:s1], $0x50  }
0x89: {  	[sflag:s1] =	ssyncset.done $0x0  }
0x8a: {  	[sflag:s1] =	ssyncadd.s32 $0xFFFFFFB0  }
0x8b: {  	[spmem:s3] =	stream.indirect.scatter.add.f32 [tilespmem:s24], [sflag:$0x8], $0x80, s23, s21, $0xb8;
	[tilespmem:$0x1E100] =	vst v63  }
0x8c: {  	_ =	swait.ge [sflag:s2], $0x2800  }
0x8d: {  	[sflag:s2] =	ssyncset.done $0x0  }
0x8e: {  	[sflag:s2] =	ssyncadd.s32 $0xFFFFD800  }
0x8f: {  	_ =	swait.ge [sflag:s0], $0x50  }
0x90: {  	[sflag:s0] =	ssyncset.done $0x0  }
0x91: {  	[sflag:s0] =	ssyncadd.s32 $0xFFFFFFB0  }
0x92: {  	[spmem:s3] =	stream.indirect.scatter.add.f32 [tilespmem:s28], [sflag:$0x9], $0x80, s25, s21, $0xb8;
	[tilespmem:$0x1E100] =	vst v63  }
0x93: {  	_ =	swait.ge [sflag:s26], $0x2800  }
0x94: {  	[sflag:s26] =	ssyncset.done $0x0  }
0x95: {  	[sflag:s26] =	ssyncadd.s32 $0xFFFFD800  }
0x96: {  	_ =	swait.ge [sflag:s7], $0x2800  }
0x97: {  	[sflag:s7] =	ssyncset.done $0x0  }
0x98: {  	[sflag:s7] =	ssyncadd.s32 $0xFFFFD800  }
0x99: {  	_ =	swait.ge [sflag:s9], $0x2800  }
0x9a: {  	[sflag:s9] =	ssyncset.done $0x0  }
0x9b: {  	s8 =	rddreg [dreg:$0x9];
	[sflag:s9] =	ssyncadd.s32 $0xFFFFD800  }
0x9c: {  	[tilespmem:s20], [sflag:$0x1] =	stream.linear.gather [hbm4b:s8+s4], $0x50, $0x38;
	[tilespmem:$0x1E100] =	vst v63  }
0x9d: {  	s13 =	simm.s32 $0x2670  }
0x9e: {  	[tilespmem:s22], [sflag:$0x4] =	stream.indirect.gather [hbm4b:s5+s21], $0x80, s13, s21, $0xb8;
	[tilespmem:$0x1E100] =	vst v63  }
0x9f: {  	_ =	swait.ge [sflag:s30], $0x50  }
0xa0: {  	[sflag:s30] =	ssyncset.done $0x0  }
0xa1: {  	[sflag:s30] =	ssyncadd.s32 $0xFFFFFFB0  }
0xa2: {  	_ =	swait.ge [sflag:s29], $0x2800  }
0xa3: {  	[sflag:s29] =	ssyncset.done $0x0  }
0xa4: {  	[sflag:s29] =	ssyncadd.s32 $0xFFFFD800  }
0xa5: {  	[spmem:s3] =	stream.indirect.scatter.add.f32 [tilespmem:s22], [sflag:$0x7], $0x80, s20, s21, $0xb8;
	[tilespmem:$0x1E100] =	vst v63  }
0xa6: {  	_ =	swait.ge [sflag:s26], $0x2800  }
0xa7: {  	[sflag:s26] =	ssyncset.done $0x0  }
0xa8: {  	s14 =	rddreg [dreg:$0xa];
	[sflag:s26] =	ssyncadd.s32 $0xFFFFD800  }
0xa9: {  	[tilespmem:s20], [sflag:$0x1] =	stream.linear.gather [hbm4b:s14+s4], $0x50, $0x38;
	[tilespmem:$0x1E100] =	vst v63  }
0xaa: {  	s15 =	simm.s32 $0x26C0  }
0xab: {  	[tilespmem:s22], [sflag:$0x4] =	stream.indirect.gather [hbm4b:s5+s21], $0x80, s15, s21, $0xb8;
	[tilespmem:$0x1E100] =	vst v63  }
0xac: {  	_ =	swait.ge [sflag:s30], $0x50  }
0xad: {  	[sflag:s30] =	ssyncset.done $0x0  }
0xae: {  	[sflag:s30] =	ssyncadd.s32 $0xFFFFFFB0  }
0xaf: {  	_ =	swait.ge [sflag:s29], $0x2800  }
0xb0: {  	[sflag:s29] =	ssyncset.done $0x0  }
0xb1: {  	[sflag:s29] =	ssyncadd.s32 $0xFFFFD800  }
0xb2: {  	[spmem:s3] =	stream.indirect.scatter.add.f32 [tilespmem:s22], [sflag:$0x7], $0x80, s20, s21, $0xb8;
	[tilespmem:$0x1E100] =	vst v63  }
0xb3: {  	_ =	swait.ge [sflag:s26], $0x2800  }
0xb4: {  	[sflag:s26] =	ssyncset.done $0x0  }
0xb5: {  	[sflag:s26] =	ssyncadd.s32 $0xFFFFD800  }
0xb6: {  	[bflag:$0x0] =	sbarrier.arrive $0xFFFF  }
0xb7: {  	s16 =	rddreg [dreg:$0xb]  }
0xb8: {  	[hbm:s16], [sflag:s11] =	dma.local [spmem:s12], $0x2800  }
0xb9: {  	_ =	swait.ge [sflag:s19], $0x2800  }
0xba: {  	s10 =	sadd.s32 $0x1, s10;
	s17 =	rddreg [dreg:$0xc]  }
0xbb: {  	p0 =	sne.s32 s10, s17  }
.Ltmp1:
0xbc: {  	_ = 	snop;
	(pc) =	sbr.rel @p0 .LBB2_1-.Ltmp1, $3  }
0xbd: {  	_ =	sdelay $0x1  }
0xbe: {  	[sflag:s19] =	ssyncset.done $0x0  }
0xbf: {  	[sflag:s19] =	ssyncadd.s32 $0xFFFFD800  }
0xc0: {  	_ =	sfence.sel $0x180000  }
0xc1: {  	[bflag:$0x0] =	sbarrier.arrive $0xFFFF  }
0xc2: {  	_ =	strace $0x9000004A  }
0xc3: {  	s0 =	stileid.u32;
	[bflag:$0x2] =	sbarrier.arrive $0xFFFF  }
0xc4: {  	p0 =	sne.s32 s0, $0x0;
	s0 =	rddreg [dreg:$0x3]  }
0xc5: {  	s0 =	sadd.s32 @!p0 $0x100000, s0  }
0xc6: {  	[sflag:s0] =	ssyncadd.tile.s32 @!p0 $0x1;
	_ =	shalt  }
.Lfunc_end2:
_tile_overlayer_lowered:
.L_overlay_start_2:
0xc7: {  	(tag) =	ssettag $0x2  }
0xc8: {  	s0 =	rddreg [dreg:$0x0];
	s2 =	stileid.u32  }
0xc9: {  	s1 =	rddreg [dreg:$0x1];
	p0 =	sne.s32 s2, $0x0  }
0xca: {  	s3 =	rddreg [dreg:$0x2];
	[bflag:$0x3] =	sbarrier.arrive $0xFFFF;
	s2 =	simm.s32 @!p0 $0x1C0A  }
0xcb: {  	[timem:s3], [sflag:s2] =	dma.local @!p0 [hbm:s0], s1  }
0xcc: {  	s0 =	simm.s32 @!p0 $0xA  }
0xcd: {  	_ =	swait.ge @!p0 [sflag:s0], s1  }
0xce: {  	s1 =	ssub.s32 @!p0 $0x0, s1;
	[sflag:s0] =	ssyncset.done @!p0 $0x0  }
0xcf: {  	[sflag:s0] =	ssyncadd.s32 @!p0 s1  }
0xd0: {  	[bflag:$0x3] =	sbarrier.arrive $0xFFFF  }
0xd1: {  	_ =	shalt  }

// kernel: kernel.16.cloned.1.call-start
scs
__scs_entry_jumppad:
0x0: {  	(pc) =	sbr.rel $0x88, $3  }
0x1: {  	(tag) =	ssettag $0x0;
	lr =	simm.s32 $0x1  }
0x2: {  	[smem:$0x3F98] =	sst lr;
	_ =	strace $0xD0000000  }
0x3: {  	_ = 	snop  }
0x4: {  	_ = 	snop  }
0x5: {  	_ = 	snop  }
0x6: {  	_ = 	snop  }
0x7: {  	_ = 	snop  }
__scs_overlays_trampoline_lowered:
0x8: {  	[smem:$0x3FA7] =	sst s0  }
0x9: {  	[smem:$0x3FA8] =	sst s1  }
0xa: {  	[smem:$0x3FA9] =	sst s2  }
0xb: {  	[smem:$0x3FAA] =	sst s3  }
0xc: {  	[smem:$0x3FAB] =	sst s4  }
0xd: {  	[smem:$0x3FAC] =	sst s5  }
0xe: {  	[smem:$0x3FAD] =	sst s6  }
0xf: {  	[smem:$0x3FAE] =	sst s7  }
0x10: {  	[smem:$0x3FAF] =	sst s8  }
0x11: {  	[smem:$0x3FB0] =	sst s9;
	s0 =	simm.s32 @!p0 $0x0  }
0x12: {  	s1 =	sld [smem:$0x3F96];
	s0 =	simm.s32 @p0 $0x1  }
0x13: {  	[smem:$0x3FB1] =	sst s0;
	s0 =	simm.s32 @!p1 $0x0  }
0x14: {  	s2 =	sld [smem:$0x3F95];
	s0 =	simm.s32 @p1 $0x1  }
0x15: {  	[smem:$0x3FB2] =	sst s0;
	s0 =	simm.s32 @!p2 $0x0  }
0x16: {  	s3 =	sld [smem:$0x3FDB];
	s0 =	simm.s32 @p2 $0x1  }
0x17: {  	s4 =	simm.s32 $0x1BF5;
	[smem:$0x3FB4] =	sst s0  }
0x18: {  	s0 =	sld [smem:$0x3F97];
	_ =	swait.ge [sflag:s4], $0x0  }
0x19: {  	s7 =	sld [smem:$0x3F98]  }
0x1a: {  	s8 =	sadd.s32 $0xFFFFE003, lr  }
0x1b: {  	s9 =	sadd.s32 $0xFFFFFEF7, lr;
	s5 =	simm.s32 $0xFFFFFFFF;
	p2 =	slt.u32 s8, $0xFFFFF086  }
0x1c: {  	p1 =	slt.u32 s9, $0xF7A;
	s5 =	simm.s32 @!p2 $0x0  }
0x1d: {  	s5 =	simm.s32 @p1 $0x1;
	p0 =	seq.s32 s7, s2  }
0x1e: {  	s7 =	smul.u32 @!p0 $0xF7A, s2;
	p2 =	seq.s32 @!p0 s5, $0x0  }
0x1f: {  	s9 =	smul.u32 $0xF7A, s1;
	s8 =	simm.s32 @!p0 $0x1BF5;
	p2 =	por !p2, p0  }
0x20: {  	[sflag:s8] =	ssyncset.s32 @!p0 $0xFFFFF086;
	s6 =	sadd.s32 @!p0 s3, s7;
	s7 =	simm.s32 @!p0 $0x108  }
0x21: {  	s3 =	sadd.s32 s3, s9;
	s6 =	sadd.s32 @!p0 $0x88, s6;
	s7 =	simm.s32 @p2 $0x1082  }
0x22: {  	[simem:s7], [sflag:s8] =	dma.local @!p0 [hbm:s6], $0xF7A  }
0x23: {  	s9 =	sor.u32 $0xD0000000, s2;
	s6 =	simm.s32 $0x108;
	_ =	swait.ge @!p0 [sflag:s8], $0x0  }
0x24: {  	s3 =	sadd.s32 $0x88, s3;
	s6 =	simm.s32 @!p1 $0x1082;
	[sflag:s4] =	ssyncset.s32 $0xFFFFF086  }
0x25: {  	[simem:s6], [sflag:s4] =	dma.local [hbm:s3], $0xF7A  }
0x26: {  	[smem:$0x3F98] =	sst s1;
	(tag) =	ssettag s2;
	_ =	strace s9  }
0x27: {  	s1 =	sld [smem:$0x3FA8]  }
0x28: {  	s2 =	sld [smem:$0x3FA9]  }
0x29: {  	s4 =	sld [smem:$0x3FAB]  }
0x2a: {  	p0 =	seq.s32 s5, $0x0;
	s5 =	sld [smem:$0x3FAC]  }
0x2b: {  	s6 =	sld [smem:$0x3FAD]  }
0x2c: {  	s7 =	sld [smem:$0x3FAE]  }
0x2d: {  	s3 =	simm.s32 $0x108;
	s8 =	sld [smem:$0x3FAF]  }
0x2e: {  	s3 =	simm.s32 @!p0 $0x1082;
	s9 =	sld [smem:$0x3FB0]  }
0x2f: {  	lr =	sadd.s32 s0, s3;
	s0 =	sld [smem:$0x3FA7]  }
0x30: {  	s3 =	sld [smem:$0x3FAA]  }
0x31: {  	[smem:$0x3FB3] =	sst s10  }
0x32: {  	s10 =	sld [smem:$0x3FB1];
	_ =	sdelay $0x3  }
0x33: {  	p0 =	seq.s32 s10, $0x1;
	s10 =	sld [smem:$0x3FB3];
	_ =	sdelay $0x3  }
0x34: {  	[smem:$0x3FB3] =	sst s10  }
0x35: {  	s10 =	sld [smem:$0x3FB2];
	_ =	sdelay $0x3  }
0x36: {  	p1 =	seq.s32 s10, $0x1;
	s10 =	sld [smem:$0x3FB3];
	_ =	sdelay $0x3  }
0x37: {  	[smem:$0x3FB3] =	sst s10  }
0x38: {  	s10 =	sld [smem:$0x3FB4]  }
0x39: {  	_ = 	snop;
	(pc) =	sbr.ind lr, $3  }
0x3a: {  	_ = 	snop  }
0x3b: {  	_ = 	snop  }
0x3c: {  	p2 =	seq.s32 s10, $0x1;
	s10 =	sld [smem:$0x3FB3]  }
0x3d: {  	_ =	shalt  }
0x3e: {  	_ =	shalt  }
0x3f: {  	_ =	shalt  }
0x40: {  	_ =	shalt  }
0x41: {  	_ =	shalt  }
0x42: {  	_ =	shalt  }
0x43: {  	_ =	shalt  }
0x44: {  	_ =	shalt  }
0x45: {  	_ =	shalt  }
0x46: {  	_ =	shalt  }
0x47: {  	_ =	shalt  }
0x48: {  	_ =	shalt  }
0x49: {  	_ =	shalt  }
0x4a: {  	_ =	shalt  }
0x4b: {  	_ =	shalt  }
0x4c: {  	_ =	shalt  }
0x4d: {  	_ =	shalt  }
0x4e: {  	_ =	shalt  }
0x4f: {  	_ =	shalt  }
0x50: {  	_ =	shalt  }
0x51: {  	_ =	shalt  }
0x52: {  	_ =	shalt  }
0x53: {  	_ =	shalt  }
0x54: {  	_ =	shalt  }
0x55: {  	_ =	shalt  }
0x56: {  	_ =	shalt  }
0x57: {  	_ =	shalt  }
0x58: {  	_ =	shalt  }
0x59: {  	_ =	shalt  }
0x5a: {  	_ =	shalt  }
0x5b: {  	_ =	shalt  }
0x5c: {  	_ =	shalt  }
0x5d: {  	_ =	shalt  }
0x5e: {  	_ =	shalt  }
0x5f: {  	_ =	shalt  }
0x60: {  	_ =	shalt  }
0x61: {  	_ =	shalt  }
0x62: {  	_ =	shalt  }
0x63: {  	_ =	shalt  }
0x64: {  	_ =	shalt  }
0x65: {  	_ =	shalt  }
0x66: {  	_ =	shalt  }
0x67: {  	_ =	shalt  }
0x68: {  	_ =	shalt  }
0x69: {  	_ =	shalt  }
0x6a: {  	_ =	shalt  }
0x6b: {  	_ =	shalt  }
0x6c: {  	_ =	shalt  }
0x6d: {  	_ =	shalt  }
0x6e: {  	_ =	shalt  }
0x6f: {  	_ =	shalt  }
0x70: {  	_ =	shalt  }
0x71: {  	_ =	shalt  }
0x72: {  	_ =	shalt  }
0x73: {  	_ =	shalt  }
0x74: {  	_ =	shalt  }
0x75: {  	_ =	shalt  }
0x76: {  	_ =	shalt  }
0x77: {  	_ =	shalt  }
0x78: {  	_ =	shalt  }
0x79: {  	_ =	shalt  }
0x7a: {  	_ =	shalt  }
0x7b: {  	_ =	shalt  }
0x7c: {  	_ =	shalt  }
0x7d: {  	_ =	shalt  }
0x7e: {  	_ =	shalt  }
0x7f: {  	_ =	shalt  }
0x80: {  	_ =	shalt  }
0x81: {  	_ =	shalt  }
0x82: {  	_ =	shalt  }
0x83: {  	_ =	shalt  }
0x84: {  	_ =	shalt  }
0x85: {  	_ =	shalt  }
0x86: {  	_ =	shalt  }
0x87: {  	_ =	shalt  }
.Lfunc_end0:
.L_simem_size_0:
called_computation.2_lowered:
.L_overlay_start_0:
0x88: {  	s2 =	sld [smem:$0x3FD9]  }
0x89: {  	s3 =	sld [smem:$0x3FFE];
	_ =	sdelay $0x1  }
0x8a: {  	s1 =	srdreg.scid  }
0x8b: {  	s0 =	sand.u32 $0x1, s1  }
0x8c: {  	s17 =	sshll.u32 s0, $0xA;
	s2 =	sadd.s32 s3, s2  }
0x8d: {  	s2 =	sadd.s32 s2, s17  }
0x8e: {  	[smem:$0x3FBF] =	sst s2  }
0x8f: {  	_ = 	snop  }
0x90: {  	s2 =	sld [smem:$0x3FD0];
	(tm) =	ssettm $0x1  }
0x91: {  	s18 =	sld [smem:$0x3FFB];
	_ =	sdelay $0x3  }
0x92: {  	_ =	strace s18  }
0x93: {  	s3 =	sld [smem:$0x3FFC];
	_ =	sdelay $0x3  }
0x94: {  	_ =	strace s3  }
0x95: {  	s3 =	sld [smem:$0x3FFD];
	_ =	sdelay $0x3  }
0x96: {  	_ =	strace s3  }
0x97: {  	_ =	strace $0x8FFFFFFF  }
0x98: {  	s19 =	sld [smem:$0x3FDB];
	_ =	sdelay $0x1  }
0x99: {  	s4 =	simm.s32 $_scs_section_size  }
0x9a: {  	s5 =	simm.s32 $_size__tile_overlayer_lowered;
	s6 =	simm.s32 $_tile_overlayer_lowered  }
0x9b: {  	s22 =	simm.s32 $0x1BFF;
	s21 =	sshll.u32 s6, $0x1;
	s3 =	sadd.s32 s4, s19  }
0x9c: {  	s7 =	simm.s32 $0x0;
	s20 =	sshll.u32 s5, $0x1;
	s5 =	sadd.s32 s21, s3  }
0x9d: {  	[timem:s7], [sflag:s22] =	dma.local [hbm:s5], s20  }
0x9e: {  	_ =	swait.ge [sflag:s22], s20  }
0x9f: {  	s4 =	ssub.s32 $0x0, s20;
	[sflag:s22] =	ssyncset.done $0x0  }
0xa0: {  	[sflag:s22] =	ssyncadd.s32 s4;
	_ =	sdelay $0x1  }
0xa1: {  	s23 =	simm.s32 $0x1B8B  }
0xa2: {  	_ =	swait.ge [sflag:s23], $0x1  }
0xa3: {  	[sflag:s23] =	ssyncset.done $0x0  }
0xa4: {  	s25 =	simm.s32 $0x1B8E;
	s24 =	sld [smem:$0x3FFE];
	[sflag:s23] =	ssyncadd.s32 $0xFFFFFFFF  }
0xa5: {  	s26 =	simm.s32 $execute0_lowered;
	[smem:$0x3FD2] =	sst s25  }
0xa6: {  	s5 =	sshll.u32 s26, $0x1;
	_ =	strace $0x8000004C;
	[dreg:$0x1] =	wrdreg $0xFFFFFFFF  }
0xa7: {  	s28 =	simm.s32 $_size_execute0_lowered;
	s3 =	sadd.s32 s3, s5;
	[dreg:$0x0] =	wrdreg $0x0  }
0xa8: {  	s5 =	sshll.u32 s28, $0x1;
	[dreg:$0x2] =	wrdreg s3  }
0xa9: {  	[dreg:$0x3] =	wrdreg s5  }
0xaa: {  	[dreg:$0x4] =	wrdreg $0xC0  }
0xab: {  	_ =	task [dreg:s7], $0x5FFFF  }
0xac: {  	[dreg:$0x1] =	wrdreg $0xFFFFFFFF  }
0xad: {  	[dreg:$0x0] =	wrdreg $0x60  }
0xae: {  	[dreg:$0x2] =	wrdreg s24  }
0xaf: {  	[dreg:$0x3] =	wrdreg s2  }
0xb0: {  	[dreg:$0x4] =	wrdreg $0xA1000  }
0xb1: {  	[dreg:$0x5] =	wrdreg $0x9  }
0xb2: {  	_ =	task.clear_ibuf [dreg:s7], $0x6FFFF;
	_ =	strace $0x9000004C  }
0xb3: {  	s29 =	simm.s32 $0x9;
	_ =	strace $0x8000004E  }
0xb4: {  	_ =	swait.ge [sflag:s29], $0x1  }
0xb5: {  	[sflag:s29] =	ssyncadd.s32 $0xFFFFFFFF  }
0xb6: {  	_ =	strace $0x9000004E  }
0xb7: {  	_ =	sfence  }
0xb8: {  	s30 =	sld [smem:$0x0];
	_ =	sdelay $0x2  }
0xb9: {  	s31 =	sshll.u32 s1, $0xD;
	s1 =	sshrl.u32 s1, $0x2  }
0xba: {  	s3 =	sand.u32 $0x4000, s31;
	s1 =	sadd.s32 s1, s30  }
0xbb: {  	s0 =	sor.u32 s3, s0;
	s1 =	sshll.u32 s1, $0x11  }
0xbc: {  	s0 =	sor.u32 s1, s0  }
0xbd: {  	s0 =	sadd.s32 $0x8F2B, s0  }
0xbe: {  	[sflag:s0] =	ssyncadd.remote.s32 $0x1  }
0xbf: {  	_ =	sfence.sel $0xFFFF  }
0xc0: {  	[dreg:$0x0] =	wrdreg $0xFFFFFFFF;
	(pc) =	sbr.abs _section_cstart, $3  }
0xc1: {  	[dreg:$0x1] =	wrdreg $0xFFFFFFFF  }
0xc2: {  	_ =	task.clear_ibuf [dreg:s7], $0x2FFFF;
	_ =	strace $0x9FFFFFFF  }
0xc3: {  	(tm) =	ssettm $0x7FFFFFFF  }
tec
execute0_lowered:
.L_overlay_start_1:
0x0: {  	(tag) =	ssettag $0x1  }
0x1: {  	s0 =	srdreg.scid;
	s1 =	rddreg [dreg:$0x0]  }
0x2: {  	s11 =	stileid.u32;
	s3 =	rddreg [dreg:$0x2]  }
0x3: {  	s4 =	simm.s32 $0x0;
	s28 =	simm.s32 $0x7900;
	s7 =	smul.u32 $0x14000, s11  }
0x4: {  	s29 =	simm.s32 $0x4;
	s30 =	simm.s32 $0x1;
	s10 =	smul.u32 $0x50000, s11  }
0x5: {  	s31 =	simm.s32 $0x5;
	s0 =	sand.u32 $0x1, s0;
	s17 =	smul.u32 $0x4E20, s11  }
0x6: {  	s2 =	sshll.u32 s11, $0x1;
	[smem:$0x7FF] =	sst s4;
	s6 =	smul.u32 $0x140000, s0  }
0x7: {  	s2 =	sor.u32 s0, s2;
	s9 =	ssub.s32 $0x2, s0;
	s0 =	smul.u32 $0x2710, s0  }
0x8: {  	s5 =	sadd.s32 $0xB9600, s1;
	_ =	strace $0x8000004D;
	s2 =	smul.u32 $0x2710, s2  }
0x9: {  	s16 =	sshrl.u32 s9, $0x1;
	s19 =	sshrl.u32 s10, $0x2;
	s10 =	simm.s32 $0x0  }
0xa: {  	s7 =	sadd.s32 s7, s6;
	s6 =	sadd.s32 $0x3000, s1;
	s0 =	sadd.s32 s0, s17  }
0xb: {  	s2 =	sshrl.u32 s2, $0x3;
	s7 =	sshrl.u32 s7, $0x3;
	s24 =	sadd.s32 $0x190, s0  }
0xc: {  	s8 =	sadd.s32 s2, s1;
	s18 =	sadd.s32 s6, s2;
	s2 =	sadd.s32 s19, s3  }
0xd: {  	s25 =	sadd.s32 $0x140, s0;
	s1 =	sadd.s32 s7, s1;
	[dreg:$0x8] =	wrdreg s2  }
0xe: {  	s7 =	ssub.s32 s9, s16;
	s8 =	sadd.s32 $0xCE00, s8;
	[dreg:$0x5] =	wrdreg s18  }
0xf: {  	s19 =	simm.s32 $0xA;
	s20 =	sadd.s32 $0xA, s18;
	[dreg:$0x4] =	wrdreg s8  }
0x10: {  	s9 =	simm.s32 $0x9;
	s21 =	sadd.s32 $0x14, s18;
	[dreg:$0x6] =	wrdreg s20  }
0x11: {  	s22 =	sadd.s32 $0x4CE, s18;
	s23 =	sadd.s32 $0x4D8, s18;
	[dreg:$0x7] =	wrdreg s21  }
0x12: {  	s1 =	sadd.s32 $0x16C00, s1;
	s7 =	smax.u32 s7, $0x1;
	[dreg:$0x9] =	wrdreg s22  }
0x13: {  	s2 =	sshrl.u32 s25, $0x3;
	s18 =	sadd.s32 $0xF0, s0;
	[dreg:$0xa] =	wrdreg s23  }
0x14: {  	s25 =	simm.s32 $0x2880;
	s0 =	simm.s32 $0x3;
	[dreg:$0xb] =	wrdreg s1  }
0x15: {  	[dreg:$0xc] =	wrdreg s7;
	s1 =	sshrl.u32 s24, $0x3;
	s26 =	sadd.s32 s2, s6  }
0x16: {  	s20 =	simm.s32 $0x2780;
	s21 =	simm.s32 $0x50;
	s22 =	simm.s32 $0x2900  }
0x17: {  	s23 =	simm.s32 $0x2800;
	s24 =	simm.s32 $0x5100;
	s2 =	simm.s32 $0x6  }
0x18: {  	s7 =	simm.s32 $0x8;
	s1 =	sadd.s32 s1, s6;
	[dreg:$0xe] =	wrdreg s26  }
0x19: {  	s26 =	simm.s32 $0x7;
	[dreg:$0xd] =	wrdreg s1;
	s1 =	simm.s32 $0x2  }
.LBB2_1:
0x1a: {  	s8 =	rddreg [dreg:$0x4]  }
0x1b: {  	[tilespmem:s4], [sflag:$0xA] =	stream.linear.gather [hbm4b:s8+s4], $0x2710, $0x38;
	[tilespmem:$0x1E100] =	vst v63  }
0x1c: {  	_ =	swait.ge [sflag:s19], $0x2710  }
0x1d: {  	[sflag:s19] =	ssyncset.done $0x0  }
0x1e: {  	s17 =	rddreg [dreg:$0x5];
	[sflag:s19] =	ssyncadd.s32 $0xFFFFD8F0  }
0x1f: {  	[tilespmem:s20], [sflag:$0x1] =	stream.linear.gather [hbm4b:s17+s4], $0x50, $0x38;
	[tilespmem:$0x1E100] =	vst v63  }
0x20: {  	_ = 	snop  }
0x21: {  	[tilespmem:s22], [sflag:$0x4] =	stream.indirect.gather [hbm4b:s5+s21], $0x80, s4, s21, $0xb8;
	[tilespmem:$0x1E100] =	vst v63  }
0x22: {  	s11 =	rddreg [dreg:$0x6]  }
0x23: {  	[tilespmem:s23], [sflag:$0x2] =	stream.linear.gather [hbm4b:s11+s4], $0x50, $0x38;
	[tilespmem:$0x1E100] =	vst v63  }
0x24: {  	s14 =	stileid.u32;
	s12 =	rddreg [dreg:$0x7]  }
0x25: {  	[tilespmem:s24], [sflag:$0x5] =	stream.indirect.gather [hbm4b:s5+s21], $0x80, s21, s21, $0xb8;
	[tilespmem:$0x1E100] =	vst v63  }
0x26: {  	s13 =	simm.s32 $0xA0;
	s8 =	sshll.u32 s14, $0x6;
	s15 =	rddreg [dreg:$0x8]  }
0x27: {  	[tilespmem:s25], [sflag:$0x3] =	stream.linear.gather [hbm4b:s12+s4], $0x50, $0x38;
	[tilespmem:$0x1E100] =	vst v63  }
0x28: {  	s16 =	rddreg [dreg:$0x1];
	s11 =	sor.u32 $0x1C0A, s8;
	s12 =	sshrl.u32 s15, $0x3  }
0x29: {  	[tilespmem:s28], [sflag:$0x6] =	stream.indirect.gather [hbm4b:s5+s21], $0x80, s13, s21, $0xb8;
	[tilespmem:$0x1E100] =	vst v63  }
0x2a: {  	[spmem:s12], [sflag:s11] =	dma.local [hbm:s16], $0x2800  }
0x2b: {  	_ =	swait.ge [sflag:s19], $0x2800  }
0x2c: {  	[sflag:s19] =	ssyncset.done $0x0  }
0x2d: {  	[sflag:s19] =	ssyncadd.s32 $0xFFFFD800  }
0x2e: {  	[bflag:$0x0] =	sbarrier.arrive $0xFFFF  }
0x2f: {  	_ =	swait.ge [sflag:s29], $0x2800  }
0x30: {  	[sflag:s29] =	ssyncset.done $0x0  }
0x31: {  	[sflag:s29] =	ssyncadd.s32 $0xFFFFD800  }
0x32: {  	_ =	swait.ge [sflag:s30], $0x50  }
0x33: {  	[sflag:s30] =	ssyncset.done $0x0  }
0x34: {  	[sflag:s30] =	ssyncadd.s32 $0xFFFFFFB0  }
0x35: {  	[spmem:s3] =	stream.indirect.scatter.add.f32 [tilespmem:s22], [sflag:$0x7], $0x80, s20, s21, $0xb8;
	[tilespmem:$0x1E100] =	vst v63  }
0x36: {  	_ =	swait.ge [sflag:s31], $0x2800  }
0x37: {  	[sflag:s31] =	ssyncset.done $0x0  }
0x38: {  	[sflag:s31] =	ssyncadd.s32 $0xFFFFD800  }
0x39: {  	_ =	swait.ge [sflag:s1], $0x50  }
0x3a: {  	[sflag:s1] =	ssyncset.done $0x0  }
0x3b: {  	[sflag:s1] =	ssyncadd.s32 $0xFFFFFFB0  }
0x3c: {  	[spmem:s3] =	stream.indirect.scatter.add.f32 [tilespmem:s24], [sflag:$0x8], $0x80, s23, s21, $0xb8;
	[tilespmem:$0x1E100] =	vst v63  }
0x3d: {  	_ =	swait.ge [sflag:s2], $0x2800  }
0x3e: {  	[sflag:s2] =	ssyncset.done $0x0  }
0x3f: {  	[sflag:s2] =	ssyncadd.s32 $0xFFFFD800  }
0x40: {  	_ =	swait.ge [sflag:s0], $0x50  }
0x41: {  	[sflag:s0] =	ssyncset.done $0x0  }
0x42: {  	[sflag:s0] =	ssyncadd.s32 $0xFFFFFFB0  }
0x43: {  	[spmem:s3] =	stream.indirect.scatter.add.f32 [tilespmem:s28], [sflag:$0x9], $0x80, s25, s21, $0xb8;
	[tilespmem:$0x1E100] =	vst v63  }
0x44: {  	_ =	swait.ge [sflag:s26], $0x2800  }
0x45: {  	s17 =	sshrl.u32 s18, $0x3;
	[sflag:s26] =	ssyncset.done $0x0  }
0x46: {  	s8 =	sadd.s32 s6, s17;
	[sflag:s26] =	ssyncadd.s32 $0xFFFFD800  }
0x47: {  	[tilespmem:s20], [sflag:$0x1] =	stream.linear.gather [hbm4b:s8+s4], $0x50, $0x38;
	[tilespmem:$0x1E100] =	vst v63  }
0x48: {  	s13 =	simm.s32 $0xF0  }
0x49: {  	[tilespmem:s22], [sflag:$0x4] =	stream.indirect.gather [hbm4b:s5+s21], $0x80, s13, s21, $0xb8;
	[tilespmem:$0x1E100] =	vst v63  }
0x4a: {  	_ =	swait.ge [sflag:s7], $0x2800  }
0x4b: {  	[sflag:s7] =	ssyncset.done $0x0  }
0x4c: {  	s17 =	rddreg [dreg:$0xe];
	[sflag:s7] =	ssyncadd.s32 $0xFFFFD800  }
0x4d: {  	[tilespmem:s23], [sflag:$0x2] =	stream.linear.gather [hbm4b:s17+s4], $0x50, $0x38;
	[tilespmem:$0x1E100] =	vst v63  }
0x4e: {  	s14 =	simm.s32 $0x140  }
0x4f: {  	[tilespmem:s24], [sflag:$0x5] =	stream.indirect.gather [hbm4b:s5+s21], $0x80, s14, s21, $0xb8;
	[tilespmem:$0x1E100] =	vst v63  }
0x50: {  	_ =	swait.ge [sflag:s9], $0x2800  }
0x51: {  	s16 =	simm.s32 $0x190;
	[sflag:s9] =	ssyncset.done $0x0  }
0x52: {  	s13 =	simm.s32 $0x3C0;
	s15 =	rddreg [dreg:$0xd];
	[sflag:s9] =	ssyncadd.s32 $0xFFFFD800  }
0x53: {  	[tilespmem:s25], [sflag:$0x3] =	stream.linear.gather [hbm4b:s15+s4], $0x50, $0x38;
	[tilespmem:$0x1E100] =	vst v63  }
0x54: {  	s8 =	sadd.s32 $0x1E, s17;
	s14 =	sadd.s32 $0xF0, s18;
	s15 =	sadd.s32 $0x1E, s15  }
.LBB2_2:
0x55: {  	[tilespmem:s28], [sflag:$0x6] =	stream.indirect.gather [hbm4b:s5+s21], $0x80, s16, s21, $0xb8;
	[tilespmem:$0x1E100] =	vst v63  }
0x56: {  	s16 =	smov.u32 s13  }
0x57: {  	p0 =	sne.s32 s13, $0x9240;
	s13 =	sadd.s32 $0x3C0, s13;
	_ =	swait.ge [sflag:s29], $0x2800  }
0x58: {  	[sflag:s29] =	ssyncset.done $0x0  }
0x59: {  	[sflag:s29] =	ssyncadd.s32 $0xFFFFD800  }
0x5a: {  	_ =	swait.ge [sflag:s30], $0x50  }
0x5b: {  	[sflag:s30] =	ssyncset.done $0x0  }
0x5c: {  	[sflag:s30] =	ssyncadd.s32 $0xFFFFFFB0  }
0x5d: {  	[spmem:s3] =	stream.indirect.scatter.add.f32 [tilespmem:s22], [sflag:$0x7], $0x80, s20, s21, $0xb8;
	[tilespmem:$0x1E100] =	vst v63  }
0x5e: {  	_ =	swait.ge [sflag:s31], $0x2800  }
0x5f: {  	[sflag:s31] =	ssyncset.done $0x0  }
0x60: {  	[sflag:s31] =	ssyncadd.s32 $0xFFFFD800  }
0x61: {  	_ =	swait.ge [sflag:s1], $0x50  }
0x62: {  	[sflag:s1] =	ssyncset.done $0x0  }
0x63: {  	[sflag:s1] =	ssyncadd.s32 $0xFFFFFFB0  }
0x64: {  	[spmem:s3] =	stream.indirect.scatter.add.f32 [tilespmem:s24], [sflag:$0x8], $0x80, s23, s21, $0xb8;
	[tilespmem:$0x1E100] =	vst v63  }
0x65: {  	_ =	swait.ge [sflag:s2], $0x2800  }
0x66: {  	[sflag:s2] =	ssyncset.done $0x0  }
0x67: {  	[sflag:s2] =	ssyncadd.s32 $0xFFFFD800  }
0x68: {  	_ =	swait.ge [sflag:s0], $0x50  }
0x69: {  	[sflag:s0] =	ssyncset.done $0x0  }
0x6a: {  	[sflag:s0] =	ssyncadd.s32 $0xFFFFFFB0  }
0x6b: {  	[spmem:s3] =	stream.indirect.scatter.add.f32 [tilespmem:s28], [sflag:$0x9], $0x80, s25, s21, $0xb8;
	[tilespmem:$0x1E100] =	vst v63  }
0x6c: {  	_ =	swait.ge [sflag:s26], $0x2800  }
0x6d: {  	s17 =	sshrl.u32 s14, $0x3;
	[sflag:s26] =	ssyncset.done $0x0  }
0x6e: {  	s17 =	sadd.s32 s6, s17;
	s16 =	sshra.s32 s16, $0x2;
	[sflag:s26] =	ssyncadd.s32 $0xFFFFD800  }
0x6f: {  	[tilespmem:s20], [sflag:$0x1] =	stream.linear.gather [hbm4b:s17+s4], $0x50, $0x38;
	[tilespmem:$0x1E100] =	vst v63  }
0x70: {  	s17 =	sadd.s32 $0xF0, s16  }
0x71: {  	[tilespmem:s22], [sflag:$0x4] =	stream.indirect.gather [hbm4b:s5+s21], $0x80, s17, s21, $0xb8;
	[tilespmem:$0x1E100] =	vst v63  }
0x72: {  	_ =	swait.ge [sflag:s7], $0x2800  }
0x73: {  	[sflag:s7] =	ssyncset.done $0x0  }
0x74: {  	[sflag:s7] =	ssyncadd.s32 $0xFFFFD800  }
0x75: {  	[tilespmem:s23], [sflag:$0x2] =	stream.linear.gather [hbm4b:s8+s4], $0x50, $0x38;
	[tilespmem:$0x1E100] =	vst v63  }
0x76: {  	s17 =	sadd.s32 $0x140, s16  }
0x77: {  	[tilespmem:s24], [sflag:$0x5] =	stream.indirect.gather [hbm4b:s5+s21], $0x80, s17, s21, $0xb8;
	[tilespmem:$0x1E100] =	vst v63  }
.Ltmp0:
0x78: {  	_ =	swait.ge [sflag:s9], $0x2800;
	(pc) =	sbr.rel @p0 .LBB2_2-.Ltmp0, $4  }
0x79: {  	[sflag:s9] =	ssyncset.done $0x0  }
0x7a: {  	s14 =	sadd.s32 $0xF0, s14;
	[sflag:s9] =	ssyncadd.s32 $0xFFFFD800  }
0x7b: {  	[tilespmem:s25], [sflag:$0x3] =	stream.linear.gather [hbm4b:s15+s4], $0x50, $0x38;
	[tilespmem:$0x1E100] =	vst v63  }
0x7c: {  	s16 =	sadd.s32 $0x190, s16;
	s8 =	sadd.s32 $0x1E, s8;
	s15 =	sadd.s32 $0x1E, s15  }
0x7d: {  	[tilespmem:s28], [sflag:$0x6] =	stream.indirect.gather [hbm4b:s5+s21], $0x80, s16, s21, $0xb8;
	[tilespmem:$0x1E100] =	vst v63  }
0x7e: {  	_ =	swait.ge [sflag:s29], $0x2800  }
0x7f: {  	[sflag:s29] =	ssyncset.done $0x0  }
0x80: {  	[sflag:s29] =	ssyncadd.s32 $0xFFFFD800  }
0x81: {  	_ =	swait.ge [sflag:s30], $0x50  }
0x82: {  	[sflag:s30] =	ssyncset.done $0x0  }
0x83: {  	[sflag:s30] =	ssyncadd.s32 $0xFFFFFFB0  }
0x84: {  	[spmem:s3] =	stream.indirect.scatter.add.f32 [tilespmem:s22], [sflag:$0x7], $0x80, s20, s21, $0xb8;
	[tilespmem:$0x1E100] =	vst v63  }
0x85: {  	_ =	swait.ge [sflag:s31], $0x2800  }
0x86: {  	[sflag:s31] =	ssyncset.done $0x0  }
0x87: {  	[sflag:s31] =	ssyncadd.s32 $0xFFFFD800  }
0x88: {  	_ =	swait.ge [sflag:s1], $0x50  }
0x89: {  	[sflag:s1] =	ssyncset.done $0x0  }
0x8a: {  	[sflag:s1] =	ssyncadd.s32 $0xFFFFFFB0  }
0x8b: {  	[spmem:s3] =	stream.indirect.scatter.add.f32 [tilespmem:s24], [sflag:$0x8], $0x80, s23, s21, $0xb8;
	[tilespmem:$0x1E100] =	vst v63  }
0x8c: {  	_ =	swait.ge [sflag:s2], $0x2800  }
0x8d: {  	[sflag:s2] =	ssyncset.done $0x0  }
0x8e: {  	[sflag:s2] =	ssyncadd.s32 $0xFFFFD800  }
0x8f: {  	_ =	swait.ge [sflag:s0], $0x50  }
0x90: {  	[sflag:s0] =	ssyncset.done $0x0  }
0x91: {  	[sflag:s0] =	ssyncadd.s32 $0xFFFFFFB0  }
0x92: {  	[spmem:s3] =	stream.indirect.scatter.add.f32 [tilespmem:s28], [sflag:$0x9], $0x80, s25, s21, $0xb8;
	[tilespmem:$0x1E100] =	vst v63  }
0x93: {  	_ =	swait.ge [sflag:s26], $0x2800  }
0x94: {  	[sflag:s26] =	ssyncset.done $0x0  }
0x95: {  	[sflag:s26] =	ssyncadd.s32 $0xFFFFD800  }
0x96: {  	_ =	swait.ge [sflag:s7], $0x2800  }
0x97: {  	[sflag:s7] =	ssyncset.done $0x0  }
0x98: {  	[sflag:s7] =	ssyncadd.s32 $0xFFFFD800  }
0x99: {  	_ =	swait.ge [sflag:s9], $0x2800  }
0x9a: {  	[sflag:s9] =	ssyncset.done $0x0  }
0x9b: {  	s8 =	rddreg [dreg:$0x9];
	[sflag:s9] =	ssyncadd.s32 $0xFFFFD800  }
0x9c: {  	[tilespmem:s20], [sflag:$0x1] =	stream.linear.gather [hbm4b:s8+s4], $0x50, $0x38;
	[tilespmem:$0x1E100] =	vst v63  }
0x9d: {  	s13 =	simm.s32 $0x2670  }
0x9e: {  	[tilespmem:s22], [sflag:$0x4] =	stream.indirect.gather [hbm4b:s5+s21], $0x80, s13, s21, $0xb8;
	[tilespmem:$0x1E100] =	vst v63  }
0x9f: {  	_ =	swait.ge [sflag:s30], $0x50  }
0xa0: {  	[sflag:s30] =	ssyncset.done $0x0  }
0xa1: {  	[sflag:s30] =	ssyncadd.s32 $0xFFFFFFB0  }
0xa2: {  	_ =	swait.ge [sflag:s29], $0x2800  }
0xa3: {  	[sflag:s29] =	ssyncset.done $0x0  }
0xa4: {  	[sflag:s29] =	ssyncadd.s32 $0xFFFFD800  }
0xa5: {  	[spmem:s3] =	stream.indirect.scatter.add.f32 [tilespmem:s22], [sflag:$0x7], $0x80, s20, s21, $0xb8;
	[tilespmem:$0x1E100] =	vst v63  }
0xa6: {  	_ =	swait.ge [sflag:s26], $0x2800  }
0xa7: {  	[sflag:s26] =	ssyncset.done $0x0  }
0xa8: {  	s14 =	rddreg [dreg:$0xa];
	[sflag:s26] =	ssyncadd.s32 $0xFFFFD800  }
0xa9: {  	[tilespmem:s20], [sflag:$0x1] =	stream.linear.gather [hbm4b:s14+s4], $0x50, $0x38;
	[tilespmem:$0x1E100] =	vst v63  }
0xaa: {  	s15 =	simm.s32 $0x26C0  }
0xab: {  	[tilespmem:s22], [sflag:$0x4] =	stream.indirect.gather [hbm4b:s5+s21], $0x80, s15, s21, $0xb8;
	[tilespmem:$0x1E100] =	vst v63  }
0xac: {  	_ =	swait.ge [sflag:s30], $0x50  }
0xad: {  	[sflag:s30] =	ssyncset.done $0x0  }
0xae: {  	[sflag:s30] =	ssyncadd.s32 $0xFFFFFFB0  }
0xaf: {  	_ =	swait.ge [sflag:s29], $0x2800  }
0xb0: {  	[sflag:s29] =	ssyncset.done $0x0  }
0xb1: {  	[sflag:s29] =	ssyncadd.s32 $0xFFFFD800  }
0xb2: {  	[spmem:s3] =	stream.indirect.scatter.add.f32 [tilespmem:s22], [sflag:$0x7], $0x80, s20, s21, $0xb8;
	[tilespmem:$0x1E100] =	vst v63  }
0xb3: {  	_ =	swait.ge [sflag:s26], $0x2800  }
0xb4: {  	[sflag:s26] =	ssyncset.done $0x0  }
0xb5: {  	[sflag:s26] =	ssyncadd.s32 $0xFFFFD800  }
0xb6: {  	[bflag:$0x0] =	sbarrier.arrive $0xFFFF  }
0xb7: {  	s16 =	rddreg [dreg:$0xb]  }
0xb8: {  	[hbm:s16], [sflag:s11] =	dma.local [spmem:s12], $0x2800  }
0xb9: {  	_ =	swait.ge [sflag:s19], $0x2800  }
0xba: {  	s10 =	sadd.s32 $0x1, s10;
	s17 =	rddreg [dreg:$0xc]  }
0xbb: {  	p0 =	sne.s32 s10, s17  }
.Ltmp1:
0xbc: {  	_ = 	snop;
	(pc) =	sbr.rel @p0 .LBB2_1-.Ltmp1, $3  }
0xbd: {  	_ =	sdelay $0x1  }
0xbe: {  	[sflag:s19] =	ssyncset.done $0x0  }
0xbf: {  	[sflag:s19] =	ssyncadd.s32 $0xFFFFD800  }
0xc0: {  	_ =	sfence.sel $0x180000  }
0xc1: {  	[bflag:$0x0] =	sbarrier.arrive $0xFFFF  }
0xc2: {  	_ =	strace $0x9000004D  }
0xc3: {  	s0 =	stileid.u32;
	[bflag:$0x2] =	sbarrier.arrive $0xFFFF  }
0xc4: {  	p0 =	sne.s32 s0, $0x0;
	s0 =	rddreg [dreg:$0x3]  }
0xc5: {  	s0 =	sadd.s32 @!p0 $0x100000, s0  }
0xc6: {  	[sflag:s0] =	ssyncadd.tile.s32 @!p0 $0x1;
	_ =	shalt  }
.Lfunc_end2:
_tile_overlayer_lowered:
.L_overlay_start_2:
0xc7: {  	(tag) =	ssettag $0x2  }
0xc8: {  	s0 =	rddreg [dreg:$0x0];
	s2 =	stileid.u32  }
0xc9: {  	s1 =	rddreg [dreg:$0x1];
	p0 =	sne.s32 s2, $0x0  }
0xca: {  	s3 =	rddreg [dreg:$0x2];
	[bflag:$0x3] =	sbarrier.arrive $0xFFFF;
	s2 =	simm.s32 @!p0 $0x1C0A  }
0xcb: {  	[timem:s3], [sflag:s2] =	dma.local @!p0 [hbm:s0], s1  }
0xcc: {  	s0 =	simm.s32 @!p0 $0xA  }
0xcd: {  	_ =	swait.ge @!p0 [sflag:s0], s1  }
0xce: {  	s1 =	ssub.s32 @!p0 $0x0, s1;
	[sflag:s0] =	ssyncset.done @!p0 $0x0  }
0xcf: {  	[sflag:s0] =	ssyncadd.s32 @!p0 s1  }
0xd0: {  	[bflag:$0x3] =	sbarrier.arrive $0xFFFF  }
0xd1: {  	_ =	shalt  }

// kernel: kernel.19.cloned.1.call-start
scs
__scs_entry_jumppad:
0x0: {  	(pc) =	sbr.rel $0x88, $3  }
0x1: {  	(tag) =	ssettag $0x0;
	lr =	simm.s32 $0x1  }
0x2: {  	[smem:$0x3F98] =	sst lr;
	_ =	strace $0xD0000000  }
0x3: {  	_ = 	snop  }
0x4: {  	_ = 	snop  }
0x5: {  	_ = 	snop  }
0x6: {  	_ = 	snop  }
0x7: {  	_ = 	snop  }
__scs_overlays_trampoline_lowered:
0x8: {  	[smem:$0x3FA7] =	sst s0  }
0x9: {  	[smem:$0x3FA8] =	sst s1  }
0xa: {  	[smem:$0x3FA9] =	sst s2  }
0xb: {  	[smem:$0x3FAA] =	sst s3  }
0xc: {  	[smem:$0x3FAB] =	sst s4  }
0xd: {  	[smem:$0x3FAC] =	sst s5  }
0xe: {  	[smem:$0x3FAD] =	sst s6  }
0xf: {  	[smem:$0x3FAE] =	sst s7  }
0x10: {  	[smem:$0x3FAF] =	sst s8  }
0x11: {  	[smem:$0x3FB0] =	sst s9;
	s0 =	simm.s32 @!p0 $0x0  }
0x12: {  	s1 =	sld [smem:$0x3F96];
	s0 =	simm.s32 @p0 $0x1  }
0x13: {  	[smem:$0x3FB1] =	sst s0;
	s0 =	simm.s32 @!p1 $0x0  }
0x14: {  	s2 =	sld [smem:$0x3F95];
	s0 =	simm.s32 @p1 $0x1  }
0x15: {  	[smem:$0x3FB2] =	sst s0;
	s0 =	simm.s32 @!p2 $0x0  }
0x16: {  	s3 =	sld [smem:$0x3FDB];
	s0 =	simm.s32 @p2 $0x1  }
0x17: {  	s4 =	simm.s32 $0x1BF5;
	[smem:$0x3FB4] =	sst s0  }
0x18: {  	s0 =	sld [smem:$0x3F97];
	_ =	swait.ge [sflag:s4], $0x0  }
0x19: {  	s7 =	sld [smem:$0x3F98]  }
0x1a: {  	s8 =	sadd.s32 $0xFFFFE003, lr  }
0x1b: {  	s9 =	sadd.s32 $0xFFFFFEF7, lr;
	s5 =	simm.s32 $0xFFFFFFFF;
	p2 =	slt.u32 s8, $0xFFFFF086  }
0x1c: {  	p1 =	slt.u32 s9, $0xF7A;
	s5 =	simm.s32 @!p2 $0x0  }
0x1d: {  	s5 =	simm.s32 @p1 $0x1;
	p0 =	seq.s32 s7, s2  }
0x1e: {  	s7 =	smul.u32 @!p0 $0xF7A, s2;
	p2 =	seq.s32 @!p0 s5, $0x0  }
0x1f: {  	s9 =	smul.u32 $0xF7A, s1;
	s8 =	simm.s32 @!p0 $0x1BF5;
	p2 =	por !p2, p0  }
0x20: {  	[sflag:s8] =	ssyncset.s32 @!p0 $0xFFFFF086;
	s6 =	sadd.s32 @!p0 s3, s7;
	s7 =	simm.s32 @!p0 $0x108  }
0x21: {  	s3 =	sadd.s32 s3, s9;
	s6 =	sadd.s32 @!p0 $0x88, s6;
	s7 =	simm.s32 @p2 $0x1082  }
0x22: {  	[simem:s7], [sflag:s8] =	dma.local @!p0 [hbm:s6], $0xF7A  }
0x23: {  	s9 =	sor.u32 $0xD0000000, s2;
	s6 =	simm.s32 $0x108;
	_ =	swait.ge @!p0 [sflag:s8], $0x0  }
0x24: {  	s3 =	sadd.s32 $0x88, s3;
	s6 =	simm.s32 @!p1 $0x1082;
	[sflag:s4] =	ssyncset.s32 $0xFFFFF086  }
0x25: {  	[simem:s6], [sflag:s4] =	dma.local [hbm:s3], $0xF7A  }
0x26: {  	[smem:$0x3F98] =	sst s1;
	(tag) =	ssettag s2;
	_ =	strace s9  }
0x27: {  	s1 =	sld [smem:$0x3FA8]  }
0x28: {  	s2 =	sld [smem:$0x3FA9]  }
0x29: {  	s4 =	sld [smem:$0x3FAB]  }
0x2a: {  	p0 =	seq.s32 s5, $0x0;
	s5 =	sld [smem:$0x3FAC]  }
0x2b: {  	s6 =	sld [smem:$0x3FAD]  }
0x2c: {  	s7 =	sld [smem:$0x3FAE]  }
0x2d: {  	s3 =	simm.s32 $0x108;
	s8 =	sld [smem:$0x3FAF]  }
0x2e: {  	s3 =	simm.s32 @!p0 $0x1082;
	s9 =	sld [smem:$0x3FB0]  }
0x2f: {  	lr =	sadd.s32 s0, s3;
	s0 =	sld [smem:$0x3FA7]  }
0x30: {  	s3 =	sld [smem:$0x3FAA]  }
0x31: {  	[smem:$0x3FB3] =	sst s10  }
0x32: {  	s10 =	sld [smem:$0x3FB1];
	_ =	sdelay $0x3  }
0x33: {  	p0 =	seq.s32 s10, $0x1;
	s10 =	sld [smem:$0x3FB3];
	_ =	sdelay $0x3  }
0x34: {  	[smem:$0x3FB3] =	sst s10  }
0x35: {  	s10 =	sld [smem:$0x3FB2];
	_ =	sdelay $0x3  }
0x36: {  	p1 =	seq.s32 s10, $0x1;
	s10 =	sld [smem:$0x3FB3];
	_ =	sdelay $0x3  }
0x37: {  	[smem:$0x3FB3] =	sst s10  }
0x38: {  	s10 =	sld [smem:$0x3FB4]  }
0x39: {  	_ = 	snop;
	(pc) =	sbr.ind lr, $3  }
0x3a: {  	_ = 	snop  }
0x3b: {  	_ = 	snop  }
0x3c: {  	p2 =	seq.s32 s10, $0x1;
	s10 =	sld [smem:$0x3FB3]  }
0x3d: {  	_ =	shalt  }
0x3e: {  	_ =	shalt  }
0x3f: {  	_ =	shalt  }
0x40: {  	_ =	shalt  }
0x41: {  	_ =	shalt  }
0x42: {  	_ =	shalt  }
0x43: {  	_ =	shalt  }
0x44: {  	_ =	shalt  }
0x45: {  	_ =	shalt  }
0x46: {  	_ =	shalt  }
0x47: {  	_ =	shalt  }
0x48: {  	_ =	shalt  }
0x49: {  	_ =	shalt  }
0x4a: {  	_ =	shalt  }
0x4b: {  	_ =	shalt  }
0x4c: {  	_ =	shalt  }
0x4d: {  	_ =	shalt  }
0x4e: {  	_ =	shalt  }
0x4f: {  	_ =	shalt  }
0x50: {  	_ =	shalt  }
0x51: {  	_ =	shalt  }
0x52: {  	_ =	shalt  }
0x53: {  	_ =	shalt  }
0x54: {  	_ =	shalt  }
0x55: {  	_ =	shalt  }
0x56: {  	_ =	shalt  }
0x57: {  	_ =	shalt  }
0x58: {  	_ =	shalt  }
0x59: {  	_ =	shalt  }
0x5a: {  	_ =	shalt  }
0x5b: {  	_ =	shalt  }
0x5c: {  	_ =	shalt  }
0x5d: {  	_ =	shalt  }
0x5e: {  	_ =	shalt  }
0x5f: {  	_ =	shalt  }
0x60: {  	_ =	shalt  }
0x61: {  	_ =	shalt  }
0x62: {  	_ =	shalt  }
0x63: {  	_ =	shalt  }
0x64: {  	_ =	shalt  }
0x65: {  	_ =	shalt  }
0x66: {  	_ =	shalt  }
0x67: {  	_ =	shalt  }
0x68: {  	_ =	shalt  }
0x69: {  	_ =	shalt  }
0x6a: {  	_ =	shalt  }
0x6b: {  	_ =	shalt  }
0x6c: {  	_ =	shalt  }
0x6d: {  	_ =	shalt  }
0x6e: {  	_ =	shalt  }
0x6f: {  	_ =	shalt  }
0x70: {  	_ =	shalt  }
0x71: {  	_ =	shalt  }
0x72: {  	_ =	shalt  }
0x73: {  	_ =	shalt  }
0x74: {  	_ =	shalt  }
0x75: {  	_ =	shalt  }
0x76: {  	_ =	shalt  }
0x77: {  	_ =	shalt  }
0x78: {  	_ =	shalt  }
0x79: {  	_ =	shalt  }
0x7a: {  	_ =	shalt  }
0x7b: {  	_ =	shalt  }
0x7c: {  	_ =	shalt  }
0x7d: {  	_ =	shalt  }
0x7e: {  	_ =	shalt  }
0x7f: {  	_ =	shalt  }
0x80: {  	_ =	shalt  }
0x81: {  	_ =	shalt  }
0x82: {  	_ =	shalt  }
0x83: {  	_ =	shalt  }
0x84: {  	_ =	shalt  }
0x85: {  	_ =	shalt  }
0x86: {  	_ =	shalt  }
0x87: {  	_ =	shalt  }
.Lfunc_end0:
.L_simem_size_0:
called_computation.3_lowered:
.L_overlay_start_0:
0x88: {  	s2 =	sld [smem:$0x3FD9]  }
0x89: {  	s3 =	sld [smem:$0x3FFE];
	_ =	sdelay $0x1  }
0x8a: {  	s1 =	srdreg.scid  }
0x8b: {  	s0 =	sand.u32 $0x1, s1  }
0x8c: {  	s17 =	sshll.u32 s0, $0xA;
	s2 =	sadd.s32 s3, s2  }
0x8d: {  	s2 =	sadd.s32 s2, s17  }
0x8e: {  	[smem:$0x3FBF] =	sst s2  }
0x8f: {  	_ = 	snop  }
0x90: {  	s2 =	sld [smem:$0x3FD0];
	(tm) =	ssettm $0x1  }
0x91: {  	s18 =	sld [smem:$0x3FFB];
	_ =	sdelay $0x3  }
0x92: {  	_ =	strace s18  }
0x93: {  	s3 =	sld [smem:$0x3FFC];
	_ =	sdelay $0x3  }
0x94: {  	_ =	strace s3  }
0x95: {  	s3 =	sld [smem:$0x3FFD];
	_ =	sdelay $0x3  }
0x96: {  	_ =	strace s3  }
0x97: {  	_ =	strace $0x8FFFFFFF  }
0x98: {  	s19 =	sld [smem:$0x3FDB];
	_ =	sdelay $0x1  }
0x99: {  	s4 =	simm.s32 $_scs_section_size  }
0x9a: {  	s5 =	simm.s32 $_size__tile_overlayer_lowered;
	s6 =	simm.s32 $_tile_overlayer_lowered  }
0x9b: {  	s22 =	simm.s32 $0x1BFF;
	s21 =	sshll.u32 s6, $0x1;
	s3 =	sadd.s32 s4, s19  }
0x9c: {  	s7 =	simm.s32 $0x0;
	s20 =	sshll.u32 s5, $0x1;
	s5 =	sadd.s32 s21, s3  }
0x9d: {  	[timem:s7], [sflag:s22] =	dma.local [hbm:s5], s20  }
0x9e: {  	_ =	swait.ge [sflag:s22], s20  }
0x9f: {  	s4 =	ssub.s32 $0x0, s20;
	[sflag:s22] =	ssyncset.done $0x0  }
0xa0: {  	[sflag:s22] =	ssyncadd.s32 s4;
	_ =	sdelay $0x1  }
0xa1: {  	s23 =	simm.s32 $0x1B8B  }
0xa2: {  	_ =	swait.ge [sflag:s23], $0x1  }
0xa3: {  	[sflag:s23] =	ssyncset.done $0x0  }
0xa4: {  	s25 =	simm.s32 $0x1B8E;
	s24 =	sld [smem:$0x3FFE];
	[sflag:s23] =	ssyncadd.s32 $0xFFFFFFFF  }
0xa5: {  	s26 =	simm.s32 $execute0_lowered;
	[smem:$0x3FD2] =	sst s25  }
0xa6: {  	s5 =	sshll.u32 s26, $0x1;
	_ =	strace $0x8000004F;
	[dreg:$0x1] =	wrdreg $0xFFFFFFFF  }
0xa7: {  	s28 =	simm.s32 $_size_execute0_lowered;
	s3 =	sadd.s32 s3, s5;
	[dreg:$0x0] =	wrdreg $0x0  }
0xa8: {  	s5 =	sshll.u32 s28, $0x1;
	[dreg:$0x2] =	wrdreg s3  }
0xa9: {  	[dreg:$0x3] =	wrdreg s5  }
0xaa: {  	[dreg:$0x4] =	wrdreg $0xC0  }
0xab: {  	_ =	task [dreg:s7], $0x5FFFF  }
0xac: {  	[dreg:$0x1] =	wrdreg $0xFFFFFFFF  }
0xad: {  	[dreg:$0x0] =	wrdreg $0x60  }
0xae: {  	[dreg:$0x2] =	wrdreg s24  }
0xaf: {  	[dreg:$0x3] =	wrdreg s2  }
0xb0: {  	[dreg:$0x4] =	wrdreg $0xA1000  }
0xb1: {  	[dreg:$0x5] =	wrdreg $0x9  }
0xb2: {  	_ =	task.clear_ibuf [dreg:s7], $0x6FFFF;
	_ =	strace $0x9000004F  }
0xb3: {  	s29 =	simm.s32 $0x9;
	_ =	strace $0x80000051  }
0xb4: {  	_ =	swait.ge [sflag:s29], $0x1  }
0xb5: {  	[sflag:s29] =	ssyncadd.s32 $0xFFFFFFFF  }
0xb6: {  	_ =	strace $0x90000051  }
0xb7: {  	_ =	sfence  }
0xb8: {  	s30 =	sld [smem:$0x0];
	_ =	sdelay $0x2  }
0xb9: {  	s31 =	sshll.u32 s1, $0xD;
	s1 =	sshrl.u32 s1, $0x2  }
0xba: {  	s3 =	sand.u32 $0x4000, s31;
	s1 =	sadd.s32 s1, s30  }
0xbb: {  	s0 =	sor.u32 s3, s0;
	s1 =	sshll.u32 s1, $0x11  }
0xbc: {  	s0 =	sor.u32 s1, s0  }
0xbd: {  	s0 =	sadd.s32 $0x8F2B, s0  }
0xbe: {  	[sflag:s0] =	ssyncadd.remote.s32 $0x1  }
0xbf: {  	_ =	sfence.sel $0xFFFF  }
0xc0: {  	[dreg:$0x0] =	wrdreg $0xFFFFFFFF;
	(pc) =	sbr.abs _section_cstart, $3  }
0xc1: {  	[dreg:$0x1] =	wrdreg $0xFFFFFFFF  }
0xc2: {  	_ =	task.clear_ibuf [dreg:s7], $0x2FFFF;
	_ =	strace $0x9FFFFFFF  }
0xc3: {  	(tm) =	ssettm $0x7FFFFFFF  }
tec
execute0_lowered:
.L_overlay_start_1:
0x0: {  	(tag) =	ssettag $0x1  }
0x1: {  	s0 =	srdreg.scid;
	s1 =	rddreg [dreg:$0x0]  }
0x2: {  	s11 =	stileid.u32;
	s3 =	rddreg [dreg:$0x2]  }
0x3: {  	s4 =	simm.s32 $0x0;
	s28 =	simm.s32 $0x7900;
	s7 =	smul.u32 $0x14000, s11  }
0x4: {  	s29 =	simm.s32 $0x4;
	s30 =	simm.s32 $0x1;
	s10 =	smul.u32 $0x50000, s11  }
0x5: {  	s31 =	simm.s32 $0x5;
	s0 =	sand.u32 $0x1, s0;
	s17 =	smul.u32 $0x4E20, s11  }
0x6: {  	s2 =	sshll.u32 s11, $0x1;
	[smem:$0x7FF] =	sst s4;
	s6 =	smul.u32 $0x140000, s0  }
0x7: {  	s2 =	sor.u32 s0, s2;
	s9 =	ssub.s32 $0x2, s0;
	s0 =	smul.u32 $0x2710, s0  }
0x8: {  	s5 =	sadd.s32 $0x6B200, s1;
	_ =	strace $0x80000050;
	s2 =	smul.u32 $0x2710, s2  }
0x9: {  	s16 =	sshrl.u32 s9, $0x1;
	s19 =	sshrl.u32 s10, $0x2;
	s10 =	simm.s32 $0x0  }
0xa: {  	s7 =	sadd.s32 s7, s6;
	s6 =	sadd.s32 $0x3000, s1;
	s0 =	sadd.s32 s0, s17  }
0xb: {  	s2 =	sshrl.u32 s2, $0x3;
	s7 =	sshrl.u32 s7, $0x3;
	s24 =	sadd.s32 $0x190, s0  }
0xc: {  	s8 =	sadd.s32 s2, s1;
	s18 =	sadd.s32 s6, s2;
	s2 =	sadd.s32 s19, s3  }
0xd: {  	s25 =	sadd.s32 $0x140, s0;
	s1 =	sadd.s32 s7, s1;
	[dreg:$0x8] =	wrdreg s2  }
0xe: {  	s7 =	ssub.s32 s9, s16;
	s8 =	sadd.s32 $0xCE00, s8;
	[dreg:$0x5] =	wrdreg s18  }
0xf: {  	s19 =	simm.s32 $0xA;
	s20 =	sadd.s32 $0xA, s18;
	[dreg:$0x4] =	wrdreg s8  }
0x10: {  	s9 =	simm.s32 $0x9;
	s21 =	sadd.s32 $0x14, s18;
	[dreg:$0x6] =	wrdreg s20  }
0x11: {  	s22 =	sadd.s32 $0x4CE, s18;
	s23 =	sadd.s32 $0x4D8, s18;
	[dreg:$0x7] =	wrdreg s21  }
0x12: {  	s1 =	sadd.s32 $0x16C00, s1;
	s7 =	smax.u32 s7, $0x1;
	[dreg:$0x9] =	wrdreg s22  }
0x13: {  	s2 =	sshrl.u32 s25, $0x3;
	s18 =	sadd.s32 $0xF0, s0;
	[dreg:$0xa] =	wrdreg s23  }
0x14: {  	s25 =	simm.s32 $0x2880;
	s0 =	simm.s32 $0x3;
	[dreg:$0xb] =	wrdreg s1  }
0x15: {  	[dreg:$0xc] =	wrdreg s7;
	s1 =	sshrl.u32 s24, $0x3;
	s26 =	sadd.s32 s2, s6  }
0x16: {  	s20 =	simm.s32 $0x2780;
	s21 =	simm.s32 $0x50;
	s22 =	simm.s32 $0x2900  }
0x17: {  	s23 =	simm.s32 $0x2800;
	s24 =	simm.s32 $0x5100;
	s2 =	simm.s32 $0x6  }
0x18: {  	s7 =	simm.s32 $0x8;
	s1 =	sadd.s32 s1, s6;
	[dreg:$0xe] =	wrdreg s26  }
0x19: {  	s26 =	simm.s32 $0x7;
	[dreg:$0xd] =	wrdreg s1;
	s1 =	simm.s32 $0x2  }
.LBB2_1:
0x1a: {  	s8 =	rddreg [dreg:$0x4]  }
0x1b: {  	[tilespmem:s4], [sflag:$0xA] =	stream.linear.gather [hbm4b:s8+s4], $0x2710, $0x38;
	[tilespmem:$0x1E100] =	vst v63  }
0x1c: {  	_ =	swait.ge [sflag:s19], $0x2710  }
0x1d: {  	[sflag:s19] =	ssyncset.done $0x0  }
0x1e: {  	s17 =	rddreg [dreg:$0x5];
	[sflag:s19] =	ssyncadd.s32 $0xFFFFD8F0  }
0x1f: {  	[tilespmem:s20], [sflag:$0x1] =	stream.linear.gather [hbm4b:s17+s4], $0x50, $0x38;
	[tilespmem:$0x1E100] =	vst v63  }
0x20: {  	_ = 	snop  }
0x21: {  	[tilespmem:s22], [sflag:$0x4] =	stream.indirect.gather [hbm4b:s5+s21], $0x80, s4, s21, $0xb8;
	[tilespmem:$0x1E100] =	vst v63  }
0x22: {  	s11 =	rddreg [dreg:$0x6]  }
0x23: {  	[tilespmem:s23], [sflag:$0x2] =	stream.linear.gather [hbm4b:s11+s4], $0x50, $0x38;
	[tilespmem:$0x1E100] =	vst v63  }
0x24: {  	s14 =	stileid.u32;
	s12 =	rddreg [dreg:$0x7]  }
0x25: {  	[tilespmem:s24], [sflag:$0x5] =	stream.indirect.gather [hbm4b:s5+s21], $0x80, s21, s21, $0xb8;
	[tilespmem:$0x1E100] =	vst v63  }
0x26: {  	s13 =	simm.s32 $0xA0;
	s8 =	sshll.u32 s14, $0x6;
	s15 =	rddreg [dreg:$0x8]  }
0x27: {  	[tilespmem:s25], [sflag:$0x3] =	stream.linear.gather [hbm4b:s12+s4], $0x50, $0x38;
	[tilespmem:$0x1E100] =	vst v63  }
0x28: {  	s16 =	rddreg [dreg:$0x1];
	s11 =	sor.u32 $0x1C0A, s8;
	s12 =	sshrl.u32 s15, $0x3  }
0x29: {  	[tilespmem:s28], [sflag:$0x6] =	stream.indirect.gather [hbm4b:s5+s21], $0x80, s13, s21, $0xb8;
	[tilespmem:$0x1E100] =	vst v63  }
0x2a: {  	[spmem:s12], [sflag:s11] =	dma.local [hbm:s16], $0x2800  }
0x2b: {  	_ =	swait.ge [sflag:s19], $0x2800  }
0x2c: {  	[sflag:s19] =	ssyncset.done $0x0  }
0x2d: {  	[sflag:s19] =	ssyncadd.s32 $0xFFFFD800  }
0x2e: {  	[bflag:$0x0] =	sbarrier.arrive $0xFFFF  }
0x2f: {  	_ =	swait.ge [sflag:s29], $0x2800  }
0x30: {  	[sflag:s29] =	ssyncset.done $0x0  }
0x31: {  	[sflag:s29] =	ssyncadd.s32 $0xFFFFD800  }
0x32: {  	_ =	swait.ge [sflag:s30], $0x50  }
0x33: {  	[sflag:s30] =	ssyncset.done $0x0  }
0x34: {  	[sflag:s30] =	ssyncadd.s32 $0xFFFFFFB0  }
0x35: {  	[spmem:s3] =	stream.indirect.scatter.add.f32 [tilespmem:s22], [sflag:$0x7], $0x80, s20, s21, $0xb8;
	[tilespmem:$0x1E100] =	vst v63  }
0x36: {  	_ =	swait.ge [sflag:s31], $0x2800  }
0x37: {  	[sflag:s31] =	ssyncset.done $0x0  }
0x38: {  	[sflag:s31] =	ssyncadd.s32 $0xFFFFD800  }
0x39: {  	_ =	swait.ge [sflag:s1], $0x50  }
0x3a: {  	[sflag:s1] =	ssyncset.done $0x0  }
0x3b: {  	[sflag:s1] =	ssyncadd.s32 $0xFFFFFFB0  }
0x3c: {  	[spmem:s3] =	stream.indirect.scatter.add.f32 [tilespmem:s24], [sflag:$0x8], $0x80, s23, s21, $0xb8;
	[tilespmem:$0x1E100] =	vst v63  }
0x3d: {  	_ =	swait.ge [sflag:s2], $0x2800  }
0x3e: {  	[sflag:s2] =	ssyncset.done $0x0  }
0x3f: {  	[sflag:s2] =	ssyncadd.s32 $0xFFFFD800  }
0x40: {  	_ =	swait.ge [sflag:s0], $0x50  }
0x41: {  	[sflag:s0] =	ssyncset.done $0x0  }
0x42: {  	[sflag:s0] =	ssyncadd.s32 $0xFFFFFFB0  }
0x43: {  	[spmem:s3] =	stream.indirect.scatter.add.f32 [tilespmem:s28], [sflag:$0x9], $0x80, s25, s21, $0xb8;
	[tilespmem:$0x1E100] =	vst v63  }
0x44: {  	_ =	swait.ge [sflag:s26], $0x2800  }
0x45: {  	s17 =	sshrl.u32 s18, $0x3;
	[sflag:s26] =	ssyncset.done $0x0  }
0x46: {  	s8 =	sadd.s32 s6, s17;
	[sflag:s26] =	ssyncadd.s32 $0xFFFFD800  }
0x47: {  	[tilespmem:s20], [sflag:$0x1] =	stream.linear.gather [hbm4b:s8+s4], $0x50, $0x38;
	[tilespmem:$0x1E100] =	vst v63  }
0x48: {  	s13 =	simm.s32 $0xF0  }
0x49: {  	[tilespmem:s22], [sflag:$0x4] =	stream.indirect.gather [hbm4b:s5+s21], $0x80, s13, s21, $0xb8;
	[tilespmem:$0x1E100] =	vst v63  }
0x4a: {  	_ =	swait.ge [sflag:s7], $0x2800  }
0x4b: {  	[sflag:s7] =	ssyncset.done $0x0  }
0x4c: {  	s17 =	rddreg [dreg:$0xe];
	[sflag:s7] =	ssyncadd.s32 $0xFFFFD800  }
0x4d: {  	[tilespmem:s23], [sflag:$0x2] =	stream.linear.gather [hbm4b:s17+s4], $0x50, $0x38;
	[tilespmem:$0x1E100] =	vst v63  }
0x4e: {  	s14 =	simm.s32 $0x140  }
0x4f: {  	[tilespmem:s24], [sflag:$0x5] =	stream.indirect.gather [hbm4b:s5+s21], $0x80, s14, s21, $0xb8;
	[tilespmem:$0x1E100] =	vst v63  }
0x50: {  	_ =	swait.ge [sflag:s9], $0x2800  }
0x51: {  	s16 =	simm.s32 $0x190;
	[sflag:s9] =	ssyncset.done $0x0  }
0x52: {  	s13 =	simm.s32 $0x3C0;
	s15 =	rddreg [dreg:$0xd];
	[sflag:s9] =	ssyncadd.s32 $0xFFFFD800  }
0x53: {  	[tilespmem:s25], [sflag:$0x3] =	stream.linear.gather [hbm4b:s15+s4], $0x50, $0x38;
	[tilespmem:$0x1E100] =	vst v63  }
0x54: {  	s8 =	sadd.s32 $0x1E, s17;
	s14 =	sadd.s32 $0xF0, s18;
	s15 =	sadd.s32 $0x1E, s15  }
.LBB2_2:
0x55: {  	[tilespmem:s28], [sflag:$0x6] =	stream.indirect.gather [hbm4b:s5+s21], $0x80, s16, s21, $0xb8;
	[tilespmem:$0x1E100] =	vst v63  }
0x56: {  	s16 =	smov.u32 s13  }
0x57: {  	p0 =	sne.s32 s13, $0x9240;
	s13 =	sadd.s32 $0x3C0, s13;
	_ =	swait.ge [sflag:s29], $0x2800  }
0x58: {  	[sflag:s29] =	ssyncset.done $0x0  }
0x59: {  	[sflag:s29] =	ssyncadd.s32 $0xFFFFD800  }
0x5a: {  	_ =	swait.ge [sflag:s30], $0x50  }
0x5b: {  	[sflag:s30] =	ssyncset.done $0x0  }
0x5c: {  	[sflag:s30] =	ssyncadd.s32 $0xFFFFFFB0  }
0x5d: {  	[spmem:s3] =	stream.indirect.scatter.add.f32 [tilespmem:s22], [sflag:$0x7], $0x80, s20, s21, $0xb8;
	[tilespmem:$0x1E100] =	vst v63  }
0x5e: {  	_ =	swait.ge [sflag:s31], $0x2800  }
0x5f: {  	[sflag:s31] =	ssyncset.done $0x0  }
0x60: {  	[sflag:s31] =	ssyncadd.s32 $0xFFFFD800  }
0x61: {  	_ =	swait.ge [sflag:s1], $0x50  }
0x62: {  	[sflag:s1] =	ssyncset.done $0x0  }
0x63: {  	[sflag:s1] =	ssyncadd.s32 $0xFFFFFFB0  }
0x64: {  	[spmem:s3] =	stream.indirect.scatter.add.f32 [tilespmem:s24], [sflag:$0x8], $0x80, s23, s21, $0xb8;
	[tilespmem:$0x1E100] =	vst v63  }
0x65: {  	_ =	swait.ge [sflag:s2], $0x2800  }
0x66: {  	[sflag:s2] =	ssyncset.done $0x0  }
0x67: {  	[sflag:s2] =	ssyncadd.s32 $0xFFFFD800  }
0x68: {  	_ =	swait.ge [sflag:s0], $0x50  }
0x69: {  	[sflag:s0] =	ssyncset.done $0x0  }
0x6a: {  	[sflag:s0] =	ssyncadd.s32 $0xFFFFFFB0  }
0x6b: {  	[spmem:s3] =	stream.indirect.scatter.add.f32 [tilespmem:s28], [sflag:$0x9], $0x80, s25, s21, $0xb8;
	[tilespmem:$0x1E100] =	vst v63  }
0x6c: {  	_ =	swait.ge [sflag:s26], $0x2800  }
0x6d: {  	s17 =	sshrl.u32 s14, $0x3;
	[sflag:s26] =	ssyncset.done $0x0  }
0x6e: {  	s17 =	sadd.s32 s6, s17;
	s16 =	sshra.s32 s16, $0x2;
	[sflag:s26] =	ssyncadd.s32 $0xFFFFD800  }
0x6f: {  	[tilespmem:s20], [sflag:$0x1] =	stream.linear.gather [hbm4b:s17+s4], $0x50, $0x38;
	[tilespmem:$0x1E100] =	vst v63  }
0x70: {  	s17 =	sadd.s32 $0xF0, s16  }
0x71: {  	[tilespmem:s22], [sflag:$0x4] =	stream.indirect.gather [hbm4b:s5+s21], $0x80, s17, s21, $0xb8;
	[tilespmem:$0x1E100] =	vst v63  }
0x72: {  	_ =	swait.ge [sflag:s7], $0x2800  }
0x73: {  	[sflag:s7] =	ssyncset.done $0x0  }
0x74: {  	[sflag:s7] =	ssyncadd.s32 $0xFFFFD800  }
0x75: {  	[tilespmem:s23], [sflag:$0x2] =	stream.linear.gather [hbm4b:s8+s4], $0x50, $0x38;
	[tilespmem:$0x1E100] =	vst v63  }
0x76: {  	s17 =	sadd.s32 $0x140, s16  }
0x77: {  	[tilespmem:s24], [sflag:$0x5] =	stream.indirect.gather [hbm4b:s5+s21], $0x80, s17, s21, $0xb8;
	[tilespmem:$0x1E100] =	vst v63  }
.Ltmp0:
0x78: {  	_ =	swait.ge [sflag:s9], $0x2800;
	(pc) =	sbr.rel @p0 .LBB2_2-.Ltmp0, $4  }
0x79: {  	[sflag:s9] =	ssyncset.done $0x0  }
0x7a: {  	s14 =	sadd.s32 $0xF0, s14;
	[sflag:s9] =	ssyncadd.s32 $0xFFFFD800  }
0x7b: {  	[tilespmem:s25], [sflag:$0x3] =	stream.linear.gather [hbm4b:s15+s4], $0x50, $0x38;
	[tilespmem:$0x1E100] =	vst v63  }
0x7c: {  	s16 =	sadd.s32 $0x190, s16;
	s8 =	sadd.s32 $0x1E, s8;
	s15 =	sadd.s32 $0x1E, s15  }
0x7d: {  	[tilespmem:s28], [sflag:$0x6] =	stream.indirect.gather [hbm4b:s5+s21], $0x80, s16, s21, $0xb8;
	[tilespmem:$0x1E100] =	vst v63  }
0x7e: {  	_ =	swait.ge [sflag:s29], $0x2800  }
0x7f: {  	[sflag:s29] =	ssyncset.done $0x0  }
0x80: {  	[sflag:s29] =	ssyncadd.s32 $0xFFFFD800  }
0x81: {  	_ =	swait.ge [sflag:s30], $0x50  }
0x82: {  	[sflag:s30] =	ssyncset.done $0x0  }
0x83: {  	[sflag:s30] =	ssyncadd.s32 $0xFFFFFFB0  }
0x84: {  	[spmem:s3] =	stream.indirect.scatter.add.f32 [tilespmem:s22], [sflag:$0x7], $0x80, s20, s21, $0xb8;
	[tilespmem:$0x1E100] =	vst v63  }
0x85: {  	_ =	swait.ge [sflag:s31], $0x2800  }
0x86: {  	[sflag:s31] =	ssyncset.done $0x0  }
0x87: {  	[sflag:s31] =	ssyncadd.s32 $0xFFFFD800  }
0x88: {  	_ =	swait.ge [sflag:s1], $0x50  }
0x89: {  	[sflag:s1] =	ssyncset.done $0x0  }
0x8a: {  	[sflag:s1] =	ssyncadd.s32 $0xFFFFFFB0  }
0x8b: {  	[spmem:s3] =	stream.indirect.scatter.add.f32 [tilespmem:s24], [sflag:$0x8], $0x80, s23, s21, $0xb8;
	[tilespmem:$0x1E100] =	vst v63  }
0x8c: {  	_ =	swait.ge [sflag:s2], $0x2800  }
0x8d: {  	[sflag:s2] =	ssyncset.done $0x0  }
0x8e: {  	[sflag:s2] =	ssyncadd.s32 $0xFFFFD800  }
0x8f: {  	_ =	swait.ge [sflag:s0], $0x50  }
0x90: {  	[sflag:s0] =	ssyncset.done $0x0  }
0x91: {  	[sflag:s0] =	ssyncadd.s32 $0xFFFFFFB0  }
0x92: {  	[spmem:s3] =	stream.indirect.scatter.add.f32 [tilespmem:s28], [sflag:$0x9], $0x80, s25, s21, $0xb8;
	[tilespmem:$0x1E100] =	vst v63  }
0x93: {  	_ =	swait.ge [sflag:s26], $0x2800  }
0x94: {  	[sflag:s26] =	ssyncset.done $0x0  }
0x95: {  	[sflag:s26] =	ssyncadd.s32 $0xFFFFD800  }
0x96: {  	_ =	swait.ge [sflag:s7], $0x2800  }
0x97: {  	[sflag:s7] =	ssyncset.done $0x0  }
0x98: {  	[sflag:s7] =	ssyncadd.s32 $0xFFFFD800  }
0x99: {  	_ =	swait.ge [sflag:s9], $0x2800  }
0x9a: {  	[sflag:s9] =	ssyncset.done $0x0  }
0x9b: {  	s8 =	rddreg [dreg:$0x9];
	[sflag:s9] =	ssyncadd.s32 $0xFFFFD800  }
0x9c: {  	[tilespmem:s20], [sflag:$0x1] =	stream.linear.gather [hbm4b:s8+s4], $0x50, $0x38;
	[tilespmem:$0x1E100] =	vst v63  }
0x9d: {  	s13 =	simm.s32 $0x2670  }
0x9e: {  	[tilespmem:s22], [sflag:$0x4] =	stream.indirect.gather [hbm4b:s5+s21], $0x80, s13, s21, $0xb8;
	[tilespmem:$0x1E100] =	vst v63  }
0x9f: {  	_ =	swait.ge [sflag:s30], $0x50  }
0xa0: {  	[sflag:s30] =	ssyncset.done $0x0  }
0xa1: {  	[sflag:s30] =	ssyncadd.s32 $0xFFFFFFB0  }
0xa2: {  	_ =	swait.ge [sflag:s29], $0x2800  }
0xa3: {  	[sflag:s29] =	ssyncset.done $0x0  }
0xa4: {  	[sflag:s29] =	ssyncadd.s32 $0xFFFFD800  }
0xa5: {  	[spmem:s3] =	stream.indirect.scatter.add.f32 [tilespmem:s22], [sflag:$0x7], $0x80, s20, s21, $0xb8;
	[tilespmem:$0x1E100] =	vst v63  }
0xa6: {  	_ =	swait.ge [sflag:s26], $0x2800  }
0xa7: {  	[sflag:s26] =	ssyncset.done $0x0  }
0xa8: {  	s14 =	rddreg [dreg:$0xa];
	[sflag:s26] =	ssyncadd.s32 $0xFFFFD800  }
0xa9: {  	[tilespmem:s20], [sflag:$0x1] =	stream.linear.gather [hbm4b:s14+s4], $0x50, $0x38;
	[tilespmem:$0x1E100] =	vst v63  }
0xaa: {  	s15 =	simm.s32 $0x26C0  }
0xab: {  	[tilespmem:s22], [sflag:$0x4] =	stream.indirect.gather [hbm4b:s5+s21], $0x80, s15, s21, $0xb8;
	[tilespmem:$0x1E100] =	vst v63  }
0xac: {  	_ =	swait.ge [sflag:s30], $0x50  }
0xad: {  	[sflag:s30] =	ssyncset.done $0x0  }
0xae: {  	[sflag:s30] =	ssyncadd.s32 $0xFFFFFFB0  }
0xaf: {  	_ =	swait.ge [sflag:s29], $0x2800  }
0xb0: {  	[sflag:s29] =	ssyncset.done $0x0  }
0xb1: {  	[sflag:s29] =	ssyncadd.s32 $0xFFFFD800  }
0xb2: {  	[spmem:s3] =	stream.indirect.scatter.add.f32 [tilespmem:s22], [sflag:$0x7], $0x80, s20, s21, $0xb8;
	[tilespmem:$0x1E100] =	vst v63  }
0xb3: {  	_ =	swait.ge [sflag:s26], $0x2800  }
0xb4: {  	[sflag:s26] =	ssyncset.done $0x0  }
0xb5: {  	[sflag:s26] =	ssyncadd.s32 $0xFFFFD800  }
0xb6: {  	[bflag:$0x0] =	sbarrier.arrive $0xFFFF  }
0xb7: {  	s16 =	rddreg [dreg:$0xb]  }
0xb8: {  	[hbm:s16], [sflag:s11] =	dma.local [spmem:s12], $0x2800  }
0xb9: {  	_ =	swait.ge [sflag:s19], $0x2800  }
0xba: {  	s10 =	sadd.s32 $0x1, s10;
	s17 =	rddreg [dreg:$0xc]  }
0xbb: {  	p0 =	sne.s32 s10, s17  }
.Ltmp1:
0xbc: {  	_ = 	snop;
	(pc) =	sbr.rel @p0 .LBB2_1-.Ltmp1, $3  }
0xbd: {  	_ =	sdelay $0x1  }
0xbe: {  	[sflag:s19] =	ssyncset.done $0x0  }
0xbf: {  	[sflag:s19] =	ssyncadd.s32 $0xFFFFD800  }
0xc0: {  	_ =	sfence.sel $0x180000  }
0xc1: {  	[bflag:$0x0] =	sbarrier.arrive $0xFFFF  }
0xc2: {  	_ =	strace $0x90000050  }
0xc3: {  	s0 =	stileid.u32;
	[bflag:$0x2] =	sbarrier.arrive $0xFFFF  }
0xc4: {  	p0 =	sne.s32 s0, $0x0;
	s0 =	rddreg [dreg:$0x3]  }
0xc5: {  	s0 =	sadd.s32 @!p0 $0x100000, s0  }
0xc6: {  	[sflag:s0] =	ssyncadd.tile.s32 @!p0 $0x1;
	_ =	shalt  }
.Lfunc_end2:
_tile_overlayer_lowered:
.L_overlay_start_2:
0xc7: {  	(tag) =	ssettag $0x2  }
0xc8: {  	s0 =	rddreg [dreg:$0x0];
	s2 =	stileid.u32  }
0xc9: {  	s1 =	rddreg [dreg:$0x1];
	p0 =	sne.s32 s2, $0x0  }
0xca: {  	s3 =	rddreg [dreg:$0x2];
	[bflag:$0x3] =	sbarrier.arrive $0xFFFF;
	s2 =	simm.s32 @!p0 $0x1C0A  }
0xcb: {  	[timem:s3], [sflag:s2] =	dma.local @!p0 [hbm:s0], s1  }
0xcc: {  	s0 =	simm.s32 @!p0 $0xA  }
0xcd: {  	_ =	swait.ge @!p0 [sflag:s0], s1  }
0xce: {  	s1 =	ssub.s32 @!p0 $0x0, s1;
	[sflag:s0] =	ssyncset.done @!p0 $0x0  }
0xcf: {  	[sflag:s0] =	ssyncadd.s32 @!p0 s1  }
0xd0: {  	[bflag:$0x3] =	sbarrier.arrive $0xFFFF  }
0xd1: {  	_ =	shalt  }

</sc_bundles>
